<compile_context>
chip_gen: v7x
topology: tpu7x:2x2x1
jax: 0.10.2.dev20260603
libtpu: 0.0.44.dev20260713+nightly
codegen_flags: <defaults>
</compile_context>

<pallas_src>
import jax
import jax.numpy as jnp
from jax import lax
from jax.experimental import pallas as pl
from jax.experimental.pallas import tpu as pltpu
from jax.experimental.pallas import tpu_sc as plsc

NC = 2
NS = 16
NW = NC * NS
L = 16
W = 512
QCOLS = 1953
BASE_SLABS = QCOLS // NW
EXTRA = QCOLS - BASE_SLABS * NW
TAIL_LO = 7812 * 128
SENTINEL = 2147483647
JBITS = 16384


def _i16(x):
    return jnp.full((L,), x, jnp.int32)


def _k1(ids_hbm, tokT_hbm, stage_hbm, ids_v, ma, hp, slab0, slab1,
        blk0, blk1, cnt_s, ss0, ss1, sb0, sb1):
    d = tokT_hbm.shape[0]
    slabs = (slab0, slab1)
    blks = (blk0, blk1)
    ssems = (ss0, ss1)
    bsems = (sb0, sb1)

    wid = lax.axis_index("s") * NC + lax.axis_index("c")
    cnt_s[1] = 0
    cnt_s[2] = 0
    nslabs = BASE_SLABS + jnp.where(wid < EXTRA, 1, 0)
    tok_lo = (wid * BASE_SLABS + jnp.minimum(wid, EXTRA)) * W
    iota = lax.iota(jnp.int32, L)

    def slab_src(s):
        off = pl.multiple_of(tok_lo + s * W, 128)
        return tokT_hbm.at[:, pl.ds(off, W)]

    pltpu.async_copy(slab_src(0), slab0, ss0)
    pltpu.async_copy(slab_src(1), slab1, ss1)
    pltpu.sync_copy(ids_hbm, ids_v)

    hi_v = _i16(tok_lo + nslabs * W)
    lo_v = _i16(tok_lo)

    def match(i, cnt):
        for b in range(4):
            t = ids_v[b, pl.ds(i * L, L)]
            m = (t >= lo_v) & (t < hi_v)
            mi = m.astype(jnp.int32)
            pos = cnt + plsc.cumsum(mi) - mi
            j = _i16(b * 4096 + 0) + _i16(i * L) + iota
            plsc.store_scatter(
                ma, [pos], (t - lo_v) * JBITS + j, mask=m)
            cnt = cnt + plsc.all_reduce_population_count(m)
        return cnt

    cnt = lax.fori_loop(0, 256, match, _i16(0), unroll=False)
    plsc.store_scatter(ma, [cnt + iota], _i16(SENTINEL))
    cnt_scalar = jnp.max(cnt)
    mtrips = (cnt_scalar + (L - 1)) // L
    dump_base = _i16(16384 + wid * L) + iota

    def outer(i, _):
        for u in range(2):
            s = i * 2 + u
            slab_v = slabs[u]

            @pl.when(s < nslabs)
            def _process():
                pltpu.make_async_copy(slab_src(0), slab_v, ssems[u]).wait()
                cnt_s[0] = 0

                def rescan(k, _):
                    v = ma[pl.ds(k * L, L)] - _i16(s * W * JBITS)
                    m = (v >= 0) & (v < W * JBITS)
                    mi = m.astype(jnp.int32)
                    pos = _i16(cnt_s[0]) + plsc.cumsum(mi) - mi
                    plsc.store_scatter(hp, [pos], v, mask=m)
                    cnt_s[0] = cnt_s[0] + jnp.max(
                        plsc.all_reduce_population_count(m))
                    return 0

                lax.fori_loop(0, mtrips, rescan, 0, unroll=False)
                hn = cnt_s[0]

                def ext(k, _):
                    for ub in range(2):
                        g = k * 2 + ub

                        @pl.when(g * L < hn)
                        def _group():
                            hv = hp[pl.ds(g * L, L)]
                            cvec = jnp.clip(hv // JBITS, 0, W - 1)
                            jvec = hv - (hv // JBITS) * JBITS
                            valid = iota < _i16(hn - g * L)
                            jpad = jnp.where(valid, jvec, dump_base)

                            @pl.when(cnt_s[1 + ub] == 1)
                            def _drain():
                                pltpu.make_async_copy(
                                    blks[ub], stage_hbm.at[dump_base],
                                    bsems[ub]).wait()

                            def fill(f, _):
                                v = plsc.load_gather(
                                    slab_v, [_i16(f), cvec])
                                plsc.store_scatter(
                                    blks[ub], [iota, _i16(f)], v)
                                return 0

                            lax.fori_loop(0, d, fill, 0, unroll=4)
                            pltpu.async_copy(
                                blks[ub], stage_hbm.at[jpad], bsems[ub])
                            cnt_s[1 + ub] = 1
                    return 0

                lax.fori_loop(0, (hn + 2 * L - 1) // (2 * L), ext, 0,
                              unroll=False)

                @pl.when(s + 2 < nslabs)
                def _issue():
                    pltpu.async_copy(slab_src(s + 2), slab_v, ssems[u])
        return 0

    lax.fori_loop(0, (BASE_SLABS + 3) // 2, outer, 0, unroll=False)

    for ub in range(2):
        @pl.when(cnt_s[1 + ub] == 1)
        def _final_drain():
            pltpu.make_async_copy(
                blks[ub], stage_hbm.at[dump_base], bsems[ub]).wait()


def _k2(stage_hbm, posT_hbm, outT_hbm, sb0, sb1, posv, accT, t0, t1, tp):
    d = posT_hbm.shape[0]
    seq_len = posT_hbm.shape[1]
    sbufs = (sb0, sb1)
    tsems = (t0, t1)

    wid = lax.axis_index("s") * NC + lax.axis_index("c")
    base = pl.multiple_of(wid * 512, 128)
    sbase = pl.multiple_of(lax.rem(wid * 512, seq_len), 128)
    iota = lax.iota(jnp.int32, L)

    pltpu.async_copy(stage_hbm.at[pl.ds(base, 256), :], sb0, t0)
    pltpu.async_copy(
        stage_hbm.at[pl.ds(pl.multiple_of(base + 256, 128), 256), :], sb1, t1)
    pltpu.async_copy(posT_hbm.at[:, pl.ds(sbase, 512)], posv, tp)
    pltpu.make_async_copy(posT_hbm.at[:, pl.ds(0, 512)], posv, tp).wait()

    for h in range(2):
        pltpu.make_async_copy(
            stage_hbm.at[pl.ds(0, 256), :], sbufs[h], tsems[h]).wait()

        def jc_loop(jc, _):
            rows = _i16(jc * L) + iota

            def f_loop(f, _):
                g = plsc.load_gather(sbufs[h], [rows, _i16(f)])
                accT[f, pl.ds(jc * L, L)] = (
                    g + posv[f, pl.ds(h * 256 + jc * L, L)])
                return 0

            lax.fori_loop(0, d, f_loop, 0, unroll=4)
            return 0

        lax.fori_loop(0, 256 // L, jc_loop, 0, unroll=False)
        pltpu.sync_copy(
            accT,
            outT_hbm.at[:, pl.ds(pl.multiple_of(base + h * 256, 128), 256)])


def kernel(token_ids, tok_table, pos_table):
    b, s = token_ids.shape
    v, d = tok_table.shape
    n = b * s
    ids = token_ids.astype(jnp.int32)

    tokT = tok_table.T
    posT = pos_table.T

    mesh = plsc.VectorSubcoreMesh(core_axis_name="c", subcore_axis_name="s")
    nstage = n + NW * L

    k1 = pl.kernel(
        _k1,
        compiler_params=pltpu.CompilerParams(needs_layout_passes=False),
        out_type=jax.ShapeDtypeStruct((nstage, 2 * d), jnp.float32),
        mesh=mesh,
        scratch_types=[
            pltpu.VMEM((b, s), jnp.int32),
            pltpu.VMEM((n + L,), jnp.int32),
            pltpu.VMEM((n + L,), jnp.int32),
            pltpu.VMEM((d, W), jnp.float32),
            pltpu.VMEM((d, W), jnp.float32),
            pltpu.VMEM((L, 2 * d), jnp.float32),
            pltpu.VMEM((L, 2 * d), jnp.float32),
            pltpu.SMEM((8,), jnp.int32),
            pltpu.SemaphoreType.DMA,
            pltpu.SemaphoreType.DMA,
            pltpu.SemaphoreType.DMA,
            pltpu.SemaphoreType.DMA,
        ],
    )
    stage = k1(ids, tokT)

    k2 = pl.kernel(
        _k2,
        compiler_params=pltpu.CompilerParams(needs_layout_passes=False),
        out_type=jax.ShapeDtypeStruct((d, n), jnp.float32),
        mesh=mesh,
        scratch_types=[
            pltpu.VMEM((256, 2 * d), jnp.float32),
            pltpu.VMEM((256, 2 * d), jnp.float32),
            pltpu.VMEM((d, 512), jnp.float32),
            pltpu.VMEM((d, 256), jnp.float32),
            pltpu.SemaphoreType.DMA,
            pltpu.SemaphoreType.DMA,
            pltpu.SemaphoreType.DMA,
        ],
    )
    outT = k2(stage, posT)
    out = outT.T.reshape(b, s, d)

    tail_mask = ids >= TAIL_LO
    sub = tok_table[TAIL_LO:]
    tail_ids = jnp.where(tail_mask, ids - TAIL_LO, 0)
    onehot = (tail_ids[..., None] == jnp.arange(v - TAIL_LO)).astype(
        jnp.float32)
    tail_emb = onehot @ sub + pos_table[None, :, :]
    return jnp.where(tail_mask[..., None], tail_emb, out)

# --- scband reference (transcript-rebuilt; emitter-appended) ---
"""Pipeline reference for scband-transformer-embedding-28681791603404 (READ-ONLY COPY).

The authoritative reference and input builder live on the scoring server;
editing this copy changes nothing except your own understanding.
"""

import jax, jax.numpy as jnp
import numpy as np

VOCAB = 1000000
D_MODEL = 64
MAX_SEQ_LEN = 4096
BATCH = 4
SEQ_LEN = 4096


def setup_inputs(seed: int = 0) -> dict:
    key = jax.random.key(seed)
    k1, k2, k3 = jax.random.split(key, 3)
    token_ids = jax.random.randint(k1, (BATCH, SEQ_LEN), 0, VOCAB, dtype=jnp.int64 if jax.config.jax_enable_x64 else jnp.int32)
    tok_table = jax.random.normal(k2, (VOCAB, D_MODEL), dtype=jnp.float32) * 0.02
    pos_table = jax.random.normal(k3, (MAX_SEQ_LEN, D_MODEL), dtype=jnp.float32) * 0.02
    return {"token_ids": token_ids, "tok_table": tok_table, "pos_table": pos_table}


def reference(token_ids, tok_table, pos_table):
    # TokenEmbedding: gather rows of the vocab table
    tok_emb = jnp.take(tok_table, token_ids, axis=0)  # (B, S, D)
    # PositionalEmbedding: first seq_len rows, broadcast over batch
    seq_len = token_ids.shape[1]
    positions = jnp.arange(seq_len)
    pos_emb = jnp.take(pos_table, positions, axis=0)  # (S, D)
    x = tok_emb + pos_emb[None, :, :]
    # Dropout is identity in eval mode
    return x

if __name__ == "__main__":
    import jax
    _d = setup_inputs()
    print(jax.jit(kernel)(*tuple(_d.values())))

</pallas_src>

<mosaic_0001>
#map = affine_map<(d0, d1) -> (0, 0)>
module attributes {stable_mosaic.version = 14 : i64} {
  func.func @_k1(%arg0: i32, %arg1: i32, %arg2: memref<4x4096xi32, #tpu.memory_space<hbm>>, %arg3: memref<64x1000000xf32, #tpu.memory_space<hbm>>, %arg4: memref<16896x128xf32, #tpu.memory_space<hbm>>, %arg5: memref<4x4096xi32, #tpu.memory_space<vmem>>, %arg6: memref<16400xi32, #tpu.memory_space<vmem>>, %arg7: memref<16400xi32, #tpu.memory_space<vmem>>, %arg8: memref<64x512xf32, #tpu.memory_space<vmem>>, %arg9: memref<64x512xf32, #tpu.memory_space<vmem>>, %arg10: memref<16x128xf32, #tpu.memory_space<vmem>>, %arg11: memref<16x128xf32, #tpu.memory_space<vmem>>, %arg12: memref<8xi32, #tpu.memory_space<smem>>, %arg13: memref<!tpu.dma_semaphore, #tpu.memory_space<semaphore_mem>>, %arg14: memref<!tpu.dma_semaphore, #tpu.memory_space<semaphore_mem>>, %arg15: memref<!tpu.dma_semaphore, #tpu.memory_space<semaphore_mem>>, %arg16: memref<!tpu.dma_semaphore, #tpu.memory_space<semaphore_mem>>) attributes {dimension_semantics = [#tpu.dimension_semantics<core_parallel>, #tpu.dimension_semantics<subcore_parallel>], iteration_bounds = array<i64: 2, 16>, scalar_prefetch = 0 : i64, scratch_operands = 12 : i64, tpu.core_type = #tpu.core_type<sc_vector_subcore>, window_params = [{transform_indices = #map}, {transform_indices = #map}, {transform_indices = #map}]} {
    %mul3A = arith.constant 2 : i32
    %mul3A_0 = arith.muli %arg1, %mul3A : i32
    %add3A = arith.addi %mul3A_0, %arg0 : i32
    %swap3A = arith.constant 0 : i32
    %swap3A_1 = arith.constant 1 : i32
    %swap3A_2 = arith.index_cast %swap3A_1 : i32 to index
    %swap3A_3 = memref.load %arg12[%swap3A_2] : memref<8xi32, #tpu.memory_space<smem>>
    memref.store %swap3A, %arg12[%swap3A_2] : memref<8xi32, #tpu.memory_space<smem>>
    %swap3A_4 = arith.constant 0 : i32
    %swap3A_5 = arith.constant 2 : i32
    %swap3A_6 = arith.index_cast %swap3A_5 : i32 to index
    %swap3A_7 = memref.load %arg12[%swap3A_6] : memref<8xi32, #tpu.memory_space<smem>>
    memref.store %swap3A_4, %arg12[%swap3A_6] : memref<8xi32, #tpu.memory_space<smem>>
    %lt3A = arith.constant 1 : i32
    %lt3A_8 = arith.cmpi slt, %add3A, %lt3A : i32
    %jit3A = arith.constant 1 : i32
    %jit3A_9 = arith.constant 0 : i32
    %select_n3A = arith.select %lt3A_8, %jit3A, %jit3A_9 : i32
    %add3A_10 = arith.constant 61 : i32
    %add3A_11 = arith.addi %add3A_10, %select_n3A : i32
    %mul3A_12 = arith.constant 61 : i32
    %mul3A_13 = arith.muli %add3A, %mul3A_12 : i32
    %min3A = arith.constant 1 : i32
    %min3A_14 = arith.minsi %add3A, %min3A : i32
    %add3A_15 = arith.addi %mul3A_13, %min3A_14 : i32
    %mul3A_16 = arith.constant 512 : i32
    %mul3A_17 = arith.muli %add3A_15, %mul3A_16 : i32
    %iota3A = tpu.iota {dimensions = array<i32: 0>} : vector<16xi32>
    %add3A_18 = arith.constant 0 : i32
    %add3A_19 = arith.addi %mul3A_17, %add3A_18 : i32
    %multiple_of3A = tpu.assume_multiple %add3A_19, 128 : i32
    %dma_start3A = arith.constant 0 : i32
    %dma_start3A_20 = tpu.memref_slice %arg3[%dma_start3A, %multiple_of3A] : memref<64x1000000xf32, #tpu.memory_space<hbm>> -> memref<64x512xf32, #tpu.memory_space<hbm>>
    %dma_start3A_21 = arith.constant 0 : i32
    %dma_start3A_22 = tpu.memref_slice %arg3[%dma_start3A_21, %multiple_of3A] : memref<64x1000000xf32, #tpu.memory_space<hbm>> -> memref<64x512xf32, #tpu.memory_space<hbm>>
    tpu.enqueue_dma source(%dma_start3A_22 : memref<64x512xf32, #tpu.memory_space<hbm>>) target(%arg8 : memref<64x512xf32, #tpu.memory_space<vmem>>) target_semaphore(%arg13 : memref<!tpu.dma_semaphore, #tpu.memory_space<semaphore_mem>>)
    %add3A_23 = arith.constant 512 : i32
    %add3A_24 = arith.addi %mul3A_17, %add3A_23 : i32
    %multiple_of3A_25 = tpu.assume_multiple %add3A_24, 128 : i32
    %dma_start3A_26 = arith.constant 0 : i32
    %dma_start3A_27 = tpu.memref_slice %arg3[%dma_start3A_26, %multiple_of3A_25] : memref<64x1000000xf32, #tpu.memory_space<hbm>> -> memref<64x512xf32, #tpu.memory_space<hbm>>
    %dma_start3A_28 = arith.constant 0 : i32
    %dma_start3A_29 = tpu.memref_slice %arg3[%dma_start3A_28, %multiple_of3A_25] : memref<64x1000000xf32, #tpu.memory_space<hbm>> -> memref<64x512xf32, #tpu.memory_space<hbm>>
    tpu.enqueue_dma source(%dma_start3A_29 : memref<64x512xf32, #tpu.memory_space<hbm>>) target(%arg9 : memref<64x512xf32, #tpu.memory_space<vmem>>) target_semaphore(%arg14 : memref<!tpu.dma_semaphore, #tpu.memory_space<semaphore_mem>>)
    "tpu.region"() ({
      %run_scoped3A = tpu.sem_alloc : memref<!tpu.dma_semaphore, #tpu.memory_space<semaphore_mem>>
      tpu.enqueue_dma source(%arg2 : memref<4x4096xi32, #tpu.memory_space<hbm>>) target(%arg5 : memref<4x4096xi32, #tpu.memory_space<vmem>>) target_semaphore(%run_scoped3A : memref<!tpu.dma_semaphore, #tpu.memory_space<semaphore_mem>>)
      tpu.wait_dma2 semaphore(%run_scoped3A : memref<!tpu.dma_semaphore, #tpu.memory_space<semaphore_mem>>) src(%arg2 : memref<4x4096xi32, #tpu.memory_space<hbm>>) dst(%arg5 : memref<4x4096xi32, #tpu.memory_space<vmem>>)
      tpu.yield
    }) : () -> ()
    %mul3A_30 = arith.constant 512 : i32
    %mul3A_31 = arith.muli %add3A_11, %mul3A_30 : i32
    %add3A_32 = arith.addi %mul3A_17, %mul3A_31 : i32
    %broadcast_in_dim3A = vector.broadcast %add3A_32 : i32 to vector<16xi32>
    %broadcast_in_dim3A_33 = vector.broadcast %mul3A_17 : i32 to vector<16xi32>
    %broadcast_in_dim3A_34 = arith.constant 0 : i32
    %broadcast_in_dim3A_35 = vector.broadcast %broadcast_in_dim3A_34 : i32 to vector<16xi32>
    %scan3A = arith.constant 0 : i32
    %scan3A_36 = arith.constant 256 : i32
    %scan3A_37 = arith.addi %scan3A, %scan3A_36 : i32
    %scan3A_38 = arith.constant 1 : i32
    %scan3A_39 = scf.for %scan3A_96 = %scan3A to %scan3A_37 step %scan3A_38 iter_args(%scan3A_97 = %broadcast_in_dim3A_35) -> (vector<16xi32>)  : i32 {
      %mul3A_98 = arith.constant 16 : i32
      %mul3A_99 = arith.muli %scan3A_96, %mul3A_98 : i32
      %get3A_100 = arith.constant 0 : i32
      %get3A_101 = arith.index_cast %get3A_100 : i32 to index
      %get3A_102 = arith.index_cast %mul3A_99 : i32 to index
      %get3A_103 = tpu.vector_load %arg5[%get3A_101, %get3A_102] {strides = array<i32>} : memref<4x4096xi32, #tpu.memory_space<vmem>>, vector<16xi32>,
      %ge3A = arith.cmpi sge, %get3A_103, %broadcast_in_dim3A_33 : vector<16xi32>
      %lt3A_104 = arith.cmpi slt, %get3A_103, %broadcast_in_dim3A : vector<16xi32>
      %and3A_105 = arith.andi %ge3A, %lt3A_104 : vector<16xi1>
      %convert_element_type3A_106 = arith.extui %and3A_105 : vector<16xi1> to vector<16xi32>
      %broadcast_in_dim3A_107 = arith.constant true
      %broadcast_in_dim3A_108 = vector.broadcast %broadcast_in_dim3A_107 : i1 to vector<16xi1>
      %masked_cumsum3A = tpu.scan <sum>, %convert_element_type3A_106 masked %broadcast_in_dim3A_108 : vector<16xi32>, vector<16xi1> -> vector<16xi32>
      %add3A_109 = arith.addi %scan3A_97, %masked_cumsum3A : vector<16xi32>
      %sub3A_110 = arith.subi %add3A_109, %convert_element_type3A_106 : vector<16xi32>
      %broadcast_in_dim3A_111 = arith.constant 0 : i32
      %broadcast_in_dim3A_112 = vector.broadcast %broadcast_in_dim3A_111 : i32 to vector<16xi32>
      %mul3A_113 = arith.constant 16 : i32
      %mul3A_114 = arith.muli %scan3A_96, %mul3A_113 : i32
      %broadcast_in_dim3A_115 = vector.broadcast %mul3A_114 : i32 to vector<16xi32>
      %add3A_116 = arith.addi %broadcast_in_dim3A_112, %broadcast_in_dim3A_115 : vector<16xi32>
      %add3A_117 = arith.addi %add3A_116, %iota3A : vector<16xi32>
      %sub3A_118 = arith.subi %get3A_103, %broadcast_in_dim3A_33 : vector<16xi32>
      %mul3A_119 = arith.constant 16384 : i32
      %mul3A_120 = vector.broadcast %mul3A_119 : i32 to vector<16xi32>
      %mul3A_121 = arith.muli %sub3A_118, %mul3A_120 : vector<16xi32>
      %add3A_122 = arith.addi %mul3A_121, %add3A_117 : vector<16xi32>
      tpu.vector_store_idx %arg6[%sub3A_110], %add3A_122 masked %and3A_105 : memref<16400xi32, #tpu.memory_space<vmem>>[vector<16xi32>], vector<16xi32>, vector<16xi1>
      %all_reduce_population_count3A = tpu.all_reduce %and3A_105 {dim = 0 : i64, kind = #tpu.reduction_kind<sum>} : vector<16xi1> -> vector<16xi32>
      %add3A_123 = arith.addi %scan3A_97, %all_reduce_population_count3A : vector<16xi32>
      %mul3A_124 = arith.constant 16 : i32
      %mul3A_125 = arith.muli %scan3A_96, %mul3A_124 : i32
      %get3A_126 = arith.constant 1 : i32
      %get3A_127 = arith.index_cast %get3A_126 : i32 to index
      %get3A_128 = arith.index_cast %mul3A_125 : i32 to index
      %get3A_129 = tpu.vector_load %arg5[%get3A_127, %get3A_128] {strides = array<i32>} : memref<4x4096xi32, #tpu.memory_space<vmem>>, vector<16xi32>,
      %ge3A_130 = arith.cmpi sge, %get3A_129, %broadcast_in_dim3A_33 : vector<16xi32>
      %lt3A_131 = arith.cmpi slt, %get3A_129, %broadcast_in_dim3A : vector<16xi32>
      %and3A_132 = arith.andi %ge3A_130, %lt3A_131 : vector<16xi1>
      %convert_element_type3A_133 = arith.extui %and3A_132 : vector<16xi1> to vector<16xi32>
      %broadcast_in_dim3A_134 = arith.constant true
      %broadcast_in_dim3A_135 = vector.broadcast %broadcast_in_dim3A_134 : i1 to vector<16xi1>
      %masked_cumsum3A_136 = tpu.scan <sum>, %convert_element_type3A_133 masked %broadcast_in_dim3A_135 : vector<16xi32>, vector<16xi1> -> vector<16xi32>
      %add3A_137 = arith.addi %add3A_123, %masked_cumsum3A_136 : vector<16xi32>
      %sub3A_138 = arith.subi %add3A_137, %convert_element_type3A_133 : vector<16xi32>
      %broadcast_in_dim3A_139 = arith.constant 4096 : i32
      %broadcast_in_dim3A_140 = vector.broadcast %broadcast_in_dim3A_139 : i32 to vector<16xi32>
      %mul3A_141 = arith.constant 16 : i32
      %mul3A_142 = arith.muli %scan3A_96, %mul3A_141 : i32
      %broadcast_in_dim3A_143 = vector.broadcast %mul3A_142 : i32 to vector<16xi32>
      %add3A_144 = arith.addi %broadcast_in_dim3A_140, %broadcast_in_dim3A_143 : vector<16xi32>
      %add3A_145 = arith.addi %add3A_144, %iota3A : vector<16xi32>
      %sub3A_146 = arith.subi %get3A_129, %broadcast_in_dim3A_33 : vector<16xi32>
      %mul3A_147 = arith.constant 16384 : i32
      %mul3A_148 = vector.broadcast %mul3A_147 : i32 to vector<16xi32>
      %mul3A_149 = arith.muli %sub3A_146, %mul3A_148 : vector<16xi32>
      %add3A_150 = arith.addi %mul3A_149, %add3A_145 : vector<16xi32>
      tpu.vector_store_idx %arg6[%sub3A_138], %add3A_150 masked %and3A_132 : memref<16400xi32, #tpu.memory_space<vmem>>[vector<16xi32>], vector<16xi32>, vector<16xi1>
      %all_reduce_population_count3A_151 = tpu.all_reduce %and3A_132 {dim = 0 : i64, kind = #tpu.reduction_kind<sum>} : vector<16xi1> -> vector<16xi32>
      %add3A_152 = arith.addi %add3A_123, %all_reduce_population_count3A_151 : vector<16xi32>
      %mul3A_153 = arith.constant 16 : i32
      %mul3A_154 = arith.muli %scan3A_96, %mul3A_153 : i32
      %get3A_155 = arith.constant 2 : i32
      %get3A_156 = arith.index_cast %get3A_155 : i32 to index
      %get3A_157 = arith.index_cast %mul3A_154 : i32 to index
      %get3A_158 = tpu.vector_load %arg5[%get3A_156, %get3A_157] {strides = array<i32>} : memref<4x4096xi32, #tpu.memory_space<vmem>>, vector<16xi32>,
      %ge3A_159 = arith.cmpi sge, %get3A_158, %broadcast_in_dim3A_33 : vector<16xi32>
      %lt3A_160 = arith.cmpi slt, %get3A_158, %broadcast_in_dim3A : vector<16xi32>
      %and3A_161 = arith.andi %ge3A_159, %lt3A_160 : vector<16xi1>
      %convert_element_type3A_162 = arith.extui %and3A_161 : vector<16xi1> to vector<16xi32>
      %broadcast_in_dim3A_163 = arith.constant true
      %broadcast_in_dim3A_164 = vector.broadcast %broadcast_in_dim3A_163 : i1 to vector<16xi1>
      %masked_cumsum3A_165 = tpu.scan <sum>, %convert_element_type3A_162 masked %broadcast_in_dim3A_164 : vector<16xi32>, vector<16xi1> -> vector<16xi32>
      %add3A_166 = arith.addi %add3A_152, %masked_cumsum3A_165 : vector<16xi32>
      %sub3A_167 = arith.subi %add3A_166, %convert_element_type3A_162 : vector<16xi32>
      %broadcast_in_dim3A_168 = arith.constant 8192 : i32
      %broadcast_in_dim3A_169 = vector.broadcast %broadcast_in_dim3A_168 : i32 to vector<16xi32>
      %mul3A_170 = arith.constant 16 : i32
      %mul3A_171 = arith.muli %scan3A_96, %mul3A_170 : i32
      %broadcast_in_dim3A_172 = vector.broadcast %mul3A_171 : i32 to vector<16xi32>
      %add3A_173 = arith.addi %broadcast_in_dim3A_169, %broadcast_in_dim3A_172 : vector<16xi32>
      %add3A_174 = arith.addi %add3A_173, %iota3A : vector<16xi32>
      %sub3A_175 = arith.subi %get3A_158, %broadcast_in_dim3A_33 : vector<16xi32>
      %mul3A_176 = arith.constant 16384 : i32
      %mul3A_177 = vector.broadcast %mul3A_176 : i32 to vector<16xi32>
      %mul3A_178 = arith.muli %sub3A_175, %mul3A_177 : vector<16xi32>
      %add3A_179 = arith.addi %mul3A_178, %add3A_174 : vector<16xi32>
      tpu.vector_store_idx %arg6[%sub3A_167], %add3A_179 masked %and3A_161 : memref<16400xi32, #tpu.memory_space<vmem>>[vector<16xi32>], vector<16xi32>, vector<16xi1>
      %all_reduce_population_count3A_180 = tpu.all_reduce %and3A_161 {dim = 0 : i64, kind = #tpu.reduction_kind<sum>} : vector<16xi1> -> vector<16xi32>
      %add3A_181 = arith.addi %add3A_152, %all_reduce_population_count3A_180 : vector<16xi32>
      %mul3A_182 = arith.constant 16 : i32
      %mul3A_183 = arith.muli %scan3A_96, %mul3A_182 : i32
      %get3A_184 = arith.constant 3 : i32
      %get3A_185 = arith.index_cast %get3A_184 : i32 to index
      %get3A_186 = arith.index_cast %mul3A_183 : i32 to index
      %get3A_187 = tpu.vector_load %arg5[%get3A_185, %get3A_186] {strides = array<i32>} : memref<4x4096xi32, #tpu.memory_space<vmem>>, vector<16xi32>,
      %ge3A_188 = arith.cmpi sge, %get3A_187, %broadcast_in_dim3A_33 : vector<16xi32>
      %lt3A_189 = arith.cmpi slt, %get3A_187, %broadcast_in_dim3A : vector<16xi32>
      %and3A_190 = arith.andi %ge3A_188, %lt3A_189 : vector<16xi1>
      %convert_element_type3A_191 = arith.extui %and3A_190 : vector<16xi1> to vector<16xi32>
      %broadcast_in_dim3A_192 = arith.constant true
      %broadcast_in_dim3A_193 = vector.broadcast %broadcast_in_dim3A_192 : i1 to vector<16xi1>
      %masked_cumsum3A_194 = tpu.scan <sum>, %convert_element_type3A_191 masked %broadcast_in_dim3A_193 : vector<16xi32>, vector<16xi1> -> vector<16xi32>
      %add3A_195 = arith.addi %add3A_181, %masked_cumsum3A_194 : vector<16xi32>
      %sub3A_196 = arith.subi %add3A_195, %convert_element_type3A_191 : vector<16xi32>
      %broadcast_in_dim3A_197 = arith.constant 12288 : i32
      %broadcast_in_dim3A_198 = vector.broadcast %broadcast_in_dim3A_197 : i32 to vector<16xi32>
      %mul3A_199 = arith.constant 16 : i32
      %mul3A_200 = arith.muli %scan3A_96, %mul3A_199 : i32
      %broadcast_in_dim3A_201 = vector.broadcast %mul3A_200 : i32 to vector<16xi32>
      %add3A_202 = arith.addi %broadcast_in_dim3A_198, %broadcast_in_dim3A_201 : vector<16xi32>
      %add3A_203 = arith.addi %add3A_202, %iota3A : vector<16xi32>
      %sub3A_204 = arith.subi %get3A_187, %broadcast_in_dim3A_33 : vector<16xi32>
      %mul3A_205 = arith.constant 16384 : i32
      %mul3A_206 = vector.broadcast %mul3A_205 : i32 to vector<16xi32>
      %mul3A_207 = arith.muli %sub3A_204, %mul3A_206 : vector<16xi32>
      %add3A_208 = arith.addi %mul3A_207, %add3A_203 : vector<16xi32>
      tpu.vector_store_idx %arg6[%sub3A_196], %add3A_208 masked %and3A_190 : memref<16400xi32, #tpu.memory_space<vmem>>[vector<16xi32>], vector<16xi32>, vector<16xi1>
      %all_reduce_population_count3A_209 = tpu.all_reduce %and3A_190 {dim = 0 : i64, kind = #tpu.reduction_kind<sum>} : vector<16xi1> -> vector<16xi32>
      %add3A_210 = arith.addi %add3A_181, %all_reduce_population_count3A_209 : vector<16xi32>
      scf.yield %add3A_210 : vector<16xi32>
    }
    %scan3A_40 = arith.constant 256 : i32
    %add3A_41 = arith.addi %scan3A_39, %iota3A : vector<16xi32>
    %broadcast_in_dim3A_42 = arith.constant 2147483647 : i32
    %broadcast_in_dim3A_43 = vector.broadcast %broadcast_in_dim3A_42 : i32 to vector<16xi32>
    tpu.vector_store_idx %arg6[%add3A_41], %broadcast_in_dim3A_43 : memref<16400xi32, #tpu.memory_space<vmem>>[vector<16xi32>], vector<16xi32>,
    %reduce_max3A = arith.constant true
    %reduce_max3A_44 = vector.broadcast %reduce_max3A : i1 to vector<16xi1>
    %reduce_max3A_45 = arith.constant -2147483648 : i32
    %reduce_max3A_46 = vector.broadcast %reduce_max3A_45 : i32 to vector<16xi32>
    %reduce_max3A_47 = arith.xori %scan3A_39, %reduce_max3A_46 : vector<16xi32>
    %reduce_max3A_48 = tpu.scan <max>, %reduce_max3A_47 masked %reduce_max3A_44 : vector<16xi32>, vector<16xi1> -> vector<16xi32>
    %reduce_max3A_49 = arith.xori %reduce_max3A_48, %reduce_max3A_46 : vector<16xi32>
    %reduce_max3A_50 = vector.extract %reduce_max3A_49[15] : i32 from vector<16xi32>
    %add3A_51 = arith.constant 15 : i32
    %add3A_52 = arith.addi %reduce_max3A_50, %add3A_51 : i32
    %jit3A_53 = arith.constant 16 : i32
    %div3A = arith.divsi %add3A_52, %jit3A_53 : i32
    %sign3A = arith.constant 0 : i32
    %sign3A_54 = arith.cmpi sgt, %add3A_52, %sign3A : i32
    %sign3A_55 = arith.extui %sign3A_54 : i1 to i32
    %sign3A_56 = arith.constant 0 : i32
    %sign3A_57 = arith.cmpi slt, %add3A_52, %sign3A_56 : i32
    %sign3A_58 = arith.extui %sign3A_57 : i1 to i32
    %sign3A_59 = arith.subi %sign3A_55, %sign3A_58 : i32
    %sign3A_60 = arith.constant 0 : i32
    %sign3A_61 = arith.cmpi sgt, %jit3A_53, %sign3A_60 : i32
    %sign3A_62 = arith.extui %sign3A_61 : i1 to i32
    %sign3A_63 = arith.constant 0 : i32
    %sign3A_64 = arith.cmpi slt, %jit3A_53, %sign3A_63 : i32
    %sign3A_65 = arith.extui %sign3A_64 : i1 to i32
    %sign3A_66 = arith.subi %sign3A_62, %sign3A_65 : i32
    %ne3A = arith.cmpi ne, %sign3A_59, %sign3A_66 : i32
    %rem3A = arith.remsi %add3A_52, %jit3A_53 : i32
    %ne3A_67 = arith.constant 0 : i32
    %ne3A_68 = arith.cmpi ne, %rem3A, %ne3A_67 : i32
    %and3A = arith.andi %ne3A, %ne3A_68 : i1
    %sub3A = arith.constant 1 : i32
    %sub3A_69 = arith.subi %div3A, %sub3A : i32
    %select_n3A_70 = arith.select %and3A, %sub3A_69, %div3A : i32
    %mul3A_71 = arith.constant 16 : i32
    %mul3A_72 = arith.muli %add3A, %mul3A_71 : i32
    %add3A_73 = arith.constant 16384 : i32
    %add3A_74 = arith.addi %add3A_73, %mul3A_72 : i32
    %broadcast_in_dim3A_75 = vector.broadcast %add3A_74 : i32 to vector<16xi32>
    %add3A_76 = arith.addi %broadcast_in_dim3A_75, %iota3A : vector<16xi32>
    %scan3A_77 = arith.constant 0 : i32
    %scan3A_78 = arith.constant 0 : i32
    %scan3A_79 = arith.constant 32 : i32
    %scan3A_80 = arith.addi %scan3A_78, %scan3A_79 : i32
    %scan3A_81 = arith.constant 1 : i32
    %scan3A_82 = scf.for %scan3A_96 = %scan3A_78 to %scan3A_80 step %scan3A_81 iter_args(%scan3A_97 = %scan3A_77) -> (i32)  : i32 {
      %mul3A_98 = arith.constant 2 : i32
      %mul3A_99 = arith.muli %scan3A_96, %mul3A_98 : i32
      %add3A_100 = arith.constant 0 : i32
      %add3A_101 = arith.addi %mul3A_99, %add3A_100 : i32
      %lt3A_102 = arith.cmpi slt, %add3A_101, %add3A_11 : i32
      %convert_element_type3A_103 = arith.extui %lt3A_102 : i1 to i32
      %cond3A_104 = arith.constant 0 : i32
      %cond3A_105 = arith.cmpi ne, %convert_element_type3A_103, %cond3A_104 : i32
      scf.if %cond3A_105 {
        %add3A_115 = arith.constant 0 : i32
        %add3A_116 = arith.addi %mul3A_17, %add3A_115 : i32
        %multiple_of3A_117 = tpu.assume_multiple %add3A_116, 128 : i32
        %dma_wait3A = arith.constant 0 : i32
        %dma_wait3A_118 = tpu.memref_slice %arg3[%dma_wait3A, %multiple_of3A_117] : memref<64x1000000xf32, #tpu.memory_space<hbm>> -> memref<64x512xf32, #tpu.memory_space<hbm>>
        %dma_wait3A_119 = arith.constant 0 : i32
        %dma_wait3A_120 = tpu.memref_slice %arg3[%dma_wait3A_119, %multiple_of3A_117] : memref<64x1000000xf32, #tpu.memory_space<hbm>> -> memref<64x512xf32, #tpu.memory_space<hbm>>
        tpu.wait_dma2 semaphore(%arg13 : memref<!tpu.dma_semaphore, #tpu.memory_space<semaphore_mem>>) src(%dma_wait3A_120 : memref<64x512xf32, #tpu.memory_space<hbm>>) dst(%arg8 : memref<64x512xf32, #tpu.memory_space<vmem>>)
        %swap3A_121 = arith.constant 0 : i32
        %swap3A_122 = arith.constant 0 : i32
        %swap3A_123 = arith.index_cast %swap3A_122 : i32 to index
        %swap3A_124 = memref.load %arg12[%swap3A_123] : memref<8xi32, #tpu.memory_space<smem>>
        memref.store %swap3A_121, %arg12[%swap3A_123] : memref<8xi32, #tpu.memory_space<smem>>
        %while3A = arith.constant 0 : i32
        %while3A_125 = arith.constant 0 : i32
        %while3A_126 = arith.subi %select_n3A_70, %while3A : i32
        %while3A_127 = arith.addi %while3A, %while3A_126 : i32
        %while3A_128 = arith.constant 1 : i32
        %while3A_129 = arith.divsi %while3A_126, %while3A_128 : i32
        %while3A_130 = arith.muli %while3A_129, %while3A_128 : i32
        %while3A_131 = arith.addi %while3A, %while3A_130 : i32
        %while3A_132 = arith.constant 1 : i32
        %while3A_133 = scf.for %while3A_185 = %while3A to %while3A_131 step %while3A_132 iter_args(%while3A_186 = %while3A_125) -> (i32)  : i32 {
          %mul3A_187 = arith.constant 16 : i32
          %mul3A_188 = arith.muli %while3A_185, %mul3A_187 : i32
          %get3A_189 = arith.index_cast %mul3A_188 : i32 to index
          %get3A_190 = tpu.vector_load %arg6[%get3A_189] {strides = array<i32>} : memref<16400xi32, #tpu.memory_space<vmem>>, vector<16xi32>,
          %mul3A_191 = arith.constant 512 : i32
          %mul3A_192 = arith.muli %add3A_101, %mul3A_191 : i32
          %mul3A_193 = arith.constant 16384 : i32
          %mul3A_194 = arith.muli %mul3A_192, %mul3A_193 : i32
          %broadcast_in_dim3A_195 = vector.broadcast %mul3A_194 : i32 to vector<16xi32>
          %sub3A_196 = arith.subi %get3A_190, %broadcast_in_dim3A_195 : vector<16xi32>
          %ge3A = arith.constant 0 : i32
          %ge3A_197 = vector.broadcast %ge3A : i32 to vector<16xi32>
          %ge3A_198 = arith.cmpi sge, %sub3A_196, %ge3A_197 : vector<16xi32>
          %lt3A_199 = arith.constant 8388608 : i32
          %lt3A_200 = vector.broadcast %lt3A_199 : i32 to vector<16xi32>
          %lt3A_201 = arith.cmpi slt, %sub3A_196, %lt3A_200 : vector<16xi32>
          %and3A_202 = arith.andi %ge3A_198, %lt3A_201 : vector<16xi1>
          %convert_element_type3A_203 = arith.extui %and3A_202 : vector<16xi1> to vector<16xi32>
          %get3A_204 = arith.constant 0 : i32
          %get3A_205 = arith.index_cast %get3A_204 : i32 to index
          %get3A_206 = memref.load %arg12[%get3A_205] : memref<8xi32, #tpu.memory_space<smem>>
          %broadcast_in_dim3A_207 = vector.broadcast %get3A_206 : i32 to vector<16xi32>
          %broadcast_in_dim3A_208 = arith.constant true
          %broadcast_in_dim3A_209 = vector.broadcast %broadcast_in_dim3A_208 : i1 to vector<16xi1>
          %masked_cumsum3A = tpu.scan <sum>, %convert_element_type3A_203 masked %broadcast_in_dim3A_209 : vector<16xi32>, vector<16xi1> -> vector<16xi32>
          %add3A_210 = arith.addi %broadcast_in_dim3A_207, %masked_cumsum3A : vector<16xi32>
          %sub3A_211 = arith.subi %add3A_210, %convert_element_type3A_203 : vector<16xi32>
          tpu.vector_store_idx %arg7[%sub3A_211], %sub3A_196 masked %and3A_202 : memref<16400xi32, #tpu.memory_space<vmem>>[vector<16xi32>], vector<16xi32>, vector<16xi1>
          %get3A_212 = arith.constant 0 : i32
          %get3A_213 = arith.index_cast %get3A_212 : i32 to index
          %get3A_214 = memref.load %arg12[%get3A_213] : memref<8xi32, #tpu.memory_space<smem>>
          %all_reduce_population_count3A = tpu.all_reduce %and3A_202 {dim = 0 : i64, kind = #tpu.reduction_kind<sum>} : vector<16xi1> -> vector<16xi32>
          %reduce_max3A_215 = arith.constant true
          %reduce_max3A_216 = vector.broadcast %reduce_max3A_215 : i1 to vector<16xi1>
          %reduce_max3A_217 = arith.constant -2147483648 : i32
          %reduce_max3A_218 = vector.broadcast %reduce_max3A_217 : i32 to vector<16xi32>
          %reduce_max3A_219 = arith.xori %all_reduce_population_count3A, %reduce_max3A_218 : vector<16xi32>
          %reduce_max3A_220 = tpu.scan <max>, %reduce_max3A_219 masked %reduce_max3A_216 : vector<16xi32>, vector<16xi1> -> vector<16xi32>
          %reduce_max3A_221 = arith.xori %reduce_max3A_220, %reduce_max3A_218 : vector<16xi32>
          %reduce_max3A_222 = vector.extract %reduce_max3A_221[15] : i32 from vector<16xi32>
          %add3A_223 = arith.addi %get3A_214, %reduce_max3A_222 : i32
          %swap3A_224 = arith.constant 0 : i32
          %swap3A_225 = arith.index_cast %swap3A_224 : i32 to index
          %swap3A_226 = memref.load %arg12[%swap3A_225] : memref<8xi32, #tpu.memory_space<smem>>
          memref.store %add3A_223, %arg12[%swap3A_225] : memref<8xi32, #tpu.memory_space<smem>>
          %while3A_227 = arith.constant 0 : i32
          scf.yield %while3A_227 : i32
        }
        %while3A_134 = arith.constant 1 : i32
        %while3A_135 = scf.for %while3A_185 = %while3A_131 to %while3A_127 step %while3A_134 iter_args(%while3A_186 = %while3A_133) -> (i32)  : i32 {
          %mul3A_187 = arith.constant 16 : i32
          %mul3A_188 = arith.muli %while3A_185, %mul3A_187 : i32
          %get3A_189 = arith.index_cast %mul3A_188 : i32 to index
          %get3A_190 = tpu.vector_load %arg6[%get3A_189] {strides = array<i32>} : memref<16400xi32, #tpu.memory_space<vmem>>, vector<16xi32>,
          %mul3A_191 = arith.constant 512 : i32
          %mul3A_192 = arith.muli %add3A_101, %mul3A_191 : i32
          %mul3A_193 = arith.constant 16384 : i32
          %mul3A_194 = arith.muli %mul3A_192, %mul3A_193 : i32
          %broadcast_in_dim3A_195 = vector.broadcast %mul3A_194 : i32 to vector<16xi32>
          %sub3A_196 = arith.subi %get3A_190, %broadcast_in_dim3A_195 : vector<16xi32>
          %ge3A = arith.constant 0 : i32
          %ge3A_197 = vector.broadcast %ge3A : i32 to vector<16xi32>
          %ge3A_198 = arith.cmpi sge, %sub3A_196, %ge3A_197 : vector<16xi32>
          %lt3A_199 = arith.constant 8388608 : i32
          %lt3A_200 = vector.broadcast %lt3A_199 : i32 to vector<16xi32>
          %lt3A_201 = arith.cmpi slt, %sub3A_196, %lt3A_200 : vector<16xi32>
          %and3A_202 = arith.andi %ge3A_198, %lt3A_201 : vector<16xi1>
          %convert_element_type3A_203 = arith.extui %and3A_202 : vector<16xi1> to vector<16xi32>
          %get3A_204 = arith.constant 0 : i32
          %get3A_205 = arith.index_cast %get3A_204 : i32 to index
          %get3A_206 = memref.load %arg12[%get3A_205] : memref<8xi32, #tpu.memory_space<smem>>
          %broadcast_in_dim3A_207 = vector.broadcast %get3A_206 : i32 to vector<16xi32>
          %broadcast_in_dim3A_208 = arith.constant true
          %broadcast_in_dim3A_209 = vector.broadcast %broadcast_in_dim3A_208 : i1 to vector<16xi1>
          %masked_cumsum3A = tpu.scan <sum>, %convert_element_type3A_203 masked %broadcast_in_dim3A_209 : vector<16xi32>, vector<16xi1> -> vector<16xi32>
          %add3A_210 = arith.addi %broadcast_in_dim3A_207, %masked_cumsum3A : vector<16xi32>
          %sub3A_211 = arith.subi %add3A_210, %convert_element_type3A_203 : vector<16xi32>
          tpu.vector_store_idx %arg7[%sub3A_211], %sub3A_196 masked %and3A_202 : memref<16400xi32, #tpu.memory_space<vmem>>[vector<16xi32>], vector<16xi32>, vector<16xi1>
          %get3A_212 = arith.constant 0 : i32
          %get3A_213 = arith.index_cast %get3A_212 : i32 to index
          %get3A_214 = memref.load %arg12[%get3A_213] : memref<8xi32, #tpu.memory_space<smem>>
          %all_reduce_population_count3A = tpu.all_reduce %and3A_202 {dim = 0 : i64, kind = #tpu.reduction_kind<sum>} : vector<16xi1> -> vector<16xi32>
          %reduce_max3A_215 = arith.constant true
          %reduce_max3A_216 = vector.broadcast %reduce_max3A_215 : i1 to vector<16xi1>
          %reduce_max3A_217 = arith.constant -2147483648 : i32
          %reduce_max3A_218 = vector.broadcast %reduce_max3A_217 : i32 to vector<16xi32>
          %reduce_max3A_219 = arith.xori %all_reduce_population_count3A, %reduce_max3A_218 : vector<16xi32>
          %reduce_max3A_220 = tpu.scan <max>, %reduce_max3A_219 masked %reduce_max3A_216 : vector<16xi32>, vector<16xi1> -> vector<16xi32>
          %reduce_max3A_221 = arith.xori %reduce_max3A_220, %reduce_max3A_218 : vector<16xi32>
          %reduce_max3A_222 = vector.extract %reduce_max3A_221[15] : i32 from vector<16xi32>
          %add3A_223 = arith.addi %get3A_214, %reduce_max3A_222 : i32
          %swap3A_224 = arith.constant 0 : i32
          %swap3A_225 = arith.index_cast %swap3A_224 : i32 to index
          %swap3A_226 = memref.load %arg12[%swap3A_225] : memref<8xi32, #tpu.memory_space<smem>>
          memref.store %add3A_223, %arg12[%swap3A_225] : memref<8xi32, #tpu.memory_space<smem>>
          %while3A_227 = arith.constant 0 : i32
          scf.yield %while3A_227 : i32
        }
        %get3A_136 = arith.constant 0 : i32
        %get3A_137 = arith.index_cast %get3A_136 : i32 to index
        %get3A_138 = memref.load %arg12[%get3A_137] : memref<8xi32, #tpu.memory_space<smem>>
        %add3A_139 = arith.constant 32 : i32
        %add3A_140 = arith.addi %get3A_138, %add3A_139 : i32
        %sub3A_141 = arith.constant 1 : i32
        %sub3A_142 = arith.subi %add3A_140, %sub3A_141 : i32
        %jit3A_143 = arith.constant 32 : i32
        %div3A_144 = arith.divsi %sub3A_142, %jit3A_143 : i32
        %sign3A_145 = arith.constant 0 : i32
        %sign3A_146 = arith.cmpi sgt, %sub3A_142, %sign3A_145 : i32
        %sign3A_147 = arith.extui %sign3A_146 : i1 to i32
        %sign3A_148 = arith.constant 0 : i32
        %sign3A_149 = arith.cmpi slt, %sub3A_142, %sign3A_148 : i32
        %sign3A_150 = arith.extui %sign3A_149 : i1 to i32
        %sign3A_151 = arith.subi %sign3A_147, %sign3A_150 : i32
        %sign3A_152 = arith.constant 0 : i32
        %sign3A_153 = arith.cmpi sgt, %jit3A_143, %sign3A_152 : i32
        %sign3A_154 = arith.extui %sign3A_153 : i1 to i32
        %sign3A_155 = arith.constant 0 : i32
        %sign3A_156 = arith.cmpi slt, %jit3A_143, %sign3A_155 : i32
        %sign3A_157 = arith.extui %sign3A_156 : i1 to i32
        %sign3A_158 = arith.subi %sign3A_154, %sign3A_157 : i32
        %ne3A_159 = arith.cmpi ne, %sign3A_151, %sign3A_158 : i32
        %rem3A_160 = arith.remsi %sub3A_142, %jit3A_143 : i32
        %ne3A_161 = arith.constant 0 : i32
        %ne3A_162 = arith.cmpi ne, %rem3A_160, %ne3A_161 : i32
        %and3A_163 = arith.andi %ne3A_159, %ne3A_162 : i1
        %sub3A_164 = arith.constant 1 : i32
        %sub3A_165 = arith.subi %div3A_144, %sub3A_164 : i32
        %select_n3A_166 = arith.select %and3A_163, %sub3A_165, %div3A_144 : i32
        %while3A_167 = arith.constant 0 : i32
        %while3A_168 = arith.constant 0 : i32
        %while3A_169 = arith.subi %select_n3A_166, %while3A_167 : i32
        %while3A_170 = arith.addi %while3A_167, %while3A_169 : i32
        %while3A_171 = arith.constant 1 : i32
        %while3A_172 = arith.divsi %while3A_169, %while3A_171 : i32
        %while3A_173 = arith.muli %while3A_172, %while3A_171 : i32
        %while3A_174 = arith.addi %while3A_167, %while3A_173 : i32
        %while3A_175 = arith.constant 1 : i32
        %while3A_176 = scf.for %while3A_185 = %while3A_167 to %while3A_174 step %while3A_175 iter_args(%while3A_186 = %while3A_168) -> (i32)  : i32 {
          %mul3A_187 = arith.constant 2 : i32
          %mul3A_188 = arith.muli %while3A_185, %mul3A_187 : i32
          %add3A_189 = arith.constant 0 : i32
          %add3A_190 = arith.addi %mul3A_188, %add3A_189 : i32
          %mul3A_191 = arith.constant 16 : i32
          %mul3A_192 = arith.muli %add3A_190, %mul3A_191 : i32
          %lt3A_193 = arith.cmpi slt, %mul3A_192, %get3A_138 : i32
          %convert_element_type3A_194 = arith.extui %lt3A_193 : i1 to i32
          %cond3A_195 = arith.constant 0 : i32
          %cond3A_196 = arith.cmpi ne, %convert_element_type3A_194, %cond3A_195 : i32
          scf.if %cond3A_196 {
            %mul3A_208 = arith.constant 16 : i32
            %mul3A_209 = arith.muli %add3A_190, %mul3A_208 : i32
            %get3A_210 = arith.index_cast %mul3A_209 : i32 to index
            %get3A_211 = tpu.vector_load %arg7[%get3A_210] {strides = array<i32>} : memref<16400xi32, #tpu.memory_space<vmem>>, vector<16xi32>,
            %jit3A_212 = arith.constant 16384 : i32
            %div3A_213 = vector.broadcast %jit3A_212 : i32 to vector<16xi32>
            %div3A_214 = arith.divsi %get3A_211, %div3A_213 : vector<16xi32>
            %sign3A_215 = arith.constant 0 : i32
            %sign3A_216 = vector.broadcast %sign3A_215 : i32 to vector<16xi32>
            %sign3A_217 = arith.cmpi sgt, %get3A_211, %sign3A_216 : vector<16xi32>
            %sign3A_218 = arith.extui %sign3A_217 : vector<16xi1> to vector<16xi32>
            %sign3A_219 = arith.constant 0 : i32
            %sign3A_220 = vector.broadcast %sign3A_219 : i32 to vector<16xi32>
            %sign3A_221 = arith.cmpi slt, %get3A_211, %sign3A_220 : vector<16xi32>
            %sign3A_222 = arith.extui %sign3A_221 : vector<16xi1> to vector<16xi32>
            %sign3A_223 = arith.subi %sign3A_218, %sign3A_222 : vector<16xi32>
            %sign3A_224 = arith.constant 0 : i32
            %sign3A_225 = arith.cmpi sgt, %jit3A_212, %sign3A_224 : i32
            %sign3A_226 = arith.extui %sign3A_225 : i1 to i32
            %sign3A_227 = arith.constant 0 : i32
            %sign3A_228 = arith.cmpi slt, %jit3A_212, %sign3A_227 : i32
            %sign3A_229 = arith.extui %sign3A_228 : i1 to i32
            %sign3A_230 = arith.subi %sign3A_226, %sign3A_229 : i32
            %ne3A_231 = vector.broadcast %sign3A_230 : i32 to vector<16xi32>
            %ne3A_232 = arith.cmpi ne, %sign3A_223, %ne3A_231 : vector<16xi32>
            %rem3A_233 = vector.broadcast %jit3A_212 : i32 to vector<16xi32>
            %rem3A_234 = arith.remsi %get3A_211, %rem3A_233 : vector<16xi32>
            %ne3A_235 = arith.constant 0 : i32
            %ne3A_236 = vector.broadcast %ne3A_235 : i32 to vector<16xi32>
            %ne3A_237 = arith.cmpi ne, %rem3A_234, %ne3A_236 : vector<16xi32>
            %and3A_238 = arith.andi %ne3A_232, %ne3A_237 : vector<16xi1>
            %sub3A_239 = arith.constant 1 : i32
            %sub3A_240 = vector.broadcast %sub3A_239 : i32 to vector<16xi32>
            %sub3A_241 = arith.subi %div3A_214, %sub3A_240 : vector<16xi32>
            %select_n3A_242 = arith.select %and3A_238, %sub3A_241, %div3A_214 : vector<16xi1>, vector<16xi32>
            %jit3A_243 = arith.constant 0 : i32
            %jit3A_244 = arith.constant 511 : i32
            %max3A = vector.broadcast %jit3A_243 : i32 to vector<16xi32>
            %max3A_245 = arith.maxsi %max3A, %select_n3A_242 : vector<16xi32>
            %min3A_246 = vector.broadcast %jit3A_244 : i32 to vector<16xi32>
            %min3A_247 = arith.minsi %min3A_246, %max3A_245 : vector<16xi32>
            %jit3A_248 = arith.constant 16384 : i32
            %div3A_249 = vector.broadcast %jit3A_248 : i32 to vector<16xi32>
            %div3A_250 = arith.divsi %get3A_211, %div3A_249 : vector<16xi32>
            %sign3A_251 = arith.constant 0 : i32
            %sign3A_252 = vector.broadcast %sign3A_251 : i32 to vector<16xi32>
            %sign3A_253 = arith.cmpi sgt, %get3A_211, %sign3A_252 : vector<16xi32>
            %sign3A_254 = arith.extui %sign3A_253 : vector<16xi1> to vector<16xi32>
            %sign3A_255 = arith.constant 0 : i32
            %sign3A_256 = vector.broadcast %sign3A_255 : i32 to vector<16xi32>
            %sign3A_257 = arith.cmpi slt, %get3A_211, %sign3A_256 : vector<16xi32>
            %sign3A_258 = arith.extui %sign3A_257 : vector<16xi1> to vector<16xi32>
            %sign3A_259 = arith.subi %sign3A_254, %sign3A_258 : vector<16xi32>
            %sign3A_260 = arith.constant 0 : i32
            %sign3A_261 = arith.cmpi sgt, %jit3A_248, %sign3A_260 : i32
            %sign3A_262 = arith.extui %sign3A_261 : i1 to i32
            %sign3A_263 = arith.constant 0 : i32
            %sign3A_264 = arith.cmpi slt, %jit3A_248, %sign3A_263 : i32
            %sign3A_265 = arith.extui %sign3A_264 : i1 to i32
            %sign3A_266 = arith.subi %sign3A_262, %sign3A_265 : i32
            %ne3A_267 = vector.broadcast %sign3A_266 : i32 to vector<16xi32>
            %ne3A_268 = arith.cmpi ne, %sign3A_259, %ne3A_267 : vector<16xi32>
            %rem3A_269 = vector.broadcast %jit3A_248 : i32 to vector<16xi32>
            %rem3A_270 = arith.remsi %get3A_211, %rem3A_269 : vector<16xi32>
            %ne3A_271 = arith.constant 0 : i32
            %ne3A_272 = vector.broadcast %ne3A_271 : i32 to vector<16xi32>
            %ne3A_273 = arith.cmpi ne, %rem3A_270, %ne3A_272 : vector<16xi32>
            %and3A_274 = arith.andi %ne3A_268, %ne3A_273 : vector<16xi1>
            %sub3A_275 = arith.constant 1 : i32
            %sub3A_276 = vector.broadcast %sub3A_275 : i32 to vector<16xi32>
            %sub3A_277 = arith.subi %div3A_250, %sub3A_276 : vector<16xi32>
            %select_n3A_278 = arith.select %and3A_274, %sub3A_277, %div3A_250 : vector<16xi1>, vector<16xi32>
            %mul3A_279 = arith.constant 16384 : i32
            %mul3A_280 = vector.broadcast %mul3A_279 : i32 to vector<16xi32>
            %mul3A_281 = arith.muli %select_n3A_278, %mul3A_280 : vector<16xi32>
            %sub3A_282 = arith.subi %get3A_211, %mul3A_281 : vector<16xi32>
            %mul3A_283 = arith.constant 16 : i32
            %mul3A_284 = arith.muli %add3A_190, %mul3A_283 : i32
            %sub3A_285 = arith.subi %get3A_138, %mul3A_284 : i32
            %broadcast_in_dim3A_286 = vector.broadcast %sub3A_285 : i32 to vector<16xi32>
            %lt3A_287 = arith.cmpi slt, %iota3A, %broadcast_in_dim3A_286 : vector<16xi32>
            %select_n3A_288 = arith.select %lt3A_287, %sub3A_282, %add3A_76 : vector<16xi1>, vector<16xi32>
            %get3A_289 = arith.constant 1 : i32
            %get3A_290 = arith.index_cast %get3A_289 : i32 to index
            %get3A_291 = memref.load %arg12[%get3A_290] : memref<8xi32, #tpu.memory_space<smem>>
            %eq3A_292 = arith.constant 1 : i32
            %eq3A_293 = arith.cmpi eq, %get3A_291, %eq3A_292 : i32
            %convert_element_type3A_294 = arith.extui %eq3A_293 : i1 to i32
            %cond3A_295 = arith.constant 0 : i32
            %cond3A_296 = arith.cmpi ne, %convert_element_type3A_294, %cond3A_295 : i32
            scf.if %cond3A_296 {
              %dma_wait3A_311 = arith.constant 0 : i32
              %dma_wait3A_312 = arith.constant 0 : i32
              %dma_wait3A_313 = tpu.memref_slice %arg4[%dma_wait3A_311, %dma_wait3A_312] : memref<16896x128xf32, #tpu.memory_space<hbm>> -> memref<16896x128xf32, #tpu.memory_space<hbm>>
              tpu.wait_indirect_dma semaphore(%arg15 : memref<!tpu.dma_semaphore, #tpu.memory_space<semaphore_mem>>) src(%arg10 : memref<16x128xf32, #tpu.memory_space<vmem>>) dst(%dma_wait3A_313 : memref<16896x128xf32, #tpu.memory_space<hbm>>)
            } else {
            }
            %scan3A_297 = arith.constant 0 : i32
            %scan3A_298 = arith.constant 0 : i32
            %scan3A_299 = arith.constant 64 : i32
            %scan3A_300 = arith.addi %scan3A_298, %scan3A_299 : i32
            %scan3A_301 = arith.constant 4 : i32
            %scan3A_302 = scf.for %scan3A_311 = %scan3A_298 to %scan3A_300 step %scan3A_301 iter_args(%scan3A_312 = %scan3A_297) -> (i32)  : i32 {
              %broadcast_in_dim3A_313 = vector.broadcast %scan3A_311 : i32 to vector<16xi32>
              %gather3A = tpu.vector_load_idx %arg8[%broadcast_in_dim3A_313, %min3A_247] : memref<64x512xf32, #tpu.memory_space<vmem>>[vector<16xi32>, vector<16xi32>], vector<16xf32>,
              %broadcast_in_dim3A_314 = vector.broadcast %scan3A_311 : i32 to vector<16xi32>
              tpu.vector_store_idx %arg10[%iota3A, %broadcast_in_dim3A_314], %gather3A : memref<16x128xf32, #tpu.memory_space<vmem>>[vector<16xi32>, vector<16xi32>], vector<16xf32>,
              %scan3A_315 = arith.constant 0 : i32
              %scan3A_316 = arith.constant 1 : i32
              %scan3A_317 = arith.addi %scan3A_311, %scan3A_316 : i32
              %broadcast_in_dim3A_318 = vector.broadcast %scan3A_317 : i32 to vector<16xi32>
              %gather3A_319 = tpu.vector_load_idx %arg8[%broadcast_in_dim3A_318, %min3A_247] : memref<64x512xf32, #tpu.memory_space<vmem>>[vector<16xi32>, vector<16xi32>], vector<16xf32>,
              %broadcast_in_dim3A_320 = vector.broadcast %scan3A_317 : i32 to vector<16xi32>
              tpu.vector_store_idx %arg10[%iota3A, %broadcast_in_dim3A_320], %gather3A_319 : memref<16x128xf32, #tpu.memory_space<vmem>>[vector<16xi32>, vector<16xi32>], vector<16xf32>,
              %scan3A_321 = arith.constant 0 : i32
              %scan3A_322 = arith.constant 2 : i32
              %scan3A_323 = arith.addi %scan3A_311, %scan3A_322 : i32
              %broadcast_in_dim3A_324 = vector.broadcast %scan3A_323 : i32 to vector<16xi32>
              %gather3A_325 = tpu.vector_load_idx %arg8[%broadcast_in_dim3A_324, %min3A_247] : memref<64x512xf32, #tpu.memory_space<vmem>>[vector<16xi32>, vector<16xi32>], vector<16xf32>,
              %broadcast_in_dim3A_326 = vector.broadcast %scan3A_323 : i32 to vector<16xi32>
              tpu.vector_store_idx %arg10[%iota3A, %broadcast_in_dim3A_326], %gather3A_325 : memref<16x128xf32, #tpu.memory_space<vmem>>[vector<16xi32>, vector<16xi32>], vector<16xf32>,
              %scan3A_327 = arith.constant 0 : i32
              %scan3A_328 = arith.constant 3 : i32
              %scan3A_329 = arith.addi %scan3A_311, %scan3A_328 : i32
              %broadcast_in_dim3A_330 = vector.broadcast %scan3A_329 : i32 to vector<16xi32>
              %gather3A_331 = tpu.vector_load_idx %arg8[%broadcast_in_dim3A_330, %min3A_247] : memref<64x512xf32, #tpu.memory_space<vmem>>[vector<16xi32>, vector<16xi32>], vector<16xf32>,
              %broadcast_in_dim3A_332 = vector.broadcast %scan3A_329 : i32 to vector<16xi32>
              tpu.vector_store_idx %arg10[%iota3A, %broadcast_in_dim3A_332], %gather3A_331 : memref<16x128xf32, #tpu.memory_space<vmem>>[vector<16xi32>, vector<16xi32>], vector<16xf32>,
              %scan3A_333 = arith.constant 0 : i32
              scf.yield %scan3A_333 : i32
            }
            %scan3A_303 = arith.constant 64 : i32
            %dma_start3A_304 = arith.constant 0 : i32
            %dma_start3A_305 = arith.constant 0 : i32
            %dma_start3A_306 = tpu.memref_slice %arg4[%dma_start3A_304, %dma_start3A_305] : memref<16896x128xf32, #tpu.memory_space<hbm>> -> memref<16896x128xf32, #tpu.memory_space<hbm>>
            tpu.enqueue_indirect_dma source(%arg10 : memref<16x128xf32, #tpu.memory_space<vmem>>) target(%dma_start3A_306 : memref<16896x128xf32, #tpu.memory_space<hbm>>) offsets(%select_n3A_288 : vector<16xi32>) semaphore(%arg15 : memref<!tpu.dma_semaphore, #tpu.memory_space<semaphore_mem>>)
            %swap3A_307 = arith.constant 1 : i32
            %swap3A_308 = arith.constant 1 : i32
            %swap3A_309 = arith.index_cast %swap3A_308 : i32 to index
            %swap3A_310 = memref.load %arg12[%swap3A_309] : memref<8xi32, #tpu.memory_space<smem>>
            memref.store %swap3A_307, %arg12[%swap3A_309] : memref<8xi32, #tpu.memory_space<smem>>
          } else {
          }
          %mul3A_197 = arith.constant 2 : i32
          %mul3A_198 = arith.muli %while3A_185, %mul3A_197 : i32
          %add3A_199 = arith.constant 1 : i32
          %add3A_200 = arith.addi %mul3A_198, %add3A_199 : i32
          %mul3A_201 = arith.constant 16 : i32
          %mul3A_202 = arith.muli %add3A_200, %mul3A_201 : i32
          %lt3A_203 = arith.cmpi slt, %mul3A_202, %get3A_138 : i32
          %convert_element_type3A_204 = arith.extui %lt3A_203 : i1 to i32
          %cond3A_205 = arith.constant 0 : i32
          %cond3A_206 = arith.cmpi ne, %convert_element_type3A_204, %cond3A_205 : i32
          scf.if %cond3A_206 {
            %mul3A_208 = arith.constant 16 : i32
            %mul3A_209 = arith.muli %add3A_200, %mul3A_208 : i32
            %get3A_210 = arith.index_cast %mul3A_209 : i32 to index
            %get3A_211 = tpu.vector_load %arg7[%get3A_210] {strides = array<i32>} : memref<16400xi32, #tpu.memory_space<vmem>>, vector<16xi32>,
            %jit3A_212 = arith.constant 16384 : i32
            %div3A_213 = vector.broadcast %jit3A_212 : i32 to vector<16xi32>
            %div3A_214 = arith.divsi %get3A_211, %div3A_213 : vector<16xi32>
            %sign3A_215 = arith.constant 0 : i32
            %sign3A_216 = vector.broadcast %sign3A_215 : i32 to vector<16xi32>
            %sign3A_217 = arith.cmpi sgt, %get3A_211, %sign3A_216 : vector<16xi32>
            %sign3A_218 = arith.extui %sign3A_217 : vector<16xi1> to vector<16xi32>
            %sign3A_219 = arith.constant 0 : i32
            %sign3A_220 = vector.broadcast %sign3A_219 : i32 to vector<16xi32>
            %sign3A_221 = arith.cmpi slt, %get3A_211, %sign3A_220 : vector<16xi32>
            %sign3A_222 = arith.extui %sign3A_221 : vector<16xi1> to vector<16xi32>
            %sign3A_223 = arith.subi %sign3A_218, %sign3A_222 : vector<16xi32>
            %sign3A_224 = arith.constant 0 : i32
            %sign3A_225 = arith.cmpi sgt, %jit3A_212, %sign3A_224 : i32
            %sign3A_226 = arith.extui %sign3A_225 : i1 to i32
            %sign3A_227 = arith.constant 0 : i32
            %sign3A_228 = arith.cmpi slt, %jit3A_212, %sign3A_227 : i32
            %sign3A_229 = arith.extui %sign3A_228 : i1 to i32
            %sign3A_230 = arith.subi %sign3A_226, %sign3A_229 : i32
            %ne3A_231 = vector.broadcast %sign3A_230 : i32 to vector<16xi32>
            %ne3A_232 = arith.cmpi ne, %sign3A_223, %ne3A_231 : vector<16xi32>
            %rem3A_233 = vector.broadcast %jit3A_212 : i32 to vector<16xi32>
            %rem3A_234 = arith.remsi %get3A_211, %rem3A_233 : vector<16xi32>
            %ne3A_235 = arith.constant 0 : i32
            %ne3A_236 = vector.broadcast %ne3A_235 : i32 to vector<16xi32>
            %ne3A_237 = arith.cmpi ne, %rem3A_234, %ne3A_236 : vector<16xi32>
            %and3A_238 = arith.andi %ne3A_232, %ne3A_237 : vector<16xi1>
            %sub3A_239 = arith.constant 1 : i32
            %sub3A_240 = vector.broadcast %sub3A_239 : i32 to vector<16xi32>
            %sub3A_241 = arith.subi %div3A_214, %sub3A_240 : vector<16xi32>
            %select_n3A_242 = arith.select %and3A_238, %sub3A_241, %div3A_214 : vector<16xi1>, vector<16xi32>
            %jit3A_243 = arith.constant 0 : i32
            %jit3A_244 = arith.constant 511 : i32
            %max3A = vector.broadcast %jit3A_243 : i32 to vector<16xi32>
            %max3A_245 = arith.maxsi %max3A, %select_n3A_242 : vector<16xi32>
            %min3A_246 = vector.broadcast %jit3A_244 : i32 to vector<16xi32>
            %min3A_247 = arith.minsi %min3A_246, %max3A_245 : vector<16xi32>
            %jit3A_248 = arith.constant 16384 : i32
            %div3A_249 = vector.broadcast %jit3A_248 : i32 to vector<16xi32>
            %div3A_250 = arith.divsi %get3A_211, %div3A_249 : vector<16xi32>
            %sign3A_251 = arith.constant 0 : i32
            %sign3A_252 = vector.broadcast %sign3A_251 : i32 to vector<16xi32>
            %sign3A_253 = arith.cmpi sgt, %get3A_211, %sign3A_252 : vector<16xi32>
            %sign3A_254 = arith.extui %sign3A_253 : vector<16xi1> to vector<16xi32>
            %sign3A_255 = arith.constant 0 : i32
            %sign3A_256 = vector.broadcast %sign3A_255 : i32 to vector<16xi32>
            %sign3A_257 = arith.cmpi slt, %get3A_211, %sign3A_256 : vector<16xi32>
            %sign3A_258 = arith.extui %sign3A_257 : vector<16xi1> to vector<16xi32>
            %sign3A_259 = arith.subi %sign3A_254, %sign3A_258 : vector<16xi32>
            %sign3A_260 = arith.constant 0 : i32
            %sign3A_261 = arith.cmpi sgt, %jit3A_248, %sign3A_260 : i32
            %sign3A_262 = arith.extui %sign3A_261 : i1 to i32
            %sign3A_263 = arith.constant 0 : i32
            %sign3A_264 = arith.cmpi slt, %jit3A_248, %sign3A_263 : i32
            %sign3A_265 = arith.extui %sign3A_264 : i1 to i32
            %sign3A_266 = arith.subi %sign3A_262, %sign3A_265 : i32
            %ne3A_267 = vector.broadcast %sign3A_266 : i32 to vector<16xi32>
            %ne3A_268 = arith.cmpi ne, %sign3A_259, %ne3A_267 : vector<16xi32>
            %rem3A_269 = vector.broadcast %jit3A_248 : i32 to vector<16xi32>
            %rem3A_270 = arith.remsi %get3A_211, %rem3A_269 : vector<16xi32>
            %ne3A_271 = arith.constant 0 : i32
            %ne3A_272 = vector.broadcast %ne3A_271 : i32 to vector<16xi32>
            %ne3A_273 = arith.cmpi ne, %rem3A_270, %ne3A_272 : vector<16xi32>
            %and3A_274 = arith.andi %ne3A_268, %ne3A_273 : vector<16xi1>
            %sub3A_275 = arith.constant 1 : i32
            %sub3A_276 = vector.broadcast %sub3A_275 : i32 to vector<16xi32>
            %sub3A_277 = arith.subi %div3A_250, %sub3A_276 : vector<16xi32>
            %select_n3A_278 = arith.select %and3A_274, %sub3A_277, %div3A_250 : vector<16xi1>, vector<16xi32>
            %mul3A_279 = arith.constant 16384 : i32
            %mul3A_280 = vector.broadcast %mul3A_279 : i32 to vector<16xi32>
            %mul3A_281 = arith.muli %select_n3A_278, %mul3A_280 : vector<16xi32>
            %sub3A_282 = arith.subi %get3A_211, %mul3A_281 : vector<16xi32>
            %mul3A_283 = arith.constant 16 : i32
            %mul3A_284 = arith.muli %add3A_200, %mul3A_283 : i32
            %sub3A_285 = arith.subi %get3A_138, %mul3A_284 : i32
            %broadcast_in_dim3A_286 = vector.broadcast %sub3A_285 : i32 to vector<16xi32>
            %lt3A_287 = arith.cmpi slt, %iota3A, %broadcast_in_dim3A_286 : vector<16xi32>
            %select_n3A_288 = arith.select %lt3A_287, %sub3A_282, %add3A_76 : vector<16xi1>, vector<16xi32>
            %get3A_289 = arith.constant 2 : i32
            %get3A_290 = arith.index_cast %get3A_289 : i32 to index
            %get3A_291 = memref.load %arg12[%get3A_290] : memref<8xi32, #tpu.memory_space<smem>>
            %eq3A_292 = arith.constant 1 : i32
            %eq3A_293 = arith.cmpi eq, %get3A_291, %eq3A_292 : i32
            %convert_element_type3A_294 = arith.extui %eq3A_293 : i1 to i32
            %cond3A_295 = arith.constant 0 : i32
            %cond3A_296 = arith.cmpi ne, %convert_element_type3A_294, %cond3A_295 : i32
            scf.if %cond3A_296 {
              %dma_wait3A_311 = arith.constant 0 : i32
              %dma_wait3A_312 = arith.constant 0 : i32
              %dma_wait3A_313 = tpu.memref_slice %arg4[%dma_wait3A_311, %dma_wait3A_312] : memref<16896x128xf32, #tpu.memory_space<hbm>> -> memref<16896x128xf32, #tpu.memory_space<hbm>>
              tpu.wait_indirect_dma semaphore(%arg16 : memref<!tpu.dma_semaphore, #tpu.memory_space<semaphore_mem>>) src(%arg11 : memref<16x128xf32, #tpu.memory_space<vmem>>) dst(%dma_wait3A_313 : memref<16896x128xf32, #tpu.memory_space<hbm>>)
            } else {
            }
            %scan3A_297 = arith.constant 0 : i32
            %scan3A_298 = arith.constant 0 : i32
            %scan3A_299 = arith.constant 64 : i32
            %scan3A_300 = arith.addi %scan3A_298, %scan3A_299 : i32
            %scan3A_301 = arith.constant 4 : i32
            %scan3A_302 = scf.for %scan3A_311 = %scan3A_298 to %scan3A_300 step %scan3A_301 iter_args(%scan3A_312 = %scan3A_297) -> (i32)  : i32 {
              %broadcast_in_dim3A_313 = vector.broadcast %scan3A_311 : i32 to vector<16xi32>
              %gather3A = tpu.vector_load_idx %arg8[%broadcast_in_dim3A_313, %min3A_247] : memref<64x512xf32, #tpu.memory_space<vmem>>[vector<16xi32>, vector<16xi32>], vector<16xf32>,
              %broadcast_in_dim3A_314 = vector.broadcast %scan3A_311 : i32 to vector<16xi32>
              tpu.vector_store_idx %arg11[%iota3A, %broadcast_in_dim3A_314], %gather3A : memref<16x128xf32, #tpu.memory_space<vmem>>[vector<16xi32>, vector<16xi32>], vector<16xf32>,
              %scan3A_315 = arith.constant 0 : i32
              %scan3A_316 = arith.constant 1 : i32
              %scan3A_317 = arith.addi %scan3A_311, %scan3A_316 : i32
              %broadcast_in_dim3A_318 = vector.broadcast %scan3A_317 : i32 to vector<16xi32>
              %gather3A_319 = tpu.vector_load_idx %arg8[%broadcast_in_dim3A_318, %min3A_247] : memref<64x512xf32, #tpu.memory_space<vmem>>[vector<16xi32>, vector<16xi32>], vector<16xf32>,
              %broadcast_in_dim3A_320 = vector.broadcast %scan3A_317 : i32 to vector<16xi32>
              tpu.vector_store_idx %arg11[%iota3A, %broadcast_in_dim3A_320], %gather3A_319 : memref<16x128xf32, #tpu.memory_space<vmem>>[vector<16xi32>, vector<16xi32>], vector<16xf32>,
              %scan3A_321 = arith.constant 0 : i32
              %scan3A_322 = arith.constant 2 : i32
              %scan3A_323 = arith.addi %scan3A_311, %scan3A_322 : i32
              %broadcast_in_dim3A_324 = vector.broadcast %scan3A_323 : i32 to vector<16xi32>
              %gather3A_325 = tpu.vector_load_idx %arg8[%broadcast_in_dim3A_324, %min3A_247] : memref<64x512xf32, #tpu.memory_space<vmem>>[vector<16xi32>, vector<16xi32>], vector<16xf32>,
              %broadcast_in_dim3A_326 = vector.broadcast %scan3A_323 : i32 to vector<16xi32>
              tpu.vector_store_idx %arg11[%iota3A, %broadcast_in_dim3A_326], %gather3A_325 : memref<16x128xf32, #tpu.memory_space<vmem>>[vector<16xi32>, vector<16xi32>], vector<16xf32>,
              %scan3A_327 = arith.constant 0 : i32
              %scan3A_328 = arith.constant 3 : i32
              %scan3A_329 = arith.addi %scan3A_311, %scan3A_328 : i32
              %broadcast_in_dim3A_330 = vector.broadcast %scan3A_329 : i32 to vector<16xi32>
              %gather3A_331 = tpu.vector_load_idx %arg8[%broadcast_in_dim3A_330, %min3A_247] : memref<64x512xf32, #tpu.memory_space<vmem>>[vector<16xi32>, vector<16xi32>], vector<16xf32>,
              %broadcast_in_dim3A_332 = vector.broadcast %scan3A_329 : i32 to vector<16xi32>
              tpu.vector_store_idx %arg11[%iota3A, %broadcast_in_dim3A_332], %gather3A_331 : memref<16x128xf32, #tpu.memory_space<vmem>>[vector<16xi32>, vector<16xi32>], vector<16xf32>,
              %scan3A_333 = arith.constant 0 : i32
              scf.yield %scan3A_333 : i32
            }
            %scan3A_303 = arith.constant 64 : i32
            %dma_start3A_304 = arith.constant 0 : i32
            %dma_start3A_305 = arith.constant 0 : i32
            %dma_start3A_306 = tpu.memref_slice %arg4[%dma_start3A_304, %dma_start3A_305] : memref<16896x128xf32, #tpu.memory_space<hbm>> -> memref<16896x128xf32, #tpu.memory_space<hbm>>
            tpu.enqueue_indirect_dma source(%arg11 : memref<16x128xf32, #tpu.memory_space<vmem>>) target(%dma_start3A_306 : memref<16896x128xf32, #tpu.memory_space<hbm>>) offsets(%select_n3A_288 : vector<16xi32>) semaphore(%arg16 : memref<!tpu.dma_semaphore, #tpu.memory_space<semaphore_mem>>)
            %swap3A_307 = arith.constant 1 : i32
            %swap3A_308 = arith.constant 2 : i32
            %swap3A_309 = arith.index_cast %swap3A_308 : i32 to index
            %swap3A_310 = memref.load %arg12[%swap3A_309] : memref<8xi32, #tpu.memory_space<smem>>
            memref.store %swap3A_307, %arg12[%swap3A_309] : memref<8xi32, #tpu.memory_space<smem>>
          } else {
          }
          %while3A_207 = arith.constant 0 : i32
          scf.yield %while3A_207 : i32
        }
        %while3A_177 = arith.constant 1 : i32
        %while3A_178 = scf.for %while3A_185 = %while3A_174 to %while3A_170 step %while3A_177 iter_args(%while3A_186 = %while3A_176) -> (i32)  : i32 {
          %mul3A_187 = arith.constant 2 : i32
          %mul3A_188 = arith.muli %while3A_185, %mul3A_187 : i32
          %add3A_189 = arith.constant 0 : i32
          %add3A_190 = arith.addi %mul3A_188, %add3A_189 : i32
          %mul3A_191 = arith.constant 16 : i32
          %mul3A_192 = arith.muli %add3A_190, %mul3A_191 : i32
          %lt3A_193 = arith.cmpi slt, %mul3A_192, %get3A_138 : i32
          %convert_element_type3A_194 = arith.extui %lt3A_193 : i1 to i32
          %cond3A_195 = arith.constant 0 : i32
          %cond3A_196 = arith.cmpi ne, %convert_element_type3A_194, %cond3A_195 : i32
          scf.if %cond3A_196 {
            %mul3A_208 = arith.constant 16 : i32
            %mul3A_209 = arith.muli %add3A_190, %mul3A_208 : i32
            %get3A_210 = arith.index_cast %mul3A_209 : i32 to index
            %get3A_211 = tpu.vector_load %arg7[%get3A_210] {strides = array<i32>} : memref<16400xi32, #tpu.memory_space<vmem>>, vector<16xi32>,
            %jit3A_212 = arith.constant 16384 : i32
            %div3A_213 = vector.broadcast %jit3A_212 : i32 to vector<16xi32>
            %div3A_214 = arith.divsi %get3A_211, %div3A_213 : vector<16xi32>
            %sign3A_215 = arith.constant 0 : i32
            %sign3A_216 = vector.broadcast %sign3A_215 : i32 to vector<16xi32>
            %sign3A_217 = arith.cmpi sgt, %get3A_211, %sign3A_216 : vector<16xi32>
            %sign3A_218 = arith.extui %sign3A_217 : vector<16xi1> to vector<16xi32>
            %sign3A_219 = arith.constant 0 : i32
            %sign3A_220 = vector.broadcast %sign3A_219 : i32 to vector<16xi32>
            %sign3A_221 = arith.cmpi slt, %get3A_211, %sign3A_220 : vector<16xi32>
            %sign3A_222 = arith.extui %sign3A_221 : vector<16xi1> to vector<16xi32>
            %sign3A_223 = arith.subi %sign3A_218, %sign3A_222 : vector<16xi32>
            %sign3A_224 = arith.constant 0 : i32
            %sign3A_225 = arith.cmpi sgt, %jit3A_212, %sign3A_224 : i32
            %sign3A_226 = arith.extui %sign3A_225 : i1 to i32
            %sign3A_227 = arith.constant 0 : i32
            %sign3A_228 = arith.cmpi slt, %jit3A_212, %sign3A_227 : i32
            %sign3A_229 = arith.extui %sign3A_228 : i1 to i32
            %sign3A_230 = arith.subi %sign3A_226, %sign3A_229 : i32
            %ne3A_231 = vector.broadcast %sign3A_230 : i32 to vector<16xi32>
            %ne3A_232 = arith.cmpi ne, %sign3A_223, %ne3A_231 : vector<16xi32>
            %rem3A_233 = vector.broadcast %jit3A_212 : i32 to vector<16xi32>
            %rem3A_234 = arith.remsi %get3A_211, %rem3A_233 : vector<16xi32>
            %ne3A_235 = arith.constant 0 : i32
            %ne3A_236 = vector.broadcast %ne3A_235 : i32 to vector<16xi32>
            %ne3A_237 = arith.cmpi ne, %rem3A_234, %ne3A_236 : vector<16xi32>
            %and3A_238 = arith.andi %ne3A_232, %ne3A_237 : vector<16xi1>
            %sub3A_239 = arith.constant 1 : i32
            %sub3A_240 = vector.broadcast %sub3A_239 : i32 to vector<16xi32>
            %sub3A_241 = arith.subi %div3A_214, %sub3A_240 : vector<16xi32>
            %select_n3A_242 = arith.select %and3A_238, %sub3A_241, %div3A_214 : vector<16xi1>, vector<16xi32>
            %jit3A_243 = arith.constant 0 : i32
            %jit3A_244 = arith.constant 511 : i32
            %max3A = vector.broadcast %jit3A_243 : i32 to vector<16xi32>
            %max3A_245 = arith.maxsi %max3A, %select_n3A_242 : vector<16xi32>
            %min3A_246 = vector.broadcast %jit3A_244 : i32 to vector<16xi32>
            %min3A_247 = arith.minsi %min3A_246, %max3A_245 : vector<16xi32>
            %jit3A_248 = arith.constant 16384 : i32
            %div3A_249 = vector.broadcast %jit3A_248 : i32 to vector<16xi32>
            %div3A_250 = arith.divsi %get3A_211, %div3A_249 : vector<16xi32>
            %sign3A_251 = arith.constant 0 : i32
            %sign3A_252 = vector.broadcast %sign3A_251 : i32 to vector<16xi32>
            %sign3A_253 = arith.cmpi sgt, %get3A_211, %sign3A_252 : vector<16xi32>
            %sign3A_254 = arith.extui %sign3A_253 : vector<16xi1> to vector<16xi32>
            %sign3A_255 = arith.constant 0 : i32
            %sign3A_256 = vector.broadcast %sign3A_255 : i32 to vector<16xi32>
            %sign3A_257 = arith.cmpi slt, %get3A_211, %sign3A_256 : vector<16xi32>
            %sign3A_258 = arith.extui %sign3A_257 : vector<16xi1> to vector<16xi32>
            %sign3A_259 = arith.subi %sign3A_254, %sign3A_258 : vector<16xi32>
            %sign3A_260 = arith.constant 0 : i32
            %sign3A_261 = arith.cmpi sgt, %jit3A_248, %sign3A_260 : i32
            %sign3A_262 = arith.extui %sign3A_261 : i1 to i32
            %sign3A_263 = arith.constant 0 : i32
            %sign3A_264 = arith.cmpi slt, %jit3A_248, %sign3A_263 : i32
            %sign3A_265 = arith.extui %sign3A_264 : i1 to i32
            %sign3A_266 = arith.subi %sign3A_262, %sign3A_265 : i32
            %ne3A_267 = vector.broadcast %sign3A_266 : i32 to vector<16xi32>
            %ne3A_268 = arith.cmpi ne, %sign3A_259, %ne3A_267 : vector<16xi32>
            %rem3A_269 = vector.broadcast %jit3A_248 : i32 to vector<16xi32>
            %rem3A_270 = arith.remsi %get3A_211, %rem3A_269 : vector<16xi32>
            %ne3A_271 = arith.constant 0 : i32
            %ne3A_272 = vector.broadcast %ne3A_271 : i32 to vector<16xi32>
            %ne3A_273 = arith.cmpi ne, %rem3A_270, %ne3A_272 : vector<16xi32>
            %and3A_274 = arith.andi %ne3A_268, %ne3A_273 : vector<16xi1>
            %sub3A_275 = arith.constant 1 : i32
            %sub3A_276 = vector.broadcast %sub3A_275 : i32 to vector<16xi32>
            %sub3A_277 = arith.subi %div3A_250, %sub3A_276 : vector<16xi32>
            %select_n3A_278 = arith.select %and3A_274, %sub3A_277, %div3A_250 : vector<16xi1>, vector<16xi32>
            %mul3A_279 = arith.constant 16384 : i32
            %mul3A_280 = vector.broadcast %mul3A_279 : i32 to vector<16xi32>
            %mul3A_281 = arith.muli %select_n3A_278, %mul3A_280 : vector<16xi32>
            %sub3A_282 = arith.subi %get3A_211, %mul3A_281 : vector<16xi32>
            %mul3A_283 = arith.constant 16 : i32
            %mul3A_284 = arith.muli %add3A_190, %mul3A_283 : i32
            %sub3A_285 = arith.subi %get3A_138, %mul3A_284 : i32
            %broadcast_in_dim3A_286 = vector.broadcast %sub3A_285 : i32 to vector<16xi32>
            %lt3A_287 = arith.cmpi slt, %iota3A, %broadcast_in_dim3A_286 : vector<16xi32>
            %select_n3A_288 = arith.select %lt3A_287, %sub3A_282, %add3A_76 : vector<16xi1>, vector<16xi32>
            %get3A_289 = arith.constant 1 : i32
            %get3A_290 = arith.index_cast %get3A_289 : i32 to index
            %get3A_291 = memref.load %arg12[%get3A_290] : memref<8xi32, #tpu.memory_space<smem>>
            %eq3A_292 = arith.constant 1 : i32
            %eq3A_293 = arith.cmpi eq, %get3A_291, %eq3A_292 : i32
            %convert_element_type3A_294 = arith.extui %eq3A_293 : i1 to i32
            %cond3A_295 = arith.constant 0 : i32
            %cond3A_296 = arith.cmpi ne, %convert_element_type3A_294, %cond3A_295 : i32
            scf.if %cond3A_296 {
              %dma_wait3A_311 = arith.constant 0 : i32
              %dma_wait3A_312 = arith.constant 0 : i32
              %dma_wait3A_313 = tpu.memref_slice %arg4[%dma_wait3A_311, %dma_wait3A_312] : memref<16896x128xf32, #tpu.memory_space<hbm>> -> memref<16896x128xf32, #tpu.memory_space<hbm>>
              tpu.wait_indirect_dma semaphore(%arg15 : memref<!tpu.dma_semaphore, #tpu.memory_space<semaphore_mem>>) src(%arg10 : memref<16x128xf32, #tpu.memory_space<vmem>>) dst(%dma_wait3A_313 : memref<16896x128xf32, #tpu.memory_space<hbm>>)
            } else {
            }
            %scan3A_297 = arith.constant 0 : i32
            %scan3A_298 = arith.constant 0 : i32
            %scan3A_299 = arith.constant 64 : i32
            %scan3A_300 = arith.addi %scan3A_298, %scan3A_299 : i32
            %scan3A_301 = arith.constant 4 : i32
            %scan3A_302 = scf.for %scan3A_311 = %scan3A_298 to %scan3A_300 step %scan3A_301 iter_args(%scan3A_312 = %scan3A_297) -> (i32)  : i32 {
              %broadcast_in_dim3A_313 = vector.broadcast %scan3A_311 : i32 to vector<16xi32>
              %gather3A = tpu.vector_load_idx %arg8[%broadcast_in_dim3A_313, %min3A_247] : memref<64x512xf32, #tpu.memory_space<vmem>>[vector<16xi32>, vector<16xi32>], vector<16xf32>,
              %broadcast_in_dim3A_314 = vector.broadcast %scan3A_311 : i32 to vector<16xi32>
              tpu.vector_store_idx %arg10[%iota3A, %broadcast_in_dim3A_314], %gather3A : memref<16x128xf32, #tpu.memory_space<vmem>>[vector<16xi32>, vector<16xi32>], vector<16xf32>,
              %scan3A_315 = arith.constant 0 : i32
              %scan3A_316 = arith.constant 1 : i32
              %scan3A_317 = arith.addi %scan3A_311, %scan3A_316 : i32
              %broadcast_in_dim3A_318 = vector.broadcast %scan3A_317 : i32 to vector<16xi32>
              %gather3A_319 = tpu.vector_load_idx %arg8[%broadcast_in_dim3A_318, %min3A_247] : memref<64x512xf32, #tpu.memory_space<vmem>>[vector<16xi32>, vector<16xi32>], vector<16xf32>,
              %broadcast_in_dim3A_320 = vector.broadcast %scan3A_317 : i32 to vector<16xi32>
              tpu.vector_store_idx %arg10[%iota3A, %broadcast_in_dim3A_320], %gather3A_319 : memref<16x128xf32, #tpu.memory_space<vmem>>[vector<16xi32>, vector<16xi32>], vector<16xf32>,
              %scan3A_321 = arith.constant 0 : i32
              %scan3A_322 = arith.constant 2 : i32
              %scan3A_323 = arith.addi %scan3A_311, %scan3A_322 : i32
              %broadcast_in_dim3A_324 = vector.broadcast %scan3A_323 : i32 to vector<16xi32>
              %gather3A_325 = tpu.vector_load_idx %arg8[%broadcast_in_dim3A_324, %min3A_247] : memref<64x512xf32, #tpu.memory_space<vmem>>[vector<16xi32>, vector<16xi32>], vector<16xf32>,
              %broadcast_in_dim3A_326 = vector.broadcast %scan3A_323 : i32 to vector<16xi32>
              tpu.vector_store_idx %arg10[%iota3A, %broadcast_in_dim3A_326], %gather3A_325 : memref<16x128xf32, #tpu.memory_space<vmem>>[vector<16xi32>, vector<16xi32>], vector<16xf32>,
              %scan3A_327 = arith.constant 0 : i32
              %scan3A_328 = arith.constant 3 : i32
              %scan3A_329 = arith.addi %scan3A_311, %scan3A_328 : i32
              %broadcast_in_dim3A_330 = vector.broadcast %scan3A_329 : i32 to vector<16xi32>
              %gather3A_331 = tpu.vector_load_idx %arg8[%broadcast_in_dim3A_330, %min3A_247] : memref<64x512xf32, #tpu.memory_space<vmem>>[vector<16xi32>, vector<16xi32>], vector<16xf32>,
              %broadcast_in_dim3A_332 = vector.broadcast %scan3A_329 : i32 to vector<16xi32>
              tpu.vector_store_idx %arg10[%iota3A, %broadcast_in_dim3A_332], %gather3A_331 : memref<16x128xf32, #tpu.memory_space<vmem>>[vector<16xi32>, vector<16xi32>], vector<16xf32>,
              %scan3A_333 = arith.constant 0 : i32
              scf.yield %scan3A_333 : i32
            }
            %scan3A_303 = arith.constant 64 : i32
            %dma_start3A_304 = arith.constant 0 : i32
            %dma_start3A_305 = arith.constant 0 : i32
            %dma_start3A_306 = tpu.memref_slice %arg4[%dma_start3A_304, %dma_start3A_305] : memref<16896x128xf32, #tpu.memory_space<hbm>> -> memref<16896x128xf32, #tpu.memory_space<hbm>>
            tpu.enqueue_indirect_dma source(%arg10 : memref<16x128xf32, #tpu.memory_space<vmem>>) target(%dma_start3A_306 : memref<16896x128xf32, #tpu.memory_space<hbm>>) offsets(%select_n3A_288 : vector<16xi32>) semaphore(%arg15 : memref<!tpu.dma_semaphore, #tpu.memory_space<semaphore_mem>>)
            %swap3A_307 = arith.constant 1 : i32
            %swap3A_308 = arith.constant 1 : i32
            %swap3A_309 = arith.index_cast %swap3A_308 : i32 to index
            %swap3A_310 = memref.load %arg12[%swap3A_309] : memref<8xi32, #tpu.memory_space<smem>>
            memref.store %swap3A_307, %arg12[%swap3A_309] : memref<8xi32, #tpu.memory_space<smem>>
          } else {
          }
          %mul3A_197 = arith.constant 2 : i32
          %mul3A_198 = arith.muli %while3A_185, %mul3A_197 : i32
          %add3A_199 = arith.constant 1 : i32
          %add3A_200 = arith.addi %mul3A_198, %add3A_199 : i32
          %mul3A_201 = arith.constant 16 : i32
          %mul3A_202 = arith.muli %add3A_200, %mul3A_201 : i32
          %lt3A_203 = arith.cmpi slt, %mul3A_202, %get3A_138 : i32
          %convert_element_type3A_204 = arith.extui %lt3A_203 : i1 to i32
          %cond3A_205 = arith.constant 0 : i32
          %cond3A_206 = arith.cmpi ne, %convert_element_type3A_204, %cond3A_205 : i32
          scf.if %cond3A_206 {
            %mul3A_208 = arith.constant 16 : i32
            %mul3A_209 = arith.muli %add3A_200, %mul3A_208 : i32
            %get3A_210 = arith.index_cast %mul3A_209 : i32 to index
            %get3A_211 = tpu.vector_load %arg7[%get3A_210] {strides = array<i32>} : memref<16400xi32, #tpu.memory_space<vmem>>, vector<16xi32>,
            %jit3A_212 = arith.constant 16384 : i32
            %div3A_213 = vector.broadcast %jit3A_212 : i32 to vector<16xi32>
            %div3A_214 = arith.divsi %get3A_211, %div3A_213 : vector<16xi32>
            %sign3A_215 = arith.constant 0 : i32
            %sign3A_216 = vector.broadcast %sign3A_215 : i32 to vector<16xi32>
            %sign3A_217 = arith.cmpi sgt, %get3A_211, %sign3A_216 : vector<16xi32>
            %sign3A_218 = arith.extui %sign3A_217 : vector<16xi1> to vector<16xi32>
            %sign3A_219 = arith.constant 0 : i32
            %sign3A_220 = vector.broadcast %sign3A_219 : i32 to vector<16xi32>
            %sign3A_221 = arith.cmpi slt, %get3A_211, %sign3A_220 : vector<16xi32>
            %sign3A_222 = arith.extui %sign3A_221 : vector<16xi1> to vector<16xi32>
            %sign3A_223 = arith.subi %sign3A_218, %sign3A_222 : vector<16xi32>
            %sign3A_224 = arith.constant 0 : i32
            %sign3A_225 = arith.cmpi sgt, %jit3A_212, %sign3A_224 : i32
            %sign3A_226 = arith.extui %sign3A_225 : i1 to i32
            %sign3A_227 = arith.constant 0 : i32
            %sign3A_228 = arith.cmpi slt, %jit3A_212, %sign3A_227 : i32
            %sign3A_229 = arith.extui %sign3A_228 : i1 to i32
            %sign3A_230 = arith.subi %sign3A_226, %sign3A_229 : i32
            %ne3A_231 = vector.broadcast %sign3A_230 : i32 to vector<16xi32>
            %ne3A_232 = arith.cmpi ne, %sign3A_223, %ne3A_231 : vector<16xi32>
            %rem3A_233 = vector.broadcast %jit3A_212 : i32 to vector<16xi32>
            %rem3A_234 = arith.remsi %get3A_211, %rem3A_233 : vector<16xi32>
            %ne3A_235 = arith.constant 0 : i32
            %ne3A_236 = vector.broadcast %ne3A_235 : i32 to vector<16xi32>
            %ne3A_237 = arith.cmpi ne, %rem3A_234, %ne3A_236 : vector<16xi32>
            %and3A_238 = arith.andi %ne3A_232, %ne3A_237 : vector<16xi1>
            %sub3A_239 = arith.constant 1 : i32
            %sub3A_240 = vector.broadcast %sub3A_239 : i32 to vector<16xi32>
            %sub3A_241 = arith.subi %div3A_214, %sub3A_240 : vector<16xi32>
            %select_n3A_242 = arith.select %and3A_238, %sub3A_241, %div3A_214 : vector<16xi1>, vector<16xi32>
            %jit3A_243 = arith.constant 0 : i32
            %jit3A_244 = arith.constant 511 : i32
            %max3A = vector.broadcast %jit3A_243 : i32 to vector<16xi32>
            %max3A_245 = arith.maxsi %max3A, %select_n3A_242 : vector<16xi32>
            %min3A_246 = vector.broadcast %jit3A_244 : i32 to vector<16xi32>
            %min3A_247 = arith.minsi %min3A_246, %max3A_245 : vector<16xi32>
            %jit3A_248 = arith.constant 16384 : i32
            %div3A_249 = vector.broadcast %jit3A_248 : i32 to vector<16xi32>
            %div3A_250 = arith.divsi %get3A_211, %div3A_249 : vector<16xi32>
            %sign3A_251 = arith.constant 0 : i32
            %sign3A_252 = vector.broadcast %sign3A_251 : i32 to vector<16xi32>
            %sign3A_253 = arith.cmpi sgt, %get3A_211, %sign3A_252 : vector<16xi32>
            %sign3A_254 = arith.extui %sign3A_253 : vector<16xi1> to vector<16xi32>
            %sign3A_255 = arith.constant 0 : i32
            %sign3A_256 = vector.broadcast %sign3A_255 : i32 to vector<16xi32>
            %sign3A_257 = arith.cmpi slt, %get3A_211, %sign3A_256 : vector<16xi32>
            %sign3A_258 = arith.extui %sign3A_257 : vector<16xi1> to vector<16xi32>
            %sign3A_259 = arith.subi %sign3A_254, %sign3A_258 : vector<16xi32>
            %sign3A_260 = arith.constant 0 : i32
            %sign3A_261 = arith.cmpi sgt, %jit3A_248, %sign3A_260 : i32
            %sign3A_262 = arith.extui %sign3A_261 : i1 to i32
            %sign3A_263 = arith.constant 0 : i32
            %sign3A_264 = arith.cmpi slt, %jit3A_248, %sign3A_263 : i32
            %sign3A_265 = arith.extui %sign3A_264 : i1 to i32
            %sign3A_266 = arith.subi %sign3A_262, %sign3A_265 : i32
            %ne3A_267 = vector.broadcast %sign3A_266 : i32 to vector<16xi32>
            %ne3A_268 = arith.cmpi ne, %sign3A_259, %ne3A_267 : vector<16xi32>
            %rem3A_269 = vector.broadcast %jit3A_248 : i32 to vector<16xi32>
            %rem3A_270 = arith.remsi %get3A_211, %rem3A_269 : vector<16xi32>
            %ne3A_271 = arith.constant 0 : i32
            %ne3A_272 = vector.broadcast %ne3A_271 : i32 to vector<16xi32>
            %ne3A_273 = arith.cmpi ne, %rem3A_270, %ne3A_272 : vector<16xi32>
            %and3A_274 = arith.andi %ne3A_268, %ne3A_273 : vector<16xi1>
            %sub3A_275 = arith.constant 1 : i32
            %sub3A_276 = vector.broadcast %sub3A_275 : i32 to vector<16xi32>
            %sub3A_277 = arith.subi %div3A_250, %sub3A_276 : vector<16xi32>
            %select_n3A_278 = arith.select %and3A_274, %sub3A_277, %div3A_250 : vector<16xi1>, vector<16xi32>
            %mul3A_279 = arith.constant 16384 : i32
            %mul3A_280 = vector.broadcast %mul3A_279 : i32 to vector<16xi32>
            %mul3A_281 = arith.muli %select_n3A_278, %mul3A_280 : vector<16xi32>
            %sub3A_282 = arith.subi %get3A_211, %mul3A_281 : vector<16xi32>
            %mul3A_283 = arith.constant 16 : i32
            %mul3A_284 = arith.muli %add3A_200, %mul3A_283 : i32
            %sub3A_285 = arith.subi %get3A_138, %mul3A_284 : i32
            %broadcast_in_dim3A_286 = vector.broadcast %sub3A_285 : i32 to vector<16xi32>
            %lt3A_287 = arith.cmpi slt, %iota3A, %broadcast_in_dim3A_286 : vector<16xi32>
            %select_n3A_288 = arith.select %lt3A_287, %sub3A_282, %add3A_76 : vector<16xi1>, vector<16xi32>
            %get3A_289 = arith.constant 2 : i32
            %get3A_290 = arith.index_cast %get3A_289 : i32 to index
            %get3A_291 = memref.load %arg12[%get3A_290] : memref<8xi32, #tpu.memory_space<smem>>
            %eq3A_292 = arith.constant 1 : i32
            %eq3A_293 = arith.cmpi eq, %get3A_291, %eq3A_292 : i32
            %convert_element_type3A_294 = arith.extui %eq3A_293 : i1 to i32
            %cond3A_295 = arith.constant 0 : i32
            %cond3A_296 = arith.cmpi ne, %convert_element_type3A_294, %cond3A_295 : i32
            scf.if %cond3A_296 {
              %dma_wait3A_311 = arith.constant 0 : i32
              %dma_wait3A_312 = arith.constant 0 : i32
              %dma_wait3A_313 = tpu.memref_slice %arg4[%dma_wait3A_311, %dma_wait3A_312] : memref<16896x128xf32, #tpu.memory_space<hbm>> -> memref<16896x128xf32, #tpu.memory_space<hbm>>
              tpu.wait_indirect_dma semaphore(%arg16 : memref<!tpu.dma_semaphore, #tpu.memory_space<semaphore_mem>>) src(%arg11 : memref<16x128xf32, #tpu.memory_space<vmem>>) dst(%dma_wait3A_313 : memref<16896x128xf32, #tpu.memory_space<hbm>>)
            } else {
            }
            %scan3A_297 = arith.constant 0 : i32
            %scan3A_298 = arith.constant 0 : i32
            %scan3A_299 = arith.constant 64 : i32
            %scan3A_300 = arith.addi %scan3A_298, %scan3A_299 : i32
            %scan3A_301 = arith.constant 4 : i32
            %scan3A_302 = scf.for %scan3A_311 = %scan3A_298 to %scan3A_300 step %scan3A_301 iter_args(%scan3A_312 = %scan3A_297) -> (i32)  : i32 {
              %broadcast_in_dim3A_313 = vector.broadcast %scan3A_311 : i32 to vector<16xi32>
              %gather3A = tpu.vector_load_idx %arg8[%broadcast_in_dim3A_313, %min3A_247] : memref<64x512xf32, #tpu.memory_space<vmem>>[vector<16xi32>, vector<16xi32>], vector<16xf32>,
              %broadcast_in_dim3A_314 = vector.broadcast %scan3A_311 : i32 to vector<16xi32>
              tpu.vector_store_idx %arg11[%iota3A, %broadcast_in_dim3A_314], %gather3A : memref<16x128xf32, #tpu.memory_space<vmem>>[vector<16xi32>, vector<16xi32>], vector<16xf32>,
              %scan3A_315 = arith.constant 0 : i32
              %scan3A_316 = arith.constant 1 : i32
              %scan3A_317 = arith.addi %scan3A_311, %scan3A_316 : i32
              %broadcast_in_dim3A_318 = vector.broadcast %scan3A_317 : i32 to vector<16xi32>
              %gather3A_319 = tpu.vector_load_idx %arg8[%broadcast_in_dim3A_318, %min3A_247] : memref<64x512xf32, #tpu.memory_space<vmem>>[vector<16xi32>, vector<16xi32>], vector<16xf32>,
              %broadcast_in_dim3A_320 = vector.broadcast %scan3A_317 : i32 to vector<16xi32>
              tpu.vector_store_idx %arg11[%iota3A, %broadcast_in_dim3A_320], %gather3A_319 : memref<16x128xf32, #tpu.memory_space<vmem>>[vector<16xi32>, vector<16xi32>], vector<16xf32>,
              %scan3A_321 = arith.constant 0 : i32
              %scan3A_322 = arith.constant 2 : i32
              %scan3A_323 = arith.addi %scan3A_311, %scan3A_322 : i32
              %broadcast_in_dim3A_324 = vector.broadcast %scan3A_323 : i32 to vector<16xi32>
              %gather3A_325 = tpu.vector_load_idx %arg8[%broadcast_in_dim3A_324, %min3A_247] : memref<64x512xf32, #tpu.memory_space<vmem>>[vector<16xi32>, vector<16xi32>], vector<16xf32>,
              %broadcast_in_dim3A_326 = vector.broadcast %scan3A_323 : i32 to vector<16xi32>
              tpu.vector_store_idx %arg11[%iota3A, %broadcast_in_dim3A_326], %gather3A_325 : memref<16x128xf32, #tpu.memory_space<vmem>>[vector<16xi32>, vector<16xi32>], vector<16xf32>,
              %scan3A_327 = arith.constant 0 : i32
              %scan3A_328 = arith.constant 3 : i32
              %scan3A_329 = arith.addi %scan3A_311, %scan3A_328 : i32
              %broadcast_in_dim3A_330 = vector.broadcast %scan3A_329 : i32 to vector<16xi32>
              %gather3A_331 = tpu.vector_load_idx %arg8[%broadcast_in_dim3A_330, %min3A_247] : memref<64x512xf32, #tpu.memory_space<vmem>>[vector<16xi32>, vector<16xi32>], vector<16xf32>,
              %broadcast_in_dim3A_332 = vector.broadcast %scan3A_329 : i32 to vector<16xi32>
              tpu.vector_store_idx %arg11[%iota3A, %broadcast_in_dim3A_332], %gather3A_331 : memref<16x128xf32, #tpu.memory_space<vmem>>[vector<16xi32>, vector<16xi32>], vector<16xf32>,
              %scan3A_333 = arith.constant 0 : i32
              scf.yield %scan3A_333 : i32
            }
            %scan3A_303 = arith.constant 64 : i32
            %dma_start3A_304 = arith.constant 0 : i32
            %dma_start3A_305 = arith.constant 0 : i32
            %dma_start3A_306 = tpu.memref_slice %arg4[%dma_start3A_304, %dma_start3A_305] : memref<16896x128xf32, #tpu.memory_space<hbm>> -> memref<16896x128xf32, #tpu.memory_space<hbm>>
            tpu.enqueue_indirect_dma source(%arg11 : memref<16x128xf32, #tpu.memory_space<vmem>>) target(%dma_start3A_306 : memref<16896x128xf32, #tpu.memory_space<hbm>>) offsets(%select_n3A_288 : vector<16xi32>) semaphore(%arg16 : memref<!tpu.dma_semaphore, #tpu.memory_space<semaphore_mem>>)
            %swap3A_307 = arith.constant 1 : i32
            %swap3A_308 = arith.constant 2 : i32
            %swap3A_309 = arith.index_cast %swap3A_308 : i32 to index
            %swap3A_310 = memref.load %arg12[%swap3A_309] : memref<8xi32, #tpu.memory_space<smem>>
            memref.store %swap3A_307, %arg12[%swap3A_309] : memref<8xi32, #tpu.memory_space<smem>>
          } else {
          }
          %while3A_207 = arith.constant 0 : i32
          scf.yield %while3A_207 : i32
        }
        %add3A_179 = arith.constant 2 : i32
        %add3A_180 = arith.addi %add3A_101, %add3A_179 : i32
        %lt3A_181 = arith.cmpi slt, %add3A_180, %add3A_11 : i32
        %convert_element_type3A_182 = arith.extui %lt3A_181 : i1 to i32
        %cond3A_183 = arith.constant 0 : i32
        %cond3A_184 = arith.cmpi ne, %convert_element_type3A_182, %cond3A_183 : i32
        scf.if %cond3A_184 {
          %add3A_185 = arith.constant 2 : i32
          %add3A_186 = arith.addi %add3A_101, %add3A_185 : i32
          %mul3A_187 = arith.constant 512 : i32
          %mul3A_188 = arith.muli %add3A_186, %mul3A_187 : i32
          %add3A_189 = arith.addi %mul3A_17, %mul3A_188 : i32
          %multiple_of3A_190 = tpu.assume_multiple %add3A_189, 128 : i32
          %dma_start3A_191 = arith.constant 0 : i32
          %dma_start3A_192 = tpu.memref_slice %arg3[%dma_start3A_191, %multiple_of3A_190] : memref<64x1000000xf32, #tpu.memory_space<hbm>> -> memref<64x512xf32, #tpu.memory_space<hbm>>
          %dma_start3A_193 = arith.constant 0 : i32
          %dma_start3A_194 = tpu.memref_slice %arg3[%dma_start3A_193, %multiple_of3A_190] : memref<64x1000000xf32, #tpu.memory_space<hbm>> -> memref<64x512xf32, #tpu.memory_space<hbm>>
          tpu.enqueue_dma source(%dma_start3A_194 : memref<64x512xf32, #tpu.memory_space<hbm>>) target(%arg8 : memref<64x512xf32, #tpu.memory_space<vmem>>) target_semaphore(%arg13 : memref<!tpu.dma_semaphore, #tpu.memory_space<semaphore_mem>>)
        } else {
        }
      } else {
      }
      %mul3A_106 = arith.constant 2 : i32
      %mul3A_107 = arith.muli %scan3A_96, %mul3A_106 : i32
      %add3A_108 = arith.constant 1 : i32
      %add3A_109 = arith.addi %mul3A_107, %add3A_108 : i32
      %lt3A_110 = arith.cmpi slt, %add3A_109, %add3A_11 : i32
      %convert_element_type3A_111 = arith.extui %lt3A_110 : i1 to i32
      %cond3A_112 = arith.constant 0 : i32
      %cond3A_113 = arith.cmpi ne, %convert_element_type3A_111, %cond3A_112 : i32
      scf.if %cond3A_113 {
        %add3A_115 = arith.constant 0 : i32
        %add3A_116 = arith.addi %mul3A_17, %add3A_115 : i32
        %multiple_of3A_117 = tpu.assume_multiple %add3A_116, 128 : i32
        %dma_wait3A = arith.constant 0 : i32
        %dma_wait3A_118 = tpu.memref_slice %arg3[%dma_wait3A, %multiple_of3A_117] : memref<64x1000000xf32, #tpu.memory_space<hbm>> -> memref<64x512xf32, #tpu.memory_space<hbm>>
        %dma_wait3A_119 = arith.constant 0 : i32
        %dma_wait3A_120 = tpu.memref_slice %arg3[%dma_wait3A_119, %multiple_of3A_117] : memref<64x1000000xf32, #tpu.memory_space<hbm>> -> memref<64x512xf32, #tpu.memory_space<hbm>>
        tpu.wait_dma2 semaphore(%arg14 : memref<!tpu.dma_semaphore, #tpu.memory_space<semaphore_mem>>) src(%dma_wait3A_120 : memref<64x512xf32, #tpu.memory_space<hbm>>) dst(%arg9 : memref<64x512xf32, #tpu.memory_space<vmem>>)
        %swap3A_121 = arith.constant 0 : i32
        %swap3A_122 = arith.constant 0 : i32
        %swap3A_123 = arith.index_cast %swap3A_122 : i32 to index
        %swap3A_124 = memref.load %arg12[%swap3A_123] : memref<8xi32, #tpu.memory_space<smem>>
        memref.store %swap3A_121, %arg12[%swap3A_123] : memref<8xi32, #tpu.memory_space<smem>>
        %while3A = arith.constant 0 : i32
        %while3A_125 = arith.constant 0 : i32
        %while3A_126 = arith.subi %select_n3A_70, %while3A : i32
        %while3A_127 = arith.addi %while3A, %while3A_126 : i32
        %while3A_128 = arith.constant 1 : i32
        %while3A_129 = arith.divsi %while3A_126, %while3A_128 : i32
        %while3A_130 = arith.muli %while3A_129, %while3A_128 : i32
        %while3A_131 = arith.addi %while3A, %while3A_130 : i32
        %while3A_132 = arith.constant 1 : i32
        %while3A_133 = scf.for %while3A_185 = %while3A to %while3A_131 step %while3A_132 iter_args(%while3A_186 = %while3A_125) -> (i32)  : i32 {
          %mul3A_187 = arith.constant 16 : i32
          %mul3A_188 = arith.muli %while3A_185, %mul3A_187 : i32
          %get3A_189 = arith.index_cast %mul3A_188 : i32 to index
          %get3A_190 = tpu.vector_load %arg6[%get3A_189] {strides = array<i32>} : memref<16400xi32, #tpu.memory_space<vmem>>, vector<16xi32>,
          %mul3A_191 = arith.constant 512 : i32
          %mul3A_192 = arith.muli %add3A_109, %mul3A_191 : i32
          %mul3A_193 = arith.constant 16384 : i32
          %mul3A_194 = arith.muli %mul3A_192, %mul3A_193 : i32
          %broadcast_in_dim3A_195 = vector.broadcast %mul3A_194 : i32 to vector<16xi32>
          %sub3A_196 = arith.subi %get3A_190, %broadcast_in_dim3A_195 : vector<16xi32>
          %ge3A = arith.constant 0 : i32
          %ge3A_197 = vector.broadcast %ge3A : i32 to vector<16xi32>
          %ge3A_198 = arith.cmpi sge, %sub3A_196, %ge3A_197 : vector<16xi32>
          %lt3A_199 = arith.constant 8388608 : i32
          %lt3A_200 = vector.broadcast %lt3A_199 : i32 to vector<16xi32>
          %lt3A_201 = arith.cmpi slt, %sub3A_196, %lt3A_200 : vector<16xi32>
          %and3A_202 = arith.andi %ge3A_198, %lt3A_201 : vector<16xi1>
          %convert_element_type3A_203 = arith.extui %and3A_202 : vector<16xi1> to vector<16xi32>
          %get3A_204 = arith.constant 0 : i32
          %get3A_205 = arith.index_cast %get3A_204 : i32 to index
          %get3A_206 = memref.load %arg12[%get3A_205] : memref<8xi32, #tpu.memory_space<smem>>
          %broadcast_in_dim3A_207 = vector.broadcast %get3A_206 : i32 to vector<16xi32>
          %broadcast_in_dim3A_208 = arith.constant true
          %broadcast_in_dim3A_209 = vector.broadcast %broadcast_in_dim3A_208 : i1 to vector<16xi1>
          %masked_cumsum3A = tpu.scan <sum>, %convert_element_type3A_203 masked %broadcast_in_dim3A_209 : vector<16xi32>, vector<16xi1> -> vector<16xi32>
          %add3A_210 = arith.addi %broadcast_in_dim3A_207, %masked_cumsum3A : vector<16xi32>
          %sub3A_211 = arith.subi %add3A_210, %convert_element_type3A_203 : vector<16xi32>
          tpu.vector_store_idx %arg7[%sub3A_211], %sub3A_196 masked %and3A_202 : memref<16400xi32, #tpu.memory_space<vmem>>[vector<16xi32>], vector<16xi32>, vector<16xi1>
          %get3A_212 = arith.constant 0 : i32
          %get3A_213 = arith.index_cast %get3A_212 : i32 to index
          %get3A_214 = memref.load %arg12[%get3A_213] : memref<8xi32, #tpu.memory_space<smem>>
          %all_reduce_population_count3A = tpu.all_reduce %and3A_202 {dim = 0 : i64, kind = #tpu.reduction_kind<sum>} : vector<16xi1> -> vector<16xi32>
          %reduce_max3A_215 = arith.constant true
          %reduce_max3A_216 = vector.broadcast %reduce_max3A_215 : i1 to vector<16xi1>
          %reduce_max3A_217 = arith.constant -2147483648 : i32
          %reduce_max3A_218 = vector.broadcast %reduce_max3A_217 : i32 to vector<16xi32>
          %reduce_max3A_219 = arith.xori %all_reduce_population_count3A, %reduce_max3A_218 : vector<16xi32>
          %reduce_max3A_220 = tpu.scan <max>, %reduce_max3A_219 masked %reduce_max3A_216 : vector<16xi32>, vector<16xi1> -> vector<16xi32>
          %reduce_max3A_221 = arith.xori %reduce_max3A_220, %reduce_max3A_218 : vector<16xi32>
          %reduce_max3A_222 = vector.extract %reduce_max3A_221[15] : i32 from vector<16xi32>
          %add3A_223 = arith.addi %get3A_214, %reduce_max3A_222 : i32
          %swap3A_224 = arith.constant 0 : i32
          %swap3A_225 = arith.index_cast %swap3A_224 : i32 to index
          %swap3A_226 = memref.load %arg12[%swap3A_225] : memref<8xi32, #tpu.memory_space<smem>>
          memref.store %add3A_223, %arg12[%swap3A_225] : memref<8xi32, #tpu.memory_space<smem>>
          %while3A_227 = arith.constant 0 : i32
          scf.yield %while3A_227 : i32
        }
        %while3A_134 = arith.constant 1 : i32
        %while3A_135 = scf.for %while3A_185 = %while3A_131 to %while3A_127 step %while3A_134 iter_args(%while3A_186 = %while3A_133) -> (i32)  : i32 {
          %mul3A_187 = arith.constant 16 : i32
          %mul3A_188 = arith.muli %while3A_185, %mul3A_187 : i32
          %get3A_189 = arith.index_cast %mul3A_188 : i32 to index
          %get3A_190 = tpu.vector_load %arg6[%get3A_189] {strides = array<i32>} : memref<16400xi32, #tpu.memory_space<vmem>>, vector<16xi32>,
          %mul3A_191 = arith.constant 512 : i32
          %mul3A_192 = arith.muli %add3A_109, %mul3A_191 : i32
          %mul3A_193 = arith.constant 16384 : i32
          %mul3A_194 = arith.muli %mul3A_192, %mul3A_193 : i32
          %broadcast_in_dim3A_195 = vector.broadcast %mul3A_194 : i32 to vector<16xi32>
          %sub3A_196 = arith.subi %get3A_190, %broadcast_in_dim3A_195 : vector<16xi32>
          %ge3A = arith.constant 0 : i32
          %ge3A_197 = vector.broadcast %ge3A : i32 to vector<16xi32>
          %ge3A_198 = arith.cmpi sge, %sub3A_196, %ge3A_197 : vector<16xi32>
          %lt3A_199 = arith.constant 8388608 : i32
          %lt3A_200 = vector.broadcast %lt3A_199 : i32 to vector<16xi32>
          %lt3A_201 = arith.cmpi slt, %sub3A_196, %lt3A_200 : vector<16xi32>
          %and3A_202 = arith.andi %ge3A_198, %lt3A_201 : vector<16xi1>
          %convert_element_type3A_203 = arith.extui %and3A_202 : vector<16xi1> to vector<16xi32>
          %get3A_204 = arith.constant 0 : i32
          %get3A_205 = arith.index_cast %get3A_204 : i32 to index
          %get3A_206 = memref.load %arg12[%get3A_205] : memref<8xi32, #tpu.memory_space<smem>>
          %broadcast_in_dim3A_207 = vector.broadcast %get3A_206 : i32 to vector<16xi32>
          %broadcast_in_dim3A_208 = arith.constant true
          %broadcast_in_dim3A_209 = vector.broadcast %broadcast_in_dim3A_208 : i1 to vector<16xi1>
          %masked_cumsum3A = tpu.scan <sum>, %convert_element_type3A_203 masked %broadcast_in_dim3A_209 : vector<16xi32>, vector<16xi1> -> vector<16xi32>
          %add3A_210 = arith.addi %broadcast_in_dim3A_207, %masked_cumsum3A : vector<16xi32>
          %sub3A_211 = arith.subi %add3A_210, %convert_element_type3A_203 : vector<16xi32>
          tpu.vector_store_idx %arg7[%sub3A_211], %sub3A_196 masked %and3A_202 : memref<16400xi32, #tpu.memory_space<vmem>>[vector<16xi32>], vector<16xi32>, vector<16xi1>
          %get3A_212 = arith.constant 0 : i32
          %get3A_213 = arith.index_cast %get3A_212 : i32 to index
          %get3A_214 = memref.load %arg12[%get3A_213] : memref<8xi32, #tpu.memory_space<smem>>
          %all_reduce_population_count3A = tpu.all_reduce %and3A_202 {dim = 0 : i64, kind = #tpu.reduction_kind<sum>} : vector<16xi1> -> vector<16xi32>
          %reduce_max3A_215 = arith.constant true
          %reduce_max3A_216 = vector.broadcast %reduce_max3A_215 : i1 to vector<16xi1>
          %reduce_max3A_217 = arith.constant -2147483648 : i32
          %reduce_max3A_218 = vector.broadcast %reduce_max3A_217 : i32 to vector<16xi32>
          %reduce_max3A_219 = arith.xori %all_reduce_population_count3A, %reduce_max3A_218 : vector<16xi32>
          %reduce_max3A_220 = tpu.scan <max>, %reduce_max3A_219 masked %reduce_max3A_216 : vector<16xi32>, vector<16xi1> -> vector<16xi32>
          %reduce_max3A_221 = arith.xori %reduce_max3A_220, %reduce_max3A_218 : vector<16xi32>
          %reduce_max3A_222 = vector.extract %reduce_max3A_221[15] : i32 from vector<16xi32>
          %add3A_223 = arith.addi %get3A_214, %reduce_max3A_222 : i32
          %swap3A_224 = arith.constant 0 : i32
          %swap3A_225 = arith.index_cast %swap3A_224 : i32 to index
          %swap3A_226 = memref.load %arg12[%swap3A_225] : memref<8xi32, #tpu.memory_space<smem>>
          memref.store %add3A_223, %arg12[%swap3A_225] : memref<8xi32, #tpu.memory_space<smem>>
          %while3A_227 = arith.constant 0 : i32
          scf.yield %while3A_227 : i32
        }
        %get3A_136 = arith.constant 0 : i32
        %get3A_137 = arith.index_cast %get3A_136 : i32 to index
        %get3A_138 = memref.load %arg12[%get3A_137] : memref<8xi32, #tpu.memory_space<smem>>
        %add3A_139 = arith.constant 32 : i32
        %add3A_140 = arith.addi %get3A_138, %add3A_139 : i32
        %sub3A_141 = arith.constant 1 : i32
        %sub3A_142 = arith.subi %add3A_140, %sub3A_141 : i32
        %jit3A_143 = arith.constant 32 : i32
        %div3A_144 = arith.divsi %sub3A_142, %jit3A_143 : i32
        %sign3A_145 = arith.constant 0 : i32
        %sign3A_146 = arith.cmpi sgt, %sub3A_142, %sign3A_145 : i32
        %sign3A_147 = arith.extui %sign3A_146 : i1 to i32
        %sign3A_148 = arith.constant 0 : i32
        %sign3A_149 = arith.cmpi slt, %sub3A_142, %sign3A_148 : i32
        %sign3A_150 = arith.extui %sign3A_149 : i1 to i32
        %sign3A_151 = arith.subi %sign3A_147, %sign3A_150 : i32
        %sign3A_152 = arith.constant 0 : i32
        %sign3A_153 = arith.cmpi sgt, %jit3A_143, %sign3A_152 : i32
        %sign3A_154 = arith.extui %sign3A_153 : i1 to i32
        %sign3A_155 = arith.constant 0 : i32
        %sign3A_156 = arith.cmpi slt, %jit3A_143, %sign3A_155 : i32
        %sign3A_157 = arith.extui %sign3A_156 : i1 to i32
        %sign3A_158 = arith.subi %sign3A_154, %sign3A_157 : i32
        %ne3A_159 = arith.cmpi ne, %sign3A_151, %sign3A_158 : i32
        %rem3A_160 = arith.remsi %sub3A_142, %jit3A_143 : i32
        %ne3A_161 = arith.constant 0 : i32
        %ne3A_162 = arith.cmpi ne, %rem3A_160, %ne3A_161 : i32
        %and3A_163 = arith.andi %ne3A_159, %ne3A_162 : i1
        %sub3A_164 = arith.constant 1 : i32
        %sub3A_165 = arith.subi %div3A_144, %sub3A_164 : i32
        %select_n3A_166 = arith.select %and3A_163, %sub3A_165, %div3A_144 : i32
        %while3A_167 = arith.constant 0 : i32
        %while3A_168 = arith.constant 0 : i32
        %while3A_169 = arith.subi %select_n3A_166, %while3A_167 : i32
        %while3A_170 = arith.addi %while3A_167, %while3A_169 : i32
        %while3A_171 = arith.constant 1 : i32
        %while3A_172 = arith.divsi %while3A_169, %while3A_171 : i32
        %while3A_173 = arith.muli %while3A_172, %while3A_171 : i32
        %while3A_174 = arith.addi %while3A_167, %while3A_173 : i32
        %while3A_175 = arith.constant 1 : i32
        %while3A_176 = scf.for %while3A_185 = %while3A_167 to %while3A_174 step %while3A_175 iter_args(%while3A_186 = %while3A_168) -> (i32)  : i32 {
          %mul3A_187 = arith.constant 2 : i32
          %mul3A_188 = arith.muli %while3A_185, %mul3A_187 : i32
          %add3A_189 = arith.constant 0 : i32
          %add3A_190 = arith.addi %mul3A_188, %add3A_189 : i32
          %mul3A_191 = arith.constant 16 : i32
          %mul3A_192 = arith.muli %add3A_190, %mul3A_191 : i32
          %lt3A_193 = arith.cmpi slt, %mul3A_192, %get3A_138 : i32
          %convert_element_type3A_194 = arith.extui %lt3A_193 : i1 to i32
          %cond3A_195 = arith.constant 0 : i32
          %cond3A_196 = arith.cmpi ne, %convert_element_type3A_194, %cond3A_195 : i32
          scf.if %cond3A_196 {
            %mul3A_208 = arith.constant 16 : i32
            %mul3A_209 = arith.muli %add3A_190, %mul3A_208 : i32
            %get3A_210 = arith.index_cast %mul3A_209 : i32 to index
            %get3A_211 = tpu.vector_load %arg7[%get3A_210] {strides = array<i32>} : memref<16400xi32, #tpu.memory_space<vmem>>, vector<16xi32>,
            %jit3A_212 = arith.constant 16384 : i32
            %div3A_213 = vector.broadcast %jit3A_212 : i32 to vector<16xi32>
            %div3A_214 = arith.divsi %get3A_211, %div3A_213 : vector<16xi32>
            %sign3A_215 = arith.constant 0 : i32
            %sign3A_216 = vector.broadcast %sign3A_215 : i32 to vector<16xi32>
            %sign3A_217 = arith.cmpi sgt, %get3A_211, %sign3A_216 : vector<16xi32>
            %sign3A_218 = arith.extui %sign3A_217 : vector<16xi1> to vector<16xi32>
            %sign3A_219 = arith.constant 0 : i32
            %sign3A_220 = vector.broadcast %sign3A_219 : i32 to vector<16xi32>
            %sign3A_221 = arith.cmpi slt, %get3A_211, %sign3A_220 : vector<16xi32>
            %sign3A_222 = arith.extui %sign3A_221 : vector<16xi1> to vector<16xi32>
            %sign3A_223 = arith.subi %sign3A_218, %sign3A_222 : vector<16xi32>
            %sign3A_224 = arith.constant 0 : i32
            %sign3A_225 = arith.cmpi sgt, %jit3A_212, %sign3A_224 : i32
            %sign3A_226 = arith.extui %sign3A_225 : i1 to i32
            %sign3A_227 = arith.constant 0 : i32
            %sign3A_228 = arith.cmpi slt, %jit3A_212, %sign3A_227 : i32
            %sign3A_229 = arith.extui %sign3A_228 : i1 to i32
            %sign3A_230 = arith.subi %sign3A_226, %sign3A_229 : i32
            %ne3A_231 = vector.broadcast %sign3A_230 : i32 to vector<16xi32>
            %ne3A_232 = arith.cmpi ne, %sign3A_223, %ne3A_231 : vector<16xi32>
            %rem3A_233 = vector.broadcast %jit3A_212 : i32 to vector<16xi32>
            %rem3A_234 = arith.remsi %get3A_211, %rem3A_233 : vector<16xi32>
            %ne3A_235 = arith.constant 0 : i32
            %ne3A_236 = vector.broadcast %ne3A_235 : i32 to vector<16xi32>
            %ne3A_237 = arith.cmpi ne, %rem3A_234, %ne3A_236 : vector<16xi32>
            %and3A_238 = arith.andi %ne3A_232, %ne3A_237 : vector<16xi1>
            %sub3A_239 = arith.constant 1 : i32
            %sub3A_240 = vector.broadcast %sub3A_239 : i32 to vector<16xi32>
            %sub3A_241 = arith.subi %div3A_214, %sub3A_240 : vector<16xi32>
            %select_n3A_242 = arith.select %and3A_238, %sub3A_241, %div3A_214 : vector<16xi1>, vector<16xi32>
            %jit3A_243 = arith.constant 0 : i32
            %jit3A_244 = arith.constant 511 : i32
            %max3A = vector.broadcast %jit3A_243 : i32 to vector<16xi32>
            %max3A_245 = arith.maxsi %max3A, %select_n3A_242 : vector<16xi32>
            %min3A_246 = vector.broadcast %jit3A_244 : i32 to vector<16xi32>
            %min3A_247 = arith.minsi %min3A_246, %max3A_245 : vector<16xi32>
            %jit3A_248 = arith.constant 16384 : i32
            %div3A_249 = vector.broadcast %jit3A_248 : i32 to vector<16xi32>
            %div3A_250 = arith.divsi %get3A_211, %div3A_249 : vector<16xi32>
            %sign3A_251 = arith.constant 0 : i32
            %sign3A_252 = vector.broadcast %sign3A_251 : i32 to vector<16xi32>
            %sign3A_253 = arith.cmpi sgt, %get3A_211, %sign3A_252 : vector<16xi32>
            %sign3A_254 = arith.extui %sign3A_253 : vector<16xi1> to vector<16xi32>
            %sign3A_255 = arith.constant 0 : i32
            %sign3A_256 = vector.broadcast %sign3A_255 : i32 to vector<16xi32>
            %sign3A_257 = arith.cmpi slt, %get3A_211, %sign3A_256 : vector<16xi32>
            %sign3A_258 = arith.extui %sign3A_257 : vector<16xi1> to vector<16xi32>
            %sign3A_259 = arith.subi %sign3A_254, %sign3A_258 : vector<16xi32>
            %sign3A_260 = arith.constant 0 : i32
            %sign3A_261 = arith.cmpi sgt, %jit3A_248, %sign3A_260 : i32
            %sign3A_262 = arith.extui %sign3A_261 : i1 to i32
            %sign3A_263 = arith.constant 0 : i32
            %sign3A_264 = arith.cmpi slt, %jit3A_248, %sign3A_263 : i32
            %sign3A_265 = arith.extui %sign3A_264 : i1 to i32
            %sign3A_266 = arith.subi %sign3A_262, %sign3A_265 : i32
            %ne3A_267 = vector.broadcast %sign3A_266 : i32 to vector<16xi32>
            %ne3A_268 = arith.cmpi ne, %sign3A_259, %ne3A_267 : vector<16xi32>
            %rem3A_269 = vector.broadcast %jit3A_248 : i32 to vector<16xi32>
            %rem3A_270 = arith.remsi %get3A_211, %rem3A_269 : vector<16xi32>
            %ne3A_271 = arith.constant 0 : i32
            %ne3A_272 = vector.broadcast %ne3A_271 : i32 to vector<16xi32>
            %ne3A_273 = arith.cmpi ne, %rem3A_270, %ne3A_272 : vector<16xi32>
            %and3A_274 = arith.andi %ne3A_268, %ne3A_273 : vector<16xi1>
            %sub3A_275 = arith.constant 1 : i32
            %sub3A_276 = vector.broadcast %sub3A_275 : i32 to vector<16xi32>
            %sub3A_277 = arith.subi %div3A_250, %sub3A_276 : vector<16xi32>
            %select_n3A_278 = arith.select %and3A_274, %sub3A_277, %div3A_250 : vector<16xi1>, vector<16xi32>
            %mul3A_279 = arith.constant 16384 : i32
            %mul3A_280 = vector.broadcast %mul3A_279 : i32 to vector<16xi32>
            %mul3A_281 = arith.muli %select_n3A_278, %mul3A_280 : vector<16xi32>
            %sub3A_282 = arith.subi %get3A_211, %mul3A_281 : vector<16xi32>
            %mul3A_283 = arith.constant 16 : i32
            %mul3A_284 = arith.muli %add3A_190, %mul3A_283 : i32
            %sub3A_285 = arith.subi %get3A_138, %mul3A_284 : i32
            %broadcast_in_dim3A_286 = vector.broadcast %sub3A_285 : i32 to vector<16xi32>
            %lt3A_287 = arith.cmpi slt, %iota3A, %broadcast_in_dim3A_286 : vector<16xi32>
            %select_n3A_288 = arith.select %lt3A_287, %sub3A_282, %add3A_76 : vector<16xi1>, vector<16xi32>
            %get3A_289 = arith.constant 1 : i32
            %get3A_290 = arith.index_cast %get3A_289 : i32 to index
            %get3A_291 = memref.load %arg12[%get3A_290] : memref<8xi32, #tpu.memory_space<smem>>
            %eq3A_292 = arith.constant 1 : i32
            %eq3A_293 = arith.cmpi eq, %get3A_291, %eq3A_292 : i32
            %convert_element_type3A_294 = arith.extui %eq3A_293 : i1 to i32
            %cond3A_295 = arith.constant 0 : i32
            %cond3A_296 = arith.cmpi ne, %convert_element_type3A_294, %cond3A_295 : i32
            scf.if %cond3A_296 {
              %dma_wait3A_311 = arith.constant 0 : i32
              %dma_wait3A_312 = arith.constant 0 : i32
              %dma_wait3A_313 = tpu.memref_slice %arg4[%dma_wait3A_311, %dma_wait3A_312] : memref<16896x128xf32, #tpu.memory_space<hbm>> -> memref<16896x128xf32, #tpu.memory_space<hbm>>
              tpu.wait_indirect_dma semaphore(%arg15 : memref<!tpu.dma_semaphore, #tpu.memory_space<semaphore_mem>>) src(%arg10 : memref<16x128xf32, #tpu.memory_space<vmem>>) dst(%dma_wait3A_313 : memref<16896x128xf32, #tpu.memory_space<hbm>>)
            } else {
            }
            %scan3A_297 = arith.constant 0 : i32
            %scan3A_298 = arith.constant 0 : i32
            %scan3A_299 = arith.constant 64 : i32
            %scan3A_300 = arith.addi %scan3A_298, %scan3A_299 : i32
            %scan3A_301 = arith.constant 4 : i32
            %scan3A_302 = scf.for %scan3A_311 = %scan3A_298 to %scan3A_300 step %scan3A_301 iter_args(%scan3A_312 = %scan3A_297) -> (i32)  : i32 {
              %broadcast_in_dim3A_313 = vector.broadcast %scan3A_311 : i32 to vector<16xi32>
              %gather3A = tpu.vector_load_idx %arg9[%broadcast_in_dim3A_313, %min3A_247] : memref<64x512xf32, #tpu.memory_space<vmem>>[vector<16xi32>, vector<16xi32>], vector<16xf32>,
              %broadcast_in_dim3A_314 = vector.broadcast %scan3A_311 : i32 to vector<16xi32>
              tpu.vector_store_idx %arg10[%iota3A, %broadcast_in_dim3A_314], %gather3A : memref<16x128xf32, #tpu.memory_space<vmem>>[vector<16xi32>, vector<16xi32>], vector<16xf32>,
              %scan3A_315 = arith.constant 0 : i32
              %scan3A_316 = arith.constant 1 : i32
              %scan3A_317 = arith.addi %scan3A_311, %scan3A_316 : i32
              %broadcast_in_dim3A_318 = vector.broadcast %scan3A_317 : i32 to vector<16xi32>
              %gather3A_319 = tpu.vector_load_idx %arg9[%broadcast_in_dim3A_318, %min3A_247] : memref<64x512xf32, #tpu.memory_space<vmem>>[vector<16xi32>, vector<16xi32>], vector<16xf32>,
              %broadcast_in_dim3A_320 = vector.broadcast %scan3A_317 : i32 to vector<16xi32>
              tpu.vector_store_idx %arg10[%iota3A, %broadcast_in_dim3A_320], %gather3A_319 : memref<16x128xf32, #tpu.memory_space<vmem>>[vector<16xi32>, vector<16xi32>], vector<16xf32>,
              %scan3A_321 = arith.constant 0 : i32
              %scan3A_322 = arith.constant 2 : i32
              %scan3A_323 = arith.addi %scan3A_311, %scan3A_322 : i32
              %broadcast_in_dim3A_324 = vector.broadcast %scan3A_323 : i32 to vector<16xi32>
              %gather3A_325 = tpu.vector_load_idx %arg9[%broadcast_in_dim3A_324, %min3A_247] : memref<64x512xf32, #tpu.memory_space<vmem>>[vector<16xi32>, vector<16xi32>], vector<16xf32>,
              %broadcast_in_dim3A_326 = vector.broadcast %scan3A_323 : i32 to vector<16xi32>
              tpu.vector_store_idx %arg10[%iota3A, %broadcast_in_dim3A_326], %gather3A_325 : memref<16x128xf32, #tpu.memory_space<vmem>>[vector<16xi32>, vector<16xi32>], vector<16xf32>,
              %scan3A_327 = arith.constant 0 : i32
              %scan3A_328 = arith.constant 3 : i32
              %scan3A_329 = arith.addi %scan3A_311, %scan3A_328 : i32
              %broadcast_in_dim3A_330 = vector.broadcast %scan3A_329 : i32 to vector<16xi32>
              %gather3A_331 = tpu.vector_load_idx %arg9[%broadcast_in_dim3A_330, %min3A_247] : memref<64x512xf32, #tpu.memory_space<vmem>>[vector<16xi32>, vector<16xi32>], vector<16xf32>,
              %broadcast_in_dim3A_332 = vector.broadcast %scan3A_329 : i32 to vector<16xi32>
              tpu.vector_store_idx %arg10[%iota3A, %broadcast_in_dim3A_332], %gather3A_331 : memref<16x128xf32, #tpu.memory_space<vmem>>[vector<16xi32>, vector<16xi32>], vector<16xf32>,
              %scan3A_333 = arith.constant 0 : i32
              scf.yield %scan3A_333 : i32
            }
            %scan3A_303 = arith.constant 64 : i32
            %dma_start3A_304 = arith.constant 0 : i32
            %dma_start3A_305 = arith.constant 0 : i32
            %dma_start3A_306 = tpu.memref_slice %arg4[%dma_start3A_304, %dma_start3A_305] : memref<16896x128xf32, #tpu.memory_space<hbm>> -> memref<16896x128xf32, #tpu.memory_space<hbm>>
            tpu.enqueue_indirect_dma source(%arg10 : memref<16x128xf32, #tpu.memory_space<vmem>>) target(%dma_start3A_306 : memref<16896x128xf32, #tpu.memory_space<hbm>>) offsets(%select_n3A_288 : vector<16xi32>) semaphore(%arg15 : memref<!tpu.dma_semaphore, #tpu.memory_space<semaphore_mem>>)
            %swap3A_307 = arith.constant 1 : i32
            %swap3A_308 = arith.constant 1 : i32
            %swap3A_309 = arith.index_cast %swap3A_308 : i32 to index
            %swap3A_310 = memref.load %arg12[%swap3A_309] : memref<8xi32, #tpu.memory_space<smem>>
            memref.store %swap3A_307, %arg12[%swap3A_309] : memref<8xi32, #tpu.memory_space<smem>>
          } else {
          }
          %mul3A_197 = arith.constant 2 : i32
          %mul3A_198 = arith.muli %while3A_185, %mul3A_197 : i32
          %add3A_199 = arith.constant 1 : i32
          %add3A_200 = arith.addi %mul3A_198, %add3A_199 : i32
          %mul3A_201 = arith.constant 16 : i32
          %mul3A_202 = arith.muli %add3A_200, %mul3A_201 : i32
          %lt3A_203 = arith.cmpi slt, %mul3A_202, %get3A_138 : i32
          %convert_element_type3A_204 = arith.extui %lt3A_203 : i1 to i32
          %cond3A_205 = arith.constant 0 : i32
          %cond3A_206 = arith.cmpi ne, %convert_element_type3A_204, %cond3A_205 : i32
          scf.if %cond3A_206 {
            %mul3A_208 = arith.constant 16 : i32
            %mul3A_209 = arith.muli %add3A_200, %mul3A_208 : i32
            %get3A_210 = arith.index_cast %mul3A_209 : i32 to index
            %get3A_211 = tpu.vector_load %arg7[%get3A_210] {strides = array<i32>} : memref<16400xi32, #tpu.memory_space<vmem>>, vector<16xi32>,
            %jit3A_212 = arith.constant 16384 : i32
            %div3A_213 = vector.broadcast %jit3A_212 : i32 to vector<16xi32>
            %div3A_214 = arith.divsi %get3A_211, %div3A_213 : vector<16xi32>
            %sign3A_215 = arith.constant 0 : i32
            %sign3A_216 = vector.broadcast %sign3A_215 : i32 to vector<16xi32>
            %sign3A_217 = arith.cmpi sgt, %get3A_211, %sign3A_216 : vector<16xi32>
            %sign3A_218 = arith.extui %sign3A_217 : vector<16xi1> to vector<16xi32>
            %sign3A_219 = arith.constant 0 : i32
            %sign3A_220 = vector.broadcast %sign3A_219 : i32 to vector<16xi32>
            %sign3A_221 = arith.cmpi slt, %get3A_211, %sign3A_220 : vector<16xi32>
            %sign3A_222 = arith.extui %sign3A_221 : vector<16xi1> to vector<16xi32>
            %sign3A_223 = arith.subi %sign3A_218, %sign3A_222 : vector<16xi32>
            %sign3A_224 = arith.constant 0 : i32
            %sign3A_225 = arith.cmpi sgt, %jit3A_212, %sign3A_224 : i32
            %sign3A_226 = arith.extui %sign3A_225 : i1 to i32
            %sign3A_227 = arith.constant 0 : i32
            %sign3A_228 = arith.cmpi slt, %jit3A_212, %sign3A_227 : i32
            %sign3A_229 = arith.extui %sign3A_228 : i1 to i32
            %sign3A_230 = arith.subi %sign3A_226, %sign3A_229 : i32
            %ne3A_231 = vector.broadcast %sign3A_230 : i32 to vector<16xi32>
            %ne3A_232 = arith.cmpi ne, %sign3A_223, %ne3A_231 : vector<16xi32>
            %rem3A_233 = vector.broadcast %jit3A_212 : i32 to vector<16xi32>
            %rem3A_234 = arith.remsi %get3A_211, %rem3A_233 : vector<16xi32>
            %ne3A_235 = arith.constant 0 : i32
            %ne3A_236 = vector.broadcast %ne3A_235 : i32 to vector<16xi32>
            %ne3A_237 = arith.cmpi ne, %rem3A_234, %ne3A_236 : vector<16xi32>
            %and3A_238 = arith.andi %ne3A_232, %ne3A_237 : vector<16xi1>
            %sub3A_239 = arith.constant 1 : i32
            %sub3A_240 = vector.broadcast %sub3A_239 : i32 to vector<16xi32>
            %sub3A_241 = arith.subi %div3A_214, %sub3A_240 : vector<16xi32>
            %select_n3A_242 = arith.select %and3A_238, %sub3A_241, %div3A_214 : vector<16xi1>, vector<16xi32>
            %jit3A_243 = arith.constant 0 : i32
            %jit3A_244 = arith.constant 511 : i32
            %max3A = vector.broadcast %jit3A_243 : i32 to vector<16xi32>
            %max3A_245 = arith.maxsi %max3A, %select_n3A_242 : vector<16xi32>
            %min3A_246 = vector.broadcast %jit3A_244 : i32 to vector<16xi32>
            %min3A_247 = arith.minsi %min3A_246, %max3A_245 : vector<16xi32>
            %jit3A_248 = arith.constant 16384 : i32
            %div3A_249 = vector.broadcast %jit3A_248 : i32 to vector<16xi32>
            %div3A_250 = arith.divsi %get3A_211, %div3A_249 : vector<16xi32>
            %sign3A_251 = arith.constant 0 : i32
            %sign3A_252 = vector.broadcast %sign3A_251 : i32 to vector<16xi32>
            %sign3A_253 = arith.cmpi sgt, %get3A_211, %sign3A_252 : vector<16xi32>
            %sign3A_254 = arith.extui %sign3A_253 : vector<16xi1> to vector<16xi32>
            %sign3A_255 = arith.constant 0 : i32
            %sign3A_256 = vector.broadcast %sign3A_255 : i32 to vector<16xi32>
            %sign3A_257 = arith.cmpi slt, %get3A_211, %sign3A_256 : vector<16xi32>
            %sign3A_258 = arith.extui %sign3A_257 : vector<16xi1> to vector<16xi32>
            %sign3A_259 = arith.subi %sign3A_254, %sign3A_258 : vector<16xi32>
            %sign3A_260 = arith.constant 0 : i32
            %sign3A_261 = arith.cmpi sgt, %jit3A_248, %sign3A_260 : i32
            %sign3A_262 = arith.extui %sign3A_261 : i1 to i32
            %sign3A_263 = arith.constant 0 : i32
            %sign3A_264 = arith.cmpi slt, %jit3A_248, %sign3A_263 : i32
            %sign3A_265 = arith.extui %sign3A_264 : i1 to i32
            %sign3A_266 = arith.subi %sign3A_262, %sign3A_265 : i32
            %ne3A_267 = vector.broadcast %sign3A_266 : i32 to vector<16xi32>
            %ne3A_268 = arith.cmpi ne, %sign3A_259, %ne3A_267 : vector<16xi32>
            %rem3A_269 = vector.broadcast %jit3A_248 : i32 to vector<16xi32>
            %rem3A_270 = arith.remsi %get3A_211, %rem3A_269 : vector<16xi32>
            %ne3A_271 = arith.constant 0 : i32
            %ne3A_272 = vector.broadcast %ne3A_271 : i32 to vector<16xi32>
            %ne3A_273 = arith.cmpi ne, %rem3A_270, %ne3A_272 : vector<16xi32>
            %and3A_274 = arith.andi %ne3A_268, %ne3A_273 : vector<16xi1>
            %sub3A_275 = arith.constant 1 : i32
            %sub3A_276 = vector.broadcast %sub3A_275 : i32 to vector<16xi32>
            %sub3A_277 = arith.subi %div3A_250, %sub3A_276 : vector<16xi32>
            %select_n3A_278 = arith.select %and3A_274, %sub3A_277, %div3A_250 : vector<16xi1>, vector<16xi32>
            %mul3A_279 = arith.constant 16384 : i32
            %mul3A_280 = vector.broadcast %mul3A_279 : i32 to vector<16xi32>
            %mul3A_281 = arith.muli %select_n3A_278, %mul3A_280 : vector<16xi32>
            %sub3A_282 = arith.subi %get3A_211, %mul3A_281 : vector<16xi32>
            %mul3A_283 = arith.constant 16 : i32
            %mul3A_284 = arith.muli %add3A_200, %mul3A_283 : i32
            %sub3A_285 = arith.subi %get3A_138, %mul3A_284 : i32
            %broadcast_in_dim3A_286 = vector.broadcast %sub3A_285 : i32 to vector<16xi32>
            %lt3A_287 = arith.cmpi slt, %iota3A, %broadcast_in_dim3A_286 : vector<16xi32>
            %select_n3A_288 = arith.select %lt3A_287, %sub3A_282, %add3A_76 : vector<16xi1>, vector<16xi32>
            %get3A_289 = arith.constant 2 : i32
            %get3A_290 = arith.index_cast %get3A_289 : i32 to index
            %get3A_291 = memref.load %arg12[%get3A_290] : memref<8xi32, #tpu.memory_space<smem>>
            %eq3A_292 = arith.constant 1 : i32
            %eq3A_293 = arith.cmpi eq, %get3A_291, %eq3A_292 : i32
            %convert_element_type3A_294 = arith.extui %eq3A_293 : i1 to i32
            %cond3A_295 = arith.constant 0 : i32
            %cond3A_296 = arith.cmpi ne, %convert_element_type3A_294, %cond3A_295 : i32
            scf.if %cond3A_296 {
              %dma_wait3A_311 = arith.constant 0 : i32
              %dma_wait3A_312 = arith.constant 0 : i32
              %dma_wait3A_313 = tpu.memref_slice %arg4[%dma_wait3A_311, %dma_wait3A_312] : memref<16896x128xf32, #tpu.memory_space<hbm>> -> memref<16896x128xf32, #tpu.memory_space<hbm>>
              tpu.wait_indirect_dma semaphore(%arg16 : memref<!tpu.dma_semaphore, #tpu.memory_space<semaphore_mem>>) src(%arg11 : memref<16x128xf32, #tpu.memory_space<vmem>>) dst(%dma_wait3A_313 : memref<16896x128xf32, #tpu.memory_space<hbm>>)
            } else {
            }
            %scan3A_297 = arith.constant 0 : i32
            %scan3A_298 = arith.constant 0 : i32
            %scan3A_299 = arith.constant 64 : i32
            %scan3A_300 = arith.addi %scan3A_298, %scan3A_299 : i32
            %scan3A_301 = arith.constant 4 : i32
            %scan3A_302 = scf.for %scan3A_311 = %scan3A_298 to %scan3A_300 step %scan3A_301 iter_args(%scan3A_312 = %scan3A_297) -> (i32)  : i32 {
              %broadcast_in_dim3A_313 = vector.broadcast %scan3A_311 : i32 to vector<16xi32>
              %gather3A = tpu.vector_load_idx %arg9[%broadcast_in_dim3A_313, %min3A_247] : memref<64x512xf32, #tpu.memory_space<vmem>>[vector<16xi32>, vector<16xi32>], vector<16xf32>,
              %broadcast_in_dim3A_314 = vector.broadcast %scan3A_311 : i32 to vector<16xi32>
              tpu.vector_store_idx %arg11[%iota3A, %broadcast_in_dim3A_314], %gather3A : memref<16x128xf32, #tpu.memory_space<vmem>>[vector<16xi32>, vector<16xi32>], vector<16xf32>,
              %scan3A_315 = arith.constant 0 : i32
              %scan3A_316 = arith.constant 1 : i32
              %scan3A_317 = arith.addi %scan3A_311, %scan3A_316 : i32
              %broadcast_in_dim3A_318 = vector.broadcast %scan3A_317 : i32 to vector<16xi32>
              %gather3A_319 = tpu.vector_load_idx %arg9[%broadcast_in_dim3A_318, %min3A_247] : memref<64x512xf32, #tpu.memory_space<vmem>>[vector<16xi32>, vector<16xi32>], vector<16xf32>,
              %broadcast_in_dim3A_320 = vector.broadcast %scan3A_317 : i32 to vector<16xi32>
              tpu.vector_store_idx %arg11[%iota3A, %broadcast_in_dim3A_320], %gather3A_319 : memref<16x128xf32, #tpu.memory_space<vmem>>[vector<16xi32>, vector<16xi32>], vector<16xf32>,
              %scan3A_321 = arith.constant 0 : i32
              %scan3A_322 = arith.constant 2 : i32
              %scan3A_323 = arith.addi %scan3A_311, %scan3A_322 : i32
              %broadcast_in_dim3A_324 = vector.broadcast %scan3A_323 : i32 to vector<16xi32>
              %gather3A_325 = tpu.vector_load_idx %arg9[%broadcast_in_dim3A_324, %min3A_247] : memref<64x512xf32, #tpu.memory_space<vmem>>[vector<16xi32>, vector<16xi32>], vector<16xf32>,
              %broadcast_in_dim3A_326 = vector.broadcast %scan3A_323 : i32 to vector<16xi32>
              tpu.vector_store_idx %arg11[%iota3A, %broadcast_in_dim3A_326], %gather3A_325 : memref<16x128xf32, #tpu.memory_space<vmem>>[vector<16xi32>, vector<16xi32>], vector<16xf32>,
              %scan3A_327 = arith.constant 0 : i32
              %scan3A_328 = arith.constant 3 : i32
              %scan3A_329 = arith.addi %scan3A_311, %scan3A_328 : i32
              %broadcast_in_dim3A_330 = vector.broadcast %scan3A_329 : i32 to vector<16xi32>
              %gather3A_331 = tpu.vector_load_idx %arg9[%broadcast_in_dim3A_330, %min3A_247] : memref<64x512xf32, #tpu.memory_space<vmem>>[vector<16xi32>, vector<16xi32>], vector<16xf32>,
              %broadcast_in_dim3A_332 = vector.broadcast %scan3A_329 : i32 to vector<16xi32>
              tpu.vector_store_idx %arg11[%iota3A, %broadcast_in_dim3A_332], %gather3A_331 : memref<16x128xf32, #tpu.memory_space<vmem>>[vector<16xi32>, vector<16xi32>], vector<16xf32>,
              %scan3A_333 = arith.constant 0 : i32
              scf.yield %scan3A_333 : i32
            }
            %scan3A_303 = arith.constant 64 : i32
            %dma_start3A_304 = arith.constant 0 : i32
            %dma_start3A_305 = arith.constant 0 : i32
            %dma_start3A_306 = tpu.memref_slice %arg4[%dma_start3A_304, %dma_start3A_305] : memref<16896x128xf32, #tpu.memory_space<hbm>> -> memref<16896x128xf32, #tpu.memory_space<hbm>>
            tpu.enqueue_indirect_dma source(%arg11 : memref<16x128xf32, #tpu.memory_space<vmem>>) target(%dma_start3A_306 : memref<16896x128xf32, #tpu.memory_space<hbm>>) offsets(%select_n3A_288 : vector<16xi32>) semaphore(%arg16 : memref<!tpu.dma_semaphore, #tpu.memory_space<semaphore_mem>>)
            %swap3A_307 = arith.constant 1 : i32
            %swap3A_308 = arith.constant 2 : i32
            %swap3A_309 = arith.index_cast %swap3A_308 : i32 to index
            %swap3A_310 = memref.load %arg12[%swap3A_309] : memref<8xi32, #tpu.memory_space<smem>>
            memref.store %swap3A_307, %arg12[%swap3A_309] : memref<8xi32, #tpu.memory_space<smem>>
          } else {
          }
          %while3A_207 = arith.constant 0 : i32
          scf.yield %while3A_207 : i32
        }
        %while3A_177 = arith.constant 1 : i32
        %while3A_178 = scf.for %while3A_185 = %while3A_174 to %while3A_170 step %while3A_177 iter_args(%while3A_186 = %while3A_176) -> (i32)  : i32 {
          %mul3A_187 = arith.constant 2 : i32
          %mul3A_188 = arith.muli %while3A_185, %mul3A_187 : i32
          %add3A_189 = arith.constant 0 : i32
          %add3A_190 = arith.addi %mul3A_188, %add3A_189 : i32
          %mul3A_191 = arith.constant 16 : i32
          %mul3A_192 = arith.muli %add3A_190, %mul3A_191 : i32
          %lt3A_193 = arith.cmpi slt, %mul3A_192, %get3A_138 : i32
          %convert_element_type3A_194 = arith.extui %lt3A_193 : i1 to i32
          %cond3A_195 = arith.constant 0 : i32
          %cond3A_196 = arith.cmpi ne, %convert_element_type3A_194, %cond3A_195 : i32
          scf.if %cond3A_196 {
            %mul3A_208 = arith.constant 16 : i32
            %mul3A_209 = arith.muli %add3A_190, %mul3A_208 : i32
            %get3A_210 = arith.index_cast %mul3A_209 : i32 to index
            %get3A_211 = tpu.vector_load %arg7[%get3A_210] {strides = array<i32>} : memref<16400xi32, #tpu.memory_space<vmem>>, vector<16xi32>,
            %jit3A_212 = arith.constant 16384 : i32
            %div3A_213 = vector.broadcast %jit3A_212 : i32 to vector<16xi32>
            %div3A_214 = arith.divsi %get3A_211, %div3A_213 : vector<16xi32>
            %sign3A_215 = arith.constant 0 : i32
            %sign3A_216 = vector.broadcast %sign3A_215 : i32 to vector<16xi32>
            %sign3A_217 = arith.cmpi sgt, %get3A_211, %sign3A_216 : vector<16xi32>
            %sign3A_218 = arith.extui %sign3A_217 : vector<16xi1> to vector<16xi32>
            %sign3A_219 = arith.constant 0 : i32
            %sign3A_220 = vector.broadcast %sign3A_219 : i32 to vector<16xi32>
            %sign3A_221 = arith.cmpi slt, %get3A_211, %sign3A_220 : vector<16xi32>
            %sign3A_222 = arith.extui %sign3A_221 : vector<16xi1> to vector<16xi32>
            %sign3A_223 = arith.subi %sign3A_218, %sign3A_222 : vector<16xi32>
            %sign3A_224 = arith.constant 0 : i32
            %sign3A_225 = arith.cmpi sgt, %jit3A_212, %sign3A_224 : i32
            %sign3A_226 = arith.extui %sign3A_225 : i1 to i32
            %sign3A_227 = arith.constant 0 : i32
            %sign3A_228 = arith.cmpi slt, %jit3A_212, %sign3A_227 : i32
            %sign3A_229 = arith.extui %sign3A_228 : i1 to i32
            %sign3A_230 = arith.subi %sign3A_226, %sign3A_229 : i32
            %ne3A_231 = vector.broadcast %sign3A_230 : i32 to vector<16xi32>
            %ne3A_232 = arith.cmpi ne, %sign3A_223, %ne3A_231 : vector<16xi32>
            %rem3A_233 = vector.broadcast %jit3A_212 : i32 to vector<16xi32>
            %rem3A_234 = arith.remsi %get3A_211, %rem3A_233 : vector<16xi32>
            %ne3A_235 = arith.constant 0 : i32
            %ne3A_236 = vector.broadcast %ne3A_235 : i32 to vector<16xi32>
            %ne3A_237 = arith.cmpi ne, %rem3A_234, %ne3A_236 : vector<16xi32>
            %and3A_238 = arith.andi %ne3A_232, %ne3A_237 : vector<16xi1>
            %sub3A_239 = arith.constant 1 : i32
            %sub3A_240 = vector.broadcast %sub3A_239 : i32 to vector<16xi32>
            %sub3A_241 = arith.subi %div3A_214, %sub3A_240 : vector<16xi32>
            %select_n3A_242 = arith.select %and3A_238, %sub3A_241, %div3A_214 : vector<16xi1>, vector<16xi32>
            %jit3A_243 = arith.constant 0 : i32
            %jit3A_244 = arith.constant 511 : i32
            %max3A = vector.broadcast %jit3A_243 : i32 to vector<16xi32>
            %max3A_245 = arith.maxsi %max3A, %select_n3A_242 : vector<16xi32>
            %min3A_246 = vector.broadcast %jit3A_244 : i32 to vector<16xi32>
            %min3A_247 = arith.minsi %min3A_246, %max3A_245 : vector<16xi32>
            %jit3A_248 = arith.constant 16384 : i32
            %div3A_249 = vector.broadcast %jit3A_248 : i32 to vector<16xi32>
            %div3A_250 = arith.divsi %get3A_211, %div3A_249 : vector<16xi32>
            %sign3A_251 = arith.constant 0 : i32
            %sign3A_252 = vector.broadcast %sign3A_251 : i32 to vector<16xi32>
            %sign3A_253 = arith.cmpi sgt, %get3A_211, %sign3A_252 : vector<16xi32>
            %sign3A_254 = arith.extui %sign3A_253 : vector<16xi1> to vector<16xi32>
            %sign3A_255 = arith.constant 0 : i32
            %sign3A_256 = vector.broadcast %sign3A_255 : i32 to vector<16xi32>
            %sign3A_257 = arith.cmpi slt, %get3A_211, %sign3A_256 : vector<16xi32>
            %sign3A_258 = arith.extui %sign3A_257 : vector<16xi1> to vector<16xi32>
            %sign3A_259 = arith.subi %sign3A_254, %sign3A_258 : vector<16xi32>
            %sign3A_260 = arith.constant 0 : i32
            %sign3A_261 = arith.cmpi sgt, %jit3A_248, %sign3A_260 : i32
            %sign3A_262 = arith.extui %sign3A_261 : i1 to i32
            %sign3A_263 = arith.constant 0 : i32
            %sign3A_264 = arith.cmpi slt, %jit3A_248, %sign3A_263 : i32
            %sign3A_265 = arith.extui %sign3A_264 : i1 to i32
            %sign3A_266 = arith.subi %sign3A_262, %sign3A_265 : i32
            %ne3A_267 = vector.broadcast %sign3A_266 : i32 to vector<16xi32>
            %ne3A_268 = arith.cmpi ne, %sign3A_259, %ne3A_267 : vector<16xi32>
            %rem3A_269 = vector.broadcast %jit3A_248 : i32 to vector<16xi32>
            %rem3A_270 = arith.remsi %get3A_211, %rem3A_269 : vector<16xi32>
            %ne3A_271 = arith.constant 0 : i32
            %ne3A_272 = vector.broadcast %ne3A_271 : i32 to vector<16xi32>
            %ne3A_273 = arith.cmpi ne, %rem3A_270, %ne3A_272 : vector<16xi32>
            %and3A_274 = arith.andi %ne3A_268, %ne3A_273 : vector<16xi1>
            %sub3A_275 = arith.constant 1 : i32
            %sub3A_276 = vector.broadcast %sub3A_275 : i32 to vector<16xi32>
            %sub3A_277 = arith.subi %div3A_250, %sub3A_276 : vector<16xi32>
            %select_n3A_278 = arith.select %and3A_274, %sub3A_277, %div3A_250 : vector<16xi1>, vector<16xi32>
            %mul3A_279 = arith.constant 16384 : i32
            %mul3A_280 = vector.broadcast %mul3A_279 : i32 to vector<16xi32>
            %mul3A_281 = arith.muli %select_n3A_278, %mul3A_280 : vector<16xi32>
            %sub3A_282 = arith.subi %get3A_211, %mul3A_281 : vector<16xi32>
            %mul3A_283 = arith.constant 16 : i32
            %mul3A_284 = arith.muli %add3A_190, %mul3A_283 : i32
            %sub3A_285 = arith.subi %get3A_138, %mul3A_284 : i32
            %broadcast_in_dim3A_286 = vector.broadcast %sub3A_285 : i32 to vector<16xi32>
            %lt3A_287 = arith.cmpi slt, %iota3A, %broadcast_in_dim3A_286 : vector<16xi32>
            %select_n3A_288 = arith.select %lt3A_287, %sub3A_282, %add3A_76 : vector<16xi1>, vector<16xi32>
            %get3A_289 = arith.constant 1 : i32
            %get3A_290 = arith.index_cast %get3A_289 : i32 to index
            %get3A_291 = memref.load %arg12[%get3A_290] : memref<8xi32, #tpu.memory_space<smem>>
            %eq3A_292 = arith.constant 1 : i32
            %eq3A_293 = arith.cmpi eq, %get3A_291, %eq3A_292 : i32
            %convert_element_type3A_294 = arith.extui %eq3A_293 : i1 to i32
            %cond3A_295 = arith.constant 0 : i32
            %cond3A_296 = arith.cmpi ne, %convert_element_type3A_294, %cond3A_295 : i32
            scf.if %cond3A_296 {
              %dma_wait3A_311 = arith.constant 0 : i32
              %dma_wait3A_312 = arith.constant 0 : i32
              %dma_wait3A_313 = tpu.memref_slice %arg4[%dma_wait3A_311, %dma_wait3A_312] : memref<16896x128xf32, #tpu.memory_space<hbm>> -> memref<16896x128xf32, #tpu.memory_space<hbm>>
              tpu.wait_indirect_dma semaphore(%arg15 : memref<!tpu.dma_semaphore, #tpu.memory_space<semaphore_mem>>) src(%arg10 : memref<16x128xf32, #tpu.memory_space<vmem>>) dst(%dma_wait3A_313 : memref<16896x128xf32, #tpu.memory_space<hbm>>)
            } else {
            }
            %scan3A_297 = arith.constant 0 : i32
            %scan3A_298 = arith.constant 0 : i32
            %scan3A_299 = arith.constant 64 : i32
            %scan3A_300 = arith.addi %scan3A_298, %scan3A_299 : i32
            %scan3A_301 = arith.constant 4 : i32
            %scan3A_302 = scf.for %scan3A_311 = %scan3A_298 to %scan3A_300 step %scan3A_301 iter_args(%scan3A_312 = %scan3A_297) -> (i32)  : i32 {
              %broadcast_in_dim3A_313 = vector.broadcast %scan3A_311 : i32 to vector<16xi32>
              %gather3A = tpu.vector_load_idx %arg9[%broadcast_in_dim3A_313, %min3A_247] : memref<64x512xf32, #tpu.memory_space<vmem>>[vector<16xi32>, vector<16xi32>], vector<16xf32>,
              %broadcast_in_dim3A_314 = vector.broadcast %scan3A_311 : i32 to vector<16xi32>
              tpu.vector_store_idx %arg10[%iota3A, %broadcast_in_dim3A_314], %gather3A : memref<16x128xf32, #tpu.memory_space<vmem>>[vector<16xi32>, vector<16xi32>], vector<16xf32>,
              %scan3A_315 = arith.constant 0 : i32
              %scan3A_316 = arith.constant 1 : i32
              %scan3A_317 = arith.addi %scan3A_311, %scan3A_316 : i32
              %broadcast_in_dim3A_318 = vector.broadcast %scan3A_317 : i32 to vector<16xi32>
              %gather3A_319 = tpu.vector_load_idx %arg9[%broadcast_in_dim3A_318, %min3A_247] : memref<64x512xf32, #tpu.memory_space<vmem>>[vector<16xi32>, vector<16xi32>], vector<16xf32>,
              %broadcast_in_dim3A_320 = vector.broadcast %scan3A_317 : i32 to vector<16xi32>
              tpu.vector_store_idx %arg10[%iota3A, %broadcast_in_dim3A_320], %gather3A_319 : memref<16x128xf32, #tpu.memory_space<vmem>>[vector<16xi32>, vector<16xi32>], vector<16xf32>,
              %scan3A_321 = arith.constant 0 : i32
              %scan3A_322 = arith.constant 2 : i32
              %scan3A_323 = arith.addi %scan3A_311, %scan3A_322 : i32
              %broadcast_in_dim3A_324 = vector.broadcast %scan3A_323 : i32 to vector<16xi32>
              %gather3A_325 = tpu.vector_load_idx %arg9[%broadcast_in_dim3A_324, %min3A_247] : memref<64x512xf32, #tpu.memory_space<vmem>>[vector<16xi32>, vector<16xi32>], vector<16xf32>,
              %broadcast_in_dim3A_326 = vector.broadcast %scan3A_323 : i32 to vector<16xi32>
              tpu.vector_store_idx %arg10[%iota3A, %broadcast_in_dim3A_326], %gather3A_325 : memref<16x128xf32, #tpu.memory_space<vmem>>[vector<16xi32>, vector<16xi32>], vector<16xf32>,
              %scan3A_327 = arith.constant 0 : i32
              %scan3A_328 = arith.constant 3 : i32
              %scan3A_329 = arith.addi %scan3A_311, %scan3A_328 : i32
              %broadcast_in_dim3A_330 = vector.broadcast %scan3A_329 : i32 to vector<16xi32>
              %gather3A_331 = tpu.vector_load_idx %arg9[%broadcast_in_dim3A_330, %min3A_247] : memref<64x512xf32, #tpu.memory_space<vmem>>[vector<16xi32>, vector<16xi32>], vector<16xf32>,
              %broadcast_in_dim3A_332 = vector.broadcast %scan3A_329 : i32 to vector<16xi32>
              tpu.vector_store_idx %arg10[%iota3A, %broadcast_in_dim3A_332], %gather3A_331 : memref<16x128xf32, #tpu.memory_space<vmem>>[vector<16xi32>, vector<16xi32>], vector<16xf32>,
              %scan3A_333 = arith.constant 0 : i32
              scf.yield %scan3A_333 : i32
            }
            %scan3A_303 = arith.constant 64 : i32
            %dma_start3A_304 = arith.constant 0 : i32
            %dma_start3A_305 = arith.constant 0 : i32
            %dma_start3A_306 = tpu.memref_slice %arg4[%dma_start3A_304, %dma_start3A_305] : memref<16896x128xf32, #tpu.memory_space<hbm>> -> memref<16896x128xf32, #tpu.memory_space<hbm>>
            tpu.enqueue_indirect_dma source(%arg10 : memref<16x128xf32, #tpu.memory_space<vmem>>) target(%dma_start3A_306 : memref<16896x128xf32, #tpu.memory_space<hbm>>) offsets(%select_n3A_288 : vector<16xi32>) semaphore(%arg15 : memref<!tpu.dma_semaphore, #tpu.memory_space<semaphore_mem>>)
            %swap3A_307 = arith.constant 1 : i32
            %swap3A_308 = arith.constant 1 : i32
            %swap3A_309 = arith.index_cast %swap3A_308 : i32 to index
            %swap3A_310 = memref.load %arg12[%swap3A_309] : memref<8xi32, #tpu.memory_space<smem>>
            memref.store %swap3A_307, %arg12[%swap3A_309] : memref<8xi32, #tpu.memory_space<smem>>
          } else {
          }
          %mul3A_197 = arith.constant 2 : i32
          %mul3A_198 = arith.muli %while3A_185, %mul3A_197 : i32
          %add3A_199 = arith.constant 1 : i32
          %add3A_200 = arith.addi %mul3A_198, %add3A_199 : i32
          %mul3A_201 = arith.constant 16 : i32
          %mul3A_202 = arith.muli %add3A_200, %mul3A_201 : i32
          %lt3A_203 = arith.cmpi slt, %mul3A_202, %get3A_138 : i32
          %convert_element_type3A_204 = arith.extui %lt3A_203 : i1 to i32
          %cond3A_205 = arith.constant 0 : i32
          %cond3A_206 = arith.cmpi ne, %convert_element_type3A_204, %cond3A_205 : i32
          scf.if %cond3A_206 {
            %mul3A_208 = arith.constant 16 : i32
            %mul3A_209 = arith.muli %add3A_200, %mul3A_208 : i32
            %get3A_210 = arith.index_cast %mul3A_209 : i32 to index
            %get3A_211 = tpu.vector_load %arg7[%get3A_210] {strides = array<i32>} : memref<16400xi32, #tpu.memory_space<vmem>>, vector<16xi32>,
            %jit3A_212 = arith.constant 16384 : i32
            %div3A_213 = vector.broadcast %jit3A_212 : i32 to vector<16xi32>
            %div3A_214 = arith.divsi %get3A_211, %div3A_213 : vector<16xi32>
            %sign3A_215 = arith.constant 0 : i32
            %sign3A_216 = vector.broadcast %sign3A_215 : i32 to vector<16xi32>
            %sign3A_217 = arith.cmpi sgt, %get3A_211, %sign3A_216 : vector<16xi32>
            %sign3A_218 = arith.extui %sign3A_217 : vector<16xi1> to vector<16xi32>
            %sign3A_219 = arith.constant 0 : i32
            %sign3A_220 = vector.broadcast %sign3A_219 : i32 to vector<16xi32>
            %sign3A_221 = arith.cmpi slt, %get3A_211, %sign3A_220 : vector<16xi32>
            %sign3A_222 = arith.extui %sign3A_221 : vector<16xi1> to vector<16xi32>
            %sign3A_223 = arith.subi %sign3A_218, %sign3A_222 : vector<16xi32>
            %sign3A_224 = arith.constant 0 : i32
            %sign3A_225 = arith.cmpi sgt, %jit3A_212, %sign3A_224 : i32
            %sign3A_226 = arith.extui %sign3A_225 : i1 to i32
            %sign3A_227 = arith.constant 0 : i32
            %sign3A_228 = arith.cmpi slt, %jit3A_212, %sign3A_227 : i32
            %sign3A_229 = arith.extui %sign3A_228 : i1 to i32
            %sign3A_230 = arith.subi %sign3A_226, %sign3A_229 : i32
            %ne3A_231 = vector.broadcast %sign3A_230 : i32 to vector<16xi32>
            %ne3A_232 = arith.cmpi ne, %sign3A_223, %ne3A_231 : vector<16xi32>
            %rem3A_233 = vector.broadcast %jit3A_212 : i32 to vector<16xi32>
            %rem3A_234 = arith.remsi %get3A_211, %rem3A_233 : vector<16xi32>
            %ne3A_235 = arith.constant 0 : i32
            %ne3A_236 = vector.broadcast %ne3A_235 : i32 to vector<16xi32>
            %ne3A_237 = arith.cmpi ne, %rem3A_234, %ne3A_236 : vector<16xi32>
            %and3A_238 = arith.andi %ne3A_232, %ne3A_237 : vector<16xi1>
            %sub3A_239 = arith.constant 1 : i32
            %sub3A_240 = vector.broadcast %sub3A_239 : i32 to vector<16xi32>
            %sub3A_241 = arith.subi %div3A_214, %sub3A_240 : vector<16xi32>
            %select_n3A_242 = arith.select %and3A_238, %sub3A_241, %div3A_214 : vector<16xi1>, vector<16xi32>
            %jit3A_243 = arith.constant 0 : i32
            %jit3A_244 = arith.constant 511 : i32
            %max3A = vector.broadcast %jit3A_243 : i32 to vector<16xi32>
            %max3A_245 = arith.maxsi %max3A, %select_n3A_242 : vector<16xi32>
            %min3A_246 = vector.broadcast %jit3A_244 : i32 to vector<16xi32>
            %min3A_247 = arith.minsi %min3A_246, %max3A_245 : vector<16xi32>
            %jit3A_248 = arith.constant 16384 : i32
            %div3A_249 = vector.broadcast %jit3A_248 : i32 to vector<16xi32>
            %div3A_250 = arith.divsi %get3A_211, %div3A_249 : vector<16xi32>
            %sign3A_251 = arith.constant 0 : i32
            %sign3A_252 = vector.broadcast %sign3A_251 : i32 to vector<16xi32>
            %sign3A_253 = arith.cmpi sgt, %get3A_211, %sign3A_252 : vector<16xi32>
            %sign3A_254 = arith.extui %sign3A_253 : vector<16xi1> to vector<16xi32>
            %sign3A_255 = arith.constant 0 : i32
            %sign3A_256 = vector.broadcast %sign3A_255 : i32 to vector<16xi32>
            %sign3A_257 = arith.cmpi slt, %get3A_211, %sign3A_256 : vector<16xi32>
            %sign3A_258 = arith.extui %sign3A_257 : vector<16xi1> to vector<16xi32>
            %sign3A_259 = arith.subi %sign3A_254, %sign3A_258 : vector<16xi32>
            %sign3A_260 = arith.constant 0 : i32
            %sign3A_261 = arith.cmpi sgt, %jit3A_248, %sign3A_260 : i32
            %sign3A_262 = arith.extui %sign3A_261 : i1 to i32
            %sign3A_263 = arith.constant 0 : i32
            %sign3A_264 = arith.cmpi slt, %jit3A_248, %sign3A_263 : i32
            %sign3A_265 = arith.extui %sign3A_264 : i1 to i32
            %sign3A_266 = arith.subi %sign3A_262, %sign3A_265 : i32
            %ne3A_267 = vector.broadcast %sign3A_266 : i32 to vector<16xi32>
            %ne3A_268 = arith.cmpi ne, %sign3A_259, %ne3A_267 : vector<16xi32>
            %rem3A_269 = vector.broadcast %jit3A_248 : i32 to vector<16xi32>
            %rem3A_270 = arith.remsi %get3A_211, %rem3A_269 : vector<16xi32>
            %ne3A_271 = arith.constant 0 : i32
            %ne3A_272 = vector.broadcast %ne3A_271 : i32 to vector<16xi32>
            %ne3A_273 = arith.cmpi ne, %rem3A_270, %ne3A_272 : vector<16xi32>
            %and3A_274 = arith.andi %ne3A_268, %ne3A_273 : vector<16xi1>
            %sub3A_275 = arith.constant 1 : i32
            %sub3A_276 = vector.broadcast %sub3A_275 : i32 to vector<16xi32>
            %sub3A_277 = arith.subi %div3A_250, %sub3A_276 : vector<16xi32>
            %select_n3A_278 = arith.select %and3A_274, %sub3A_277, %div3A_250 : vector<16xi1>, vector<16xi32>
            %mul3A_279 = arith.constant 16384 : i32
            %mul3A_280 = vector.broadcast %mul3A_279 : i32 to vector<16xi32>
            %mul3A_281 = arith.muli %select_n3A_278, %mul3A_280 : vector<16xi32>
            %sub3A_282 = arith.subi %get3A_211, %mul3A_281 : vector<16xi32>
            %mul3A_283 = arith.constant 16 : i32
            %mul3A_284 = arith.muli %add3A_200, %mul3A_283 : i32
            %sub3A_285 = arith.subi %get3A_138, %mul3A_284 : i32
            %broadcast_in_dim3A_286 = vector.broadcast %sub3A_285 : i32 to vector<16xi32>
            %lt3A_287 = arith.cmpi slt, %iota3A, %broadcast_in_dim3A_286 : vector<16xi32>
            %select_n3A_288 = arith.select %lt3A_287, %sub3A_282, %add3A_76 : vector<16xi1>, vector<16xi32>
            %get3A_289 = arith.constant 2 : i32
            %get3A_290 = arith.index_cast %get3A_289 : i32 to index
            %get3A_291 = memref.load %arg12[%get3A_290] : memref<8xi32, #tpu.memory_space<smem>>
            %eq3A_292 = arith.constant 1 : i32
            %eq3A_293 = arith.cmpi eq, %get3A_291, %eq3A_292 : i32
            %convert_element_type3A_294 = arith.extui %eq3A_293 : i1 to i32
            %cond3A_295 = arith.constant 0 : i32
            %cond3A_296 = arith.cmpi ne, %convert_element_type3A_294, %cond3A_295 : i32
            scf.if %cond3A_296 {
              %dma_wait3A_311 = arith.constant 0 : i32
              %dma_wait3A_312 = arith.constant 0 : i32
              %dma_wait3A_313 = tpu.memref_slice %arg4[%dma_wait3A_311, %dma_wait3A_312] : memref<16896x128xf32, #tpu.memory_space<hbm>> -> memref<16896x128xf32, #tpu.memory_space<hbm>>
              tpu.wait_indirect_dma semaphore(%arg16 : memref<!tpu.dma_semaphore, #tpu.memory_space<semaphore_mem>>) src(%arg11 : memref<16x128xf32, #tpu.memory_space<vmem>>) dst(%dma_wait3A_313 : memref<16896x128xf32, #tpu.memory_space<hbm>>)
            } else {
            }
            %scan3A_297 = arith.constant 0 : i32
            %scan3A_298 = arith.constant 0 : i32
            %scan3A_299 = arith.constant 64 : i32
            %scan3A_300 = arith.addi %scan3A_298, %scan3A_299 : i32
            %scan3A_301 = arith.constant 4 : i32
            %scan3A_302 = scf.for %scan3A_311 = %scan3A_298 to %scan3A_300 step %scan3A_301 iter_args(%scan3A_312 = %scan3A_297) -> (i32)  : i32 {
              %broadcast_in_dim3A_313 = vector.broadcast %scan3A_311 : i32 to vector<16xi32>
              %gather3A = tpu.vector_load_idx %arg9[%broadcast_in_dim3A_313, %min3A_247] : memref<64x512xf32, #tpu.memory_space<vmem>>[vector<16xi32>, vector<16xi32>], vector<16xf32>,
              %broadcast_in_dim3A_314 = vector.broadcast %scan3A_311 : i32 to vector<16xi32>
              tpu.vector_store_idx %arg11[%iota3A, %broadcast_in_dim3A_314], %gather3A : memref<16x128xf32, #tpu.memory_space<vmem>>[vector<16xi32>, vector<16xi32>], vector<16xf32>,
              %scan3A_315 = arith.constant 0 : i32
              %scan3A_316 = arith.constant 1 : i32
              %scan3A_317 = arith.addi %scan3A_311, %scan3A_316 : i32
              %broadcast_in_dim3A_318 = vector.broadcast %scan3A_317 : i32 to vector<16xi32>
              %gather3A_319 = tpu.vector_load_idx %arg9[%broadcast_in_dim3A_318, %min3A_247] : memref<64x512xf32, #tpu.memory_space<vmem>>[vector<16xi32>, vector<16xi32>], vector<16xf32>,
              %broadcast_in_dim3A_320 = vector.broadcast %scan3A_317 : i32 to vector<16xi32>
              tpu.vector_store_idx %arg11[%iota3A, %broadcast_in_dim3A_320], %gather3A_319 : memref<16x128xf32, #tpu.memory_space<vmem>>[vector<16xi32>, vector<16xi32>], vector<16xf32>,
              %scan3A_321 = arith.constant 0 : i32
              %scan3A_322 = arith.constant 2 : i32
              %scan3A_323 = arith.addi %scan3A_311, %scan3A_322 : i32
              %broadcast_in_dim3A_324 = vector.broadcast %scan3A_323 : i32 to vector<16xi32>
              %gather3A_325 = tpu.vector_load_idx %arg9[%broadcast_in_dim3A_324, %min3A_247] : memref<64x512xf32, #tpu.memory_space<vmem>>[vector<16xi32>, vector<16xi32>], vector<16xf32>,
              %broadcast_in_dim3A_326 = vector.broadcast %scan3A_323 : i32 to vector<16xi32>
              tpu.vector_store_idx %arg11[%iota3A, %broadcast_in_dim3A_326], %gather3A_325 : memref<16x128xf32, #tpu.memory_space<vmem>>[vector<16xi32>, vector<16xi32>], vector<16xf32>,
              %scan3A_327 = arith.constant 0 : i32
              %scan3A_328 = arith.constant 3 : i32
              %scan3A_329 = arith.addi %scan3A_311, %scan3A_328 : i32
              %broadcast_in_dim3A_330 = vector.broadcast %scan3A_329 : i32 to vector<16xi32>
              %gather3A_331 = tpu.vector_load_idx %arg9[%broadcast_in_dim3A_330, %min3A_247] : memref<64x512xf32, #tpu.memory_space<vmem>>[vector<16xi32>, vector<16xi32>], vector<16xf32>,
              %broadcast_in_dim3A_332 = vector.broadcast %scan3A_329 : i32 to vector<16xi32>
              tpu.vector_store_idx %arg11[%iota3A, %broadcast_in_dim3A_332], %gather3A_331 : memref<16x128xf32, #tpu.memory_space<vmem>>[vector<16xi32>, vector<16xi32>], vector<16xf32>,
              %scan3A_333 = arith.constant 0 : i32
              scf.yield %scan3A_333 : i32
            }
            %scan3A_303 = arith.constant 64 : i32
            %dma_start3A_304 = arith.constant 0 : i32
            %dma_start3A_305 = arith.constant 0 : i32
            %dma_start3A_306 = tpu.memref_slice %arg4[%dma_start3A_304, %dma_start3A_305] : memref<16896x128xf32, #tpu.memory_space<hbm>> -> memref<16896x128xf32, #tpu.memory_space<hbm>>
            tpu.enqueue_indirect_dma source(%arg11 : memref<16x128xf32, #tpu.memory_space<vmem>>) target(%dma_start3A_306 : memref<16896x128xf32, #tpu.memory_space<hbm>>) offsets(%select_n3A_288 : vector<16xi32>) semaphore(%arg16 : memref<!tpu.dma_semaphore, #tpu.memory_space<semaphore_mem>>)
            %swap3A_307 = arith.constant 1 : i32
            %swap3A_308 = arith.constant 2 : i32
            %swap3A_309 = arith.index_cast %swap3A_308 : i32 to index
            %swap3A_310 = memref.load %arg12[%swap3A_309] : memref<8xi32, #tpu.memory_space<smem>>
            memref.store %swap3A_307, %arg12[%swap3A_309] : memref<8xi32, #tpu.memory_space<smem>>
          } else {
          }
          %while3A_207 = arith.constant 0 : i32
          scf.yield %while3A_207 : i32
        }
        %add3A_179 = arith.constant 2 : i32
        %add3A_180 = arith.addi %add3A_109, %add3A_179 : i32
        %lt3A_181 = arith.cmpi slt, %add3A_180, %add3A_11 : i32
        %convert_element_type3A_182 = arith.extui %lt3A_181 : i1 to i32
        %cond3A_183 = arith.constant 0 : i32
        %cond3A_184 = arith.cmpi ne, %convert_element_type3A_182, %cond3A_183 : i32
        scf.if %cond3A_184 {
          %add3A_185 = arith.constant 2 : i32
          %add3A_186 = arith.addi %add3A_109, %add3A_185 : i32
          %mul3A_187 = arith.constant 512 : i32
          %mul3A_188 = arith.muli %add3A_186, %mul3A_187 : i32
          %add3A_189 = arith.addi %mul3A_17, %mul3A_188 : i32
          %multiple_of3A_190 = tpu.assume_multiple %add3A_189, 128 : i32
          %dma_start3A_191 = arith.constant 0 : i32
          %dma_start3A_192 = tpu.memref_slice %arg3[%dma_start3A_191, %multiple_of3A_190] : memref<64x1000000xf32, #tpu.memory_space<hbm>> -> memref<64x512xf32, #tpu.memory_space<hbm>>
          %dma_start3A_193 = arith.constant 0 : i32
          %dma_start3A_194 = tpu.memref_slice %arg3[%dma_start3A_193, %multiple_of3A_190] : memref<64x1000000xf32, #tpu.memory_space<hbm>> -> memref<64x512xf32, #tpu.memory_space<hbm>>
          tpu.enqueue_dma source(%dma_start3A_194 : memref<64x512xf32, #tpu.memory_space<hbm>>) target(%arg9 : memref<64x512xf32, #tpu.memory_space<vmem>>) target_semaphore(%arg14 : memref<!tpu.dma_semaphore, #tpu.memory_space<semaphore_mem>>)
        } else {
        }
      } else {
      }
      %scan3A_114 = arith.constant 0 : i32
      scf.yield %scan3A_114 : i32
    }
    %scan3A_83 = arith.constant 32 : i32
    %get3A = arith.constant 1 : i32
    %get3A_84 = arith.index_cast %get3A : i32 to index
    %get3A_85 = memref.load %arg12[%get3A_84] : memref<8xi32, #tpu.memory_space<smem>>
    %eq3A = arith.constant 1 : i32
    %eq3A_86 = arith.cmpi eq, %get3A_85, %eq3A : i32
    %convert_element_type3A = arith.extui %eq3A_86 : i1 to i32
    %cond3A = arith.constant 0 : i32
    %cond3A_87 = arith.cmpi ne, %convert_element_type3A, %cond3A : i32
    scf.if %cond3A_87 {
      %dma_wait3A = arith.constant 0 : i32
      %dma_wait3A_96 = arith.constant 0 : i32
      %dma_wait3A_97 = tpu.memref_slice %arg4[%dma_wait3A, %dma_wait3A_96] : memref<16896x128xf32, #tpu.memory_space<hbm>> -> memref<16896x128xf32, #tpu.memory_space<hbm>>
      tpu.wait_indirect_dma semaphore(%arg15 : memref<!tpu.dma_semaphore, #tpu.memory_space<semaphore_mem>>) src(%arg10 : memref<16x128xf32, #tpu.memory_space<vmem>>) dst(%dma_wait3A_97 : memref<16896x128xf32, #tpu.memory_space<hbm>>)
    } else {
    }
    %get3A_88 = arith.constant 2 : i32
    %get3A_89 = arith.index_cast %get3A_88 : i32 to index
    %get3A_90 = memref.load %arg12[%get3A_89] : memref<8xi32, #tpu.memory_space<smem>>
    %eq3A_91 = arith.constant 1 : i32
    %eq3A_92 = arith.cmpi eq, %get3A_90, %eq3A_91 : i32
    %convert_element_type3A_93 = arith.extui %eq3A_92 : i1 to i32
    %cond3A_94 = arith.constant 0 : i32
    %cond3A_95 = arith.cmpi ne, %convert_element_type3A_93, %cond3A_94 : i32
    scf.if %cond3A_95 {
      %dma_wait3A = arith.constant 0 : i32
      %dma_wait3A_96 = arith.constant 0 : i32
      %dma_wait3A_97 = tpu.memref_slice %arg4[%dma_wait3A, %dma_wait3A_96] : memref<16896x128xf32, #tpu.memory_space<hbm>> -> memref<16896x128xf32, #tpu.memory_space<hbm>>
      tpu.wait_indirect_dma semaphore(%arg16 : memref<!tpu.dma_semaphore, #tpu.memory_space<semaphore_mem>>) src(%arg11 : memref<16x128xf32, #tpu.memory_space<vmem>>) dst(%dma_wait3A_97 : memref<16896x128xf32, #tpu.memory_space<hbm>>)
    } else {
    }
    return
  }
}

#map = affine_map<(d0, d1) -> (0, 0)>
module attributes {stable_mosaic.version = 14 : i64} {
  func.func @_k2(%arg0: i32, %arg1: i32, %arg2: memref<16896x128xf32, #tpu.memory_space<hbm>>, %arg3: memref<64x4096xf32, #tpu.memory_space<hbm>>, %arg4: memref<64x16384xf32, #tpu.memory_space<hbm>>, %arg5: memref<256x128xf32, #tpu.memory_space<vmem>>, %arg6: memref<256x128xf32, #tpu.memory_space<vmem>>, %arg7: memref<64x512xf32, #tpu.memory_space<vmem>>, %arg8: memref<64x256xf32, #tpu.memory_space<vmem>>, %arg9: memref<!tpu.dma_semaphore, #tpu.memory_space<semaphore_mem>>, %arg10: memref<!tpu.dma_semaphore, #tpu.memory_space<semaphore_mem>>, %arg11: memref<!tpu.dma_semaphore, #tpu.memory_space<semaphore_mem>>) attributes {dimension_semantics = [#tpu.dimension_semantics<core_parallel>, #tpu.dimension_semantics<subcore_parallel>], iteration_bounds = array<i64: 2, 16>, scalar_prefetch = 0 : i64, scratch_operands = 7 : i64, tpu.core_type = #tpu.core_type<sc_vector_subcore>, window_params = [{transform_indices = #map}, {transform_indices = #map}, {transform_indices = #map}]} {
    %mul3A = arith.constant 2 : i32
    %mul3A_0 = arith.muli %arg1, %mul3A : i32
    %add3A = arith.addi %mul3A_0, %arg0 : i32
    %mul3A_1 = arith.constant 512 : i32
    %mul3A_2 = arith.muli %add3A, %mul3A_1 : i32
    %multiple_of3A = tpu.assume_multiple %mul3A_2, 128 : i32
    %mul3A_3 = arith.constant 512 : i32
    %mul3A_4 = arith.muli %add3A, %mul3A_3 : i32
    %rem3A = arith.constant 4096 : i32
    %rem3A_5 = arith.remsi %mul3A_4, %rem3A : i32
    %multiple_of3A_6 = tpu.assume_multiple %rem3A_5, 128 : i32
    %iota3A = tpu.iota {dimensions = array<i32: 0>} : vector<16xi32>
    %dma_start3A = arith.constant 0 : i32
    %dma_start3A_7 = tpu.memref_slice %arg2[%multiple_of3A, %dma_start3A] : memref<16896x128xf32, #tpu.memory_space<hbm>> -> memref<256x128xf32, #tpu.memory_space<hbm>>
    %dma_start3A_8 = arith.constant 0 : i32
    %dma_start3A_9 = tpu.memref_slice %arg2[%multiple_of3A, %dma_start3A_8] : memref<16896x128xf32, #tpu.memory_space<hbm>> -> memref<256x128xf32, #tpu.memory_space<hbm>>
    tpu.enqueue_dma source(%dma_start3A_9 : memref<256x128xf32, #tpu.memory_space<hbm>>) target(%arg5 : memref<256x128xf32, #tpu.memory_space<vmem>>) target_semaphore(%arg9 : memref<!tpu.dma_semaphore, #tpu.memory_space<semaphore_mem>>)
    %add3A_10 = arith.constant 256 : i32
    %add3A_11 = arith.addi %multiple_of3A, %add3A_10 : i32
    %multiple_of3A_12 = tpu.assume_multiple %add3A_11, 128 : i32
    %dma_start3A_13 = arith.constant 0 : i32
    %dma_start3A_14 = tpu.memref_slice %arg2[%multiple_of3A_12, %dma_start3A_13] : memref<16896x128xf32, #tpu.memory_space<hbm>> -> memref<256x128xf32, #tpu.memory_space<hbm>>
    %dma_start3A_15 = arith.constant 0 : i32
    %dma_start3A_16 = tpu.memref_slice %arg2[%multiple_of3A_12, %dma_start3A_15] : memref<16896x128xf32, #tpu.memory_space<hbm>> -> memref<256x128xf32, #tpu.memory_space<hbm>>
    tpu.enqueue_dma source(%dma_start3A_16 : memref<256x128xf32, #tpu.memory_space<hbm>>) target(%arg6 : memref<256x128xf32, #tpu.memory_space<vmem>>) target_semaphore(%arg10 : memref<!tpu.dma_semaphore, #tpu.memory_space<semaphore_mem>>)
    %dma_start3A_17 = arith.constant 0 : i32
    %dma_start3A_18 = tpu.memref_slice %arg3[%dma_start3A_17, %multiple_of3A_6] : memref<64x4096xf32, #tpu.memory_space<hbm>> -> memref<64x512xf32, #tpu.memory_space<hbm>>
    %dma_start3A_19 = arith.constant 0 : i32
    %dma_start3A_20 = tpu.memref_slice %arg3[%dma_start3A_19, %multiple_of3A_6] : memref<64x4096xf32, #tpu.memory_space<hbm>> -> memref<64x512xf32, #tpu.memory_space<hbm>>
    tpu.enqueue_dma source(%dma_start3A_20 : memref<64x512xf32, #tpu.memory_space<hbm>>) target(%arg7 : memref<64x512xf32, #tpu.memory_space<vmem>>) target_semaphore(%arg11 : memref<!tpu.dma_semaphore, #tpu.memory_space<semaphore_mem>>)
    %dma_wait3A = arith.constant 0 : i32
    %dma_wait3A_21 = arith.constant 0 : i32
    %dma_wait3A_22 = tpu.memref_slice %arg3[%dma_wait3A, %dma_wait3A_21] : memref<64x4096xf32, #tpu.memory_space<hbm>> -> memref<64x512xf32, #tpu.memory_space<hbm>>
    %dma_wait3A_23 = arith.constant 0 : i32
    %dma_wait3A_24 = arith.constant 0 : i32
    %dma_wait3A_25 = tpu.memref_slice %arg3[%dma_wait3A_23, %dma_wait3A_24] : memref<64x4096xf32, #tpu.memory_space<hbm>> -> memref<64x512xf32, #tpu.memory_space<hbm>>
    tpu.wait_dma2 semaphore(%arg11 : memref<!tpu.dma_semaphore, #tpu.memory_space<semaphore_mem>>) src(%dma_wait3A_25 : memref<64x512xf32, #tpu.memory_space<hbm>>) dst(%arg7 : memref<64x512xf32, #tpu.memory_space<vmem>>)
    %dma_wait3A_26 = arith.constant 0 : i32
    %dma_wait3A_27 = arith.constant 0 : i32
    %dma_wait3A_28 = tpu.memref_slice %arg2[%dma_wait3A_26, %dma_wait3A_27] : memref<16896x128xf32, #tpu.memory_space<hbm>> -> memref<256x128xf32, #tpu.memory_space<hbm>>
    %dma_wait3A_29 = arith.constant 0 : i32
    %dma_wait3A_30 = arith.constant 0 : i32
    %dma_wait3A_31 = tpu.memref_slice %arg2[%dma_wait3A_29, %dma_wait3A_30] : memref<16896x128xf32, #tpu.memory_space<hbm>> -> memref<256x128xf32, #tpu.memory_space<hbm>>
    tpu.wait_dma2 semaphore(%arg9 : memref<!tpu.dma_semaphore, #tpu.memory_space<semaphore_mem>>) src(%dma_wait3A_31 : memref<256x128xf32, #tpu.memory_space<hbm>>) dst(%arg5 : memref<256x128xf32, #tpu.memory_space<vmem>>)
    %scan3A = arith.constant 0 : i32
    %scan3A_32 = arith.constant 0 : i32
    %scan3A_33 = arith.constant 16 : i32
    %scan3A_34 = arith.addi %scan3A_32, %scan3A_33 : i32
    %scan3A_35 = arith.constant 1 : i32
    %scan3A_36 = scf.for %scan3A_57 = %scan3A_32 to %scan3A_34 step %scan3A_35 iter_args(%scan3A_58 = %scan3A) -> (i32)  : i32 {
      %mul3A_59 = arith.constant 16 : i32
      %mul3A_60 = arith.muli %scan3A_57, %mul3A_59 : i32
      %broadcast_in_dim3A = vector.broadcast %mul3A_60 : i32 to vector<16xi32>
      %add3A_61 = arith.addi %broadcast_in_dim3A, %iota3A : vector<16xi32>
      %scan3A_62 = arith.constant 0 : i32
      %scan3A_63 = arith.constant 0 : i32
      %scan3A_64 = arith.constant 64 : i32
      %scan3A_65 = arith.addi %scan3A_63, %scan3A_64 : i32
      %scan3A_66 = arith.constant 4 : i32
      %scan3A_67 = scf.for %scan3A_70 = %scan3A_63 to %scan3A_65 step %scan3A_66 iter_args(%scan3A_71 = %scan3A_62) -> (i32)  : i32 {
        %broadcast_in_dim3A_72 = vector.broadcast %scan3A_70 : i32 to vector<16xi32>
        %gather3A = tpu.vector_load_idx %arg5[%add3A_61, %broadcast_in_dim3A_72] : memref<256x128xf32, #tpu.memory_space<vmem>>[vector<16xi32>, vector<16xi32>], vector<16xf32>,
        %mul3A_73 = arith.constant 16 : i32
        %mul3A_74 = arith.muli %scan3A_57, %mul3A_73 : i32
        %add3A_75 = arith.constant 0 : i32
        %add3A_76 = arith.addi %add3A_75, %mul3A_74 : i32
        %get3A = arith.index_cast %scan3A_70 : i32 to index
        %get3A_77 = arith.index_cast %add3A_76 : i32 to index
        %get3A_78 = tpu.vector_load %arg7[%get3A, %get3A_77] {strides = array<i32>} : memref<64x512xf32, #tpu.memory_space<vmem>>, vector<16xf32>,
        %add3A_79 = arith.addf %gather3A, %get3A_78 : vector<16xf32>
        %mul3A_80 = arith.constant 16 : i32
        %mul3A_81 = arith.muli %scan3A_57, %mul3A_80 : i32
        %swap3A = arith.index_cast %scan3A_70 : i32 to index
        %swap3A_82 = arith.index_cast %mul3A_81 : i32 to index
        %swap3A_83 = tpu.vector_load %arg8[%swap3A, %swap3A_82] {strides = array<i32>} : memref<64x256xf32, #tpu.memory_space<vmem>>, vector<16xf32>,
        tpu.vector_store %arg8[%swap3A, %swap3A_82], %add3A_79 {strides = array<i32>} : memref<64x256xf32, #tpu.memory_space<vmem>>, vector<16xf32>,
        %scan3A_84 = arith.constant 0 : i32
        %scan3A_85 = arith.constant 1 : i32
        %scan3A_86 = arith.addi %scan3A_70, %scan3A_85 : i32
        %broadcast_in_dim3A_87 = vector.broadcast %scan3A_86 : i32 to vector<16xi32>
        %gather3A_88 = tpu.vector_load_idx %arg5[%add3A_61, %broadcast_in_dim3A_87] : memref<256x128xf32, #tpu.memory_space<vmem>>[vector<16xi32>, vector<16xi32>], vector<16xf32>,
        %mul3A_89 = arith.constant 16 : i32
        %mul3A_90 = arith.muli %scan3A_57, %mul3A_89 : i32
        %add3A_91 = arith.constant 0 : i32
        %add3A_92 = arith.addi %add3A_91, %mul3A_90 : i32
        %get3A_93 = arith.index_cast %scan3A_86 : i32 to index
        %get3A_94 = arith.index_cast %add3A_92 : i32 to index
        %get3A_95 = tpu.vector_load %arg7[%get3A_93, %get3A_94] {strides = array<i32>} : memref<64x512xf32, #tpu.memory_space<vmem>>, vector<16xf32>,
        %add3A_96 = arith.addf %gather3A_88, %get3A_95 : vector<16xf32>
        %mul3A_97 = arith.constant 16 : i32
        %mul3A_98 = arith.muli %scan3A_57, %mul3A_97 : i32
        %swap3A_99 = arith.index_cast %scan3A_86 : i32 to index
        %swap3A_100 = arith.index_cast %mul3A_98 : i32 to index
        %swap3A_101 = tpu.vector_load %arg8[%swap3A_99, %swap3A_100] {strides = array<i32>} : memref<64x256xf32, #tpu.memory_space<vmem>>, vector<16xf32>,
        tpu.vector_store %arg8[%swap3A_99, %swap3A_100], %add3A_96 {strides = array<i32>} : memref<64x256xf32, #tpu.memory_space<vmem>>, vector<16xf32>,
        %scan3A_102 = arith.constant 0 : i32
        %scan3A_103 = arith.constant 2 : i32
        %scan3A_104 = arith.addi %scan3A_70, %scan3A_103 : i32
        %broadcast_in_dim3A_105 = vector.broadcast %scan3A_104 : i32 to vector<16xi32>
        %gather3A_106 = tpu.vector_load_idx %arg5[%add3A_61, %broadcast_in_dim3A_105] : memref<256x128xf32, #tpu.memory_space<vmem>>[vector<16xi32>, vector<16xi32>], vector<16xf32>,
        %mul3A_107 = arith.constant 16 : i32
        %mul3A_108 = arith.muli %scan3A_57, %mul3A_107 : i32
        %add3A_109 = arith.constant 0 : i32
        %add3A_110 = arith.addi %add3A_109, %mul3A_108 : i32
        %get3A_111 = arith.index_cast %scan3A_104 : i32 to index
        %get3A_112 = arith.index_cast %add3A_110 : i32 to index
        %get3A_113 = tpu.vector_load %arg7[%get3A_111, %get3A_112] {strides = array<i32>} : memref<64x512xf32, #tpu.memory_space<vmem>>, vector<16xf32>,
        %add3A_114 = arith.addf %gather3A_106, %get3A_113 : vector<16xf32>
        %mul3A_115 = arith.constant 16 : i32
        %mul3A_116 = arith.muli %scan3A_57, %mul3A_115 : i32
        %swap3A_117 = arith.index_cast %scan3A_104 : i32 to index
        %swap3A_118 = arith.index_cast %mul3A_116 : i32 to index
        %swap3A_119 = tpu.vector_load %arg8[%swap3A_117, %swap3A_118] {strides = array<i32>} : memref<64x256xf32, #tpu.memory_space<vmem>>, vector<16xf32>,
        tpu.vector_store %arg8[%swap3A_117, %swap3A_118], %add3A_114 {strides = array<i32>} : memref<64x256xf32, #tpu.memory_space<vmem>>, vector<16xf32>,
        %scan3A_120 = arith.constant 0 : i32
        %scan3A_121 = arith.constant 3 : i32
        %scan3A_122 = arith.addi %scan3A_70, %scan3A_121 : i32
        %broadcast_in_dim3A_123 = vector.broadcast %scan3A_122 : i32 to vector<16xi32>
        %gather3A_124 = tpu.vector_load_idx %arg5[%add3A_61, %broadcast_in_dim3A_123] : memref<256x128xf32, #tpu.memory_space<vmem>>[vector<16xi32>, vector<16xi32>], vector<16xf32>,
        %mul3A_125 = arith.constant 16 : i32
        %mul3A_126 = arith.muli %scan3A_57, %mul3A_125 : i32
        %add3A_127 = arith.constant 0 : i32
        %add3A_128 = arith.addi %add3A_127, %mul3A_126 : i32
        %get3A_129 = arith.index_cast %scan3A_122 : i32 to index
        %get3A_130 = arith.index_cast %add3A_128 : i32 to index
        %get3A_131 = tpu.vector_load %arg7[%get3A_129, %get3A_130] {strides = array<i32>} : memref<64x512xf32, #tpu.memory_space<vmem>>, vector<16xf32>,
        %add3A_132 = arith.addf %gather3A_124, %get3A_131 : vector<16xf32>
        %mul3A_133 = arith.constant 16 : i32
        %mul3A_134 = arith.muli %scan3A_57, %mul3A_133 : i32
        %swap3A_135 = arith.index_cast %scan3A_122 : i32 to index
        %swap3A_136 = arith.index_cast %mul3A_134 : i32 to index
        %swap3A_137 = tpu.vector_load %arg8[%swap3A_135, %swap3A_136] {strides = array<i32>} : memref<64x256xf32, #tpu.memory_space<vmem>>, vector<16xf32>,
        tpu.vector_store %arg8[%swap3A_135, %swap3A_136], %add3A_132 {strides = array<i32>} : memref<64x256xf32, #tpu.memory_space<vmem>>, vector<16xf32>,
        %scan3A_138 = arith.constant 0 : i32
        scf.yield %scan3A_138 : i32
      }
      %scan3A_68 = arith.constant 64 : i32
      %scan3A_69 = arith.constant 0 : i32
      scf.yield %scan3A_69 : i32
    }
    %scan3A_37 = arith.constant 16 : i32
    %add3A_38 = arith.constant 0 : i32
    %add3A_39 = arith.addi %multiple_of3A, %add3A_38 : i32
    %multiple_of3A_40 = tpu.assume_multiple %add3A_39, 128 : i32
    "tpu.region"() ({
      %run_scoped3A = tpu.sem_alloc : memref<!tpu.dma_semaphore, #tpu.memory_space<semaphore_mem>>
      %dma_start3A_57 = arith.constant 0 : i32
      %dma_start3A_58 = tpu.memref_slice %arg4[%dma_start3A_57, %multiple_of3A_40] : memref<64x16384xf32, #tpu.memory_space<hbm>> -> memref<64x256xf32, #tpu.memory_space<hbm>>
      %dma_start3A_59 = arith.constant 0 : i32
      %dma_start3A_60 = tpu.memref_slice %arg4[%dma_start3A_59, %multiple_of3A_40] : memref<64x16384xf32, #tpu.memory_space<hbm>> -> memref<64x256xf32, #tpu.memory_space<hbm>>
      tpu.enqueue_dma source(%arg8 : memref<64x256xf32, #tpu.memory_space<vmem>>) target(%dma_start3A_60 : memref<64x256xf32, #tpu.memory_space<hbm>>) target_semaphore(%run_scoped3A : memref<!tpu.dma_semaphore, #tpu.memory_space<semaphore_mem>>)
      %dma_wait3A_61 = arith.constant 0 : i32
      %dma_wait3A_62 = tpu.memref_slice %arg4[%dma_wait3A_61, %multiple_of3A_40] : memref<64x16384xf32, #tpu.memory_space<hbm>> -> memref<64x256xf32, #tpu.memory_space<hbm>>
      %dma_wait3A_63 = arith.constant 0 : i32
      %dma_wait3A_64 = tpu.memref_slice %arg4[%dma_wait3A_63, %multiple_of3A_40] : memref<64x16384xf32, #tpu.memory_space<hbm>> -> memref<64x256xf32, #tpu.memory_space<hbm>>
      tpu.wait_dma2 semaphore(%run_scoped3A : memref<!tpu.dma_semaphore, #tpu.memory_space<semaphore_mem>>) src(%arg8 : memref<64x256xf32, #tpu.memory_space<vmem>>) dst(%dma_wait3A_64 : memref<64x256xf32, #tpu.memory_space<hbm>>)
      tpu.yield
    }) : () -> ()
    %dma_wait3A_41 = arith.constant 0 : i32
    %dma_wait3A_42 = arith.constant 0 : i32
    %dma_wait3A_43 = tpu.memref_slice %arg2[%dma_wait3A_41, %dma_wait3A_42] : memref<16896x128xf32, #tpu.memory_space<hbm>> -> memref<256x128xf32, #tpu.memory_space<hbm>>
    %dma_wait3A_44 = arith.constant 0 : i32
    %dma_wait3A_45 = arith.constant 0 : i32
    %dma_wait3A_46 = tpu.memref_slice %arg2[%dma_wait3A_44, %dma_wait3A_45] : memref<16896x128xf32, #tpu.memory_space<hbm>> -> memref<256x128xf32, #tpu.memory_space<hbm>>
    tpu.wait_dma2 semaphore(%arg10 : memref<!tpu.dma_semaphore, #tpu.memory_space<semaphore_mem>>) src(%dma_wait3A_46 : memref<256x128xf32, #tpu.memory_space<hbm>>) dst(%arg6 : memref<256x128xf32, #tpu.memory_space<vmem>>)
    %scan3A_47 = arith.constant 0 : i32
    %scan3A_48 = arith.constant 0 : i32
    %scan3A_49 = arith.constant 16 : i32
    %scan3A_50 = arith.addi %scan3A_48, %scan3A_49 : i32
    %scan3A_51 = arith.constant 1 : i32
    %scan3A_52 = scf.for %scan3A_57 = %scan3A_48 to %scan3A_50 step %scan3A_51 iter_args(%scan3A_58 = %scan3A_47) -> (i32)  : i32 {
      %mul3A_59 = arith.constant 16 : i32
      %mul3A_60 = arith.muli %scan3A_57, %mul3A_59 : i32
      %broadcast_in_dim3A = vector.broadcast %mul3A_60 : i32 to vector<16xi32>
      %add3A_61 = arith.addi %broadcast_in_dim3A, %iota3A : vector<16xi32>
      %scan3A_62 = arith.constant 0 : i32
      %scan3A_63 = arith.constant 0 : i32
      %scan3A_64 = arith.constant 64 : i32
      %scan3A_65 = arith.addi %scan3A_63, %scan3A_64 : i32
      %scan3A_66 = arith.constant 4 : i32
      %scan3A_67 = scf.for %scan3A_70 = %scan3A_63 to %scan3A_65 step %scan3A_66 iter_args(%scan3A_71 = %scan3A_62) -> (i32)  : i32 {
        %broadcast_in_dim3A_72 = vector.broadcast %scan3A_70 : i32 to vector<16xi32>
        %gather3A = tpu.vector_load_idx %arg6[%add3A_61, %broadcast_in_dim3A_72] : memref<256x128xf32, #tpu.memory_space<vmem>>[vector<16xi32>, vector<16xi32>], vector<16xf32>,
        %mul3A_73 = arith.constant 16 : i32
        %mul3A_74 = arith.muli %scan3A_57, %mul3A_73 : i32
        %add3A_75 = arith.constant 256 : i32
        %add3A_76 = arith.addi %add3A_75, %mul3A_74 : i32
        %get3A = arith.index_cast %scan3A_70 : i32 to index
        %get3A_77 = arith.index_cast %add3A_76 : i32 to index
        %get3A_78 = tpu.vector_load %arg7[%get3A, %get3A_77] {strides = array<i32>} : memref<64x512xf32, #tpu.memory_space<vmem>>, vector<16xf32>,
        %add3A_79 = arith.addf %gather3A, %get3A_78 : vector<16xf32>
        %mul3A_80 = arith.constant 16 : i32
        %mul3A_81 = arith.muli %scan3A_57, %mul3A_80 : i32
        %swap3A = arith.index_cast %scan3A_70 : i32 to index
        %swap3A_82 = arith.index_cast %mul3A_81 : i32 to index
        %swap3A_83 = tpu.vector_load %arg8[%swap3A, %swap3A_82] {strides = array<i32>} : memref<64x256xf32, #tpu.memory_space<vmem>>, vector<16xf32>,
        tpu.vector_store %arg8[%swap3A, %swap3A_82], %add3A_79 {strides = array<i32>} : memref<64x256xf32, #tpu.memory_space<vmem>>, vector<16xf32>,
        %scan3A_84 = arith.constant 0 : i32
        %scan3A_85 = arith.constant 1 : i32
        %scan3A_86 = arith.addi %scan3A_70, %scan3A_85 : i32
        %broadcast_in_dim3A_87 = vector.broadcast %scan3A_86 : i32 to vector<16xi32>
        %gather3A_88 = tpu.vector_load_idx %arg6[%add3A_61, %broadcast_in_dim3A_87] : memref<256x128xf32, #tpu.memory_space<vmem>>[vector<16xi32>, vector<16xi32>], vector<16xf32>,
        %mul3A_89 = arith.constant 16 : i32
        %mul3A_90 = arith.muli %scan3A_57, %mul3A_89 : i32
        %add3A_91 = arith.constant 256 : i32
        %add3A_92 = arith.addi %add3A_91, %mul3A_90 : i32
        %get3A_93 = arith.index_cast %scan3A_86 : i32 to index
        %get3A_94 = arith.index_cast %add3A_92 : i32 to index
        %get3A_95 = tpu.vector_load %arg7[%get3A_93, %get3A_94] {strides = array<i32>} : memref<64x512xf32, #tpu.memory_space<vmem>>, vector<16xf32>,
        %add3A_96 = arith.addf %gather3A_88, %get3A_95 : vector<16xf32>
        %mul3A_97 = arith.constant 16 : i32
        %mul3A_98 = arith.muli %scan3A_57, %mul3A_97 : i32
        %swap3A_99 = arith.index_cast %scan3A_86 : i32 to index
        %swap3A_100 = arith.index_cast %mul3A_98 : i32 to index
        %swap3A_101 = tpu.vector_load %arg8[%swap3A_99, %swap3A_100] {strides = array<i32>} : memref<64x256xf32, #tpu.memory_space<vmem>>, vector<16xf32>,
        tpu.vector_store %arg8[%swap3A_99, %swap3A_100], %add3A_96 {strides = array<i32>} : memref<64x256xf32, #tpu.memory_space<vmem>>, vector<16xf32>,
        %scan3A_102 = arith.constant 0 : i32
        %scan3A_103 = arith.constant 2 : i32
        %scan3A_104 = arith.addi %scan3A_70, %scan3A_103 : i32
        %broadcast_in_dim3A_105 = vector.broadcast %scan3A_104 : i32 to vector<16xi32>
        %gather3A_106 = tpu.vector_load_idx %arg6[%add3A_61, %broadcast_in_dim3A_105] : memref<256x128xf32, #tpu.memory_space<vmem>>[vector<16xi32>, vector<16xi32>], vector<16xf32>,
        %mul3A_107 = arith.constant 16 : i32
        %mul3A_108 = arith.muli %scan3A_57, %mul3A_107 : i32
        %add3A_109 = arith.constant 256 : i32
        %add3A_110 = arith.addi %add3A_109, %mul3A_108 : i32
        %get3A_111 = arith.index_cast %scan3A_104 : i32 to index
        %get3A_112 = arith.index_cast %add3A_110 : i32 to index
        %get3A_113 = tpu.vector_load %arg7[%get3A_111, %get3A_112] {strides = array<i32>} : memref<64x512xf32, #tpu.memory_space<vmem>>, vector<16xf32>,
        %add3A_114 = arith.addf %gather3A_106, %get3A_113 : vector<16xf32>
        %mul3A_115 = arith.constant 16 : i32
        %mul3A_116 = arith.muli %scan3A_57, %mul3A_115 : i32
        %swap3A_117 = arith.index_cast %scan3A_104 : i32 to index
        %swap3A_118 = arith.index_cast %mul3A_116 : i32 to index
        %swap3A_119 = tpu.vector_load %arg8[%swap3A_117, %swap3A_118] {strides = array<i32>} : memref<64x256xf32, #tpu.memory_space<vmem>>, vector<16xf32>,
        tpu.vector_store %arg8[%swap3A_117, %swap3A_118], %add3A_114 {strides = array<i32>} : memref<64x256xf32, #tpu.memory_space<vmem>>, vector<16xf32>,
        %scan3A_120 = arith.constant 0 : i32
        %scan3A_121 = arith.constant 3 : i32
        %scan3A_122 = arith.addi %scan3A_70, %scan3A_121 : i32
        %broadcast_in_dim3A_123 = vector.broadcast %scan3A_122 : i32 to vector<16xi32>
        %gather3A_124 = tpu.vector_load_idx %arg6[%add3A_61, %broadcast_in_dim3A_123] : memref<256x128xf32, #tpu.memory_space<vmem>>[vector<16xi32>, vector<16xi32>], vector<16xf32>,
        %mul3A_125 = arith.constant 16 : i32
        %mul3A_126 = arith.muli %scan3A_57, %mul3A_125 : i32
        %add3A_127 = arith.constant 256 : i32
        %add3A_128 = arith.addi %add3A_127, %mul3A_126 : i32
        %get3A_129 = arith.index_cast %scan3A_122 : i32 to index
        %get3A_130 = arith.index_cast %add3A_128 : i32 to index
        %get3A_131 = tpu.vector_load %arg7[%get3A_129, %get3A_130] {strides = array<i32>} : memref<64x512xf32, #tpu.memory_space<vmem>>, vector<16xf32>,
        %add3A_132 = arith.addf %gather3A_124, %get3A_131 : vector<16xf32>
        %mul3A_133 = arith.constant 16 : i32
        %mul3A_134 = arith.muli %scan3A_57, %mul3A_133 : i32
        %swap3A_135 = arith.index_cast %scan3A_122 : i32 to index
        %swap3A_136 = arith.index_cast %mul3A_134 : i32 to index
        %swap3A_137 = tpu.vector_load %arg8[%swap3A_135, %swap3A_136] {strides = array<i32>} : memref<64x256xf32, #tpu.memory_space<vmem>>, vector<16xf32>,
        tpu.vector_store %arg8[%swap3A_135, %swap3A_136], %add3A_132 {strides = array<i32>} : memref<64x256xf32, #tpu.memory_space<vmem>>, vector<16xf32>,
        %scan3A_138 = arith.constant 0 : i32
        scf.yield %scan3A_138 : i32
      }
      %scan3A_68 = arith.constant 64 : i32
      %scan3A_69 = arith.constant 0 : i32
      scf.yield %scan3A_69 : i32
    }
    %scan3A_53 = arith.constant 16 : i32
    %add3A_54 = arith.constant 256 : i32
    %add3A_55 = arith.addi %multiple_of3A, %add3A_54 : i32
    %multiple_of3A_56 = tpu.assume_multiple %add3A_55, 128 : i32
    "tpu.region"() ({
      %run_scoped3A = tpu.sem_alloc : memref<!tpu.dma_semaphore, #tpu.memory_space<semaphore_mem>>
      %dma_start3A_57 = arith.constant 0 : i32
      %dma_start3A_58 = tpu.memref_slice %arg4[%dma_start3A_57, %multiple_of3A_56] : memref<64x16384xf32, #tpu.memory_space<hbm>> -> memref<64x256xf32, #tpu.memory_space<hbm>>
      %dma_start3A_59 = arith.constant 0 : i32
      %dma_start3A_60 = tpu.memref_slice %arg4[%dma_start3A_59, %multiple_of3A_56] : memref<64x16384xf32, #tpu.memory_space<hbm>> -> memref<64x256xf32, #tpu.memory_space<hbm>>
      tpu.enqueue_dma source(%arg8 : memref<64x256xf32, #tpu.memory_space<vmem>>) target(%dma_start3A_60 : memref<64x256xf32, #tpu.memory_space<hbm>>) target_semaphore(%run_scoped3A : memref<!tpu.dma_semaphore, #tpu.memory_space<semaphore_mem>>)
      %dma_wait3A_61 = arith.constant 0 : i32
      %dma_wait3A_62 = tpu.memref_slice %arg4[%dma_wait3A_61, %multiple_of3A_56] : memref<64x16384xf32, #tpu.memory_space<hbm>> -> memref<64x256xf32, #tpu.memory_space<hbm>>
      %dma_wait3A_63 = arith.constant 0 : i32
      %dma_wait3A_64 = tpu.memref_slice %arg4[%dma_wait3A_63, %multiple_of3A_56] : memref<64x16384xf32, #tpu.memory_space<hbm>> -> memref<64x256xf32, #tpu.memory_space<hbm>>
      tpu.wait_dma2 semaphore(%run_scoped3A : memref<!tpu.dma_semaphore, #tpu.memory_space<semaphore_mem>>) src(%arg8 : memref<64x256xf32, #tpu.memory_space<vmem>>) dst(%dma_wait3A_64 : memref<64x256xf32, #tpu.memory_space<hbm>>)
      tpu.yield
    }) : () -> ()
    return
  }
}

</mosaic_0001>

<sc_bundles>
// kernel: kernel.4.cloned.1.call-start
scs
__scs_entry_jumppad:
0x0: {  	(pc) =	sbr.rel $0x88, $3  }
0x1: {  	(tag) =	ssettag $0x0;
	lr =	simm.s32 $0x1  }
0x2: {  	[smem:$0x3F9E] =	sst lr;
	_ =	strace $0xD0000000  }
0x3: {  	_ = 	snop  }
0x4: {  	_ = 	snop  }
0x5: {  	_ = 	snop  }
0x6: {  	_ = 	snop  }
0x7: {  	_ = 	snop  }
__scs_overlays_trampoline_lowered:
0x8: {  	[smem:$0x3FAD] =	sst s0  }
0x9: {  	[smem:$0x3FAE] =	sst s1  }
0xa: {  	[smem:$0x3FAF] =	sst s2  }
0xb: {  	[smem:$0x3FB0] =	sst s3  }
0xc: {  	[smem:$0x3FB1] =	sst s4  }
0xd: {  	[smem:$0x3FB2] =	sst s5  }
0xe: {  	[smem:$0x3FB3] =	sst s6  }
0xf: {  	[smem:$0x3FB4] =	sst s7  }
0x10: {  	[smem:$0x3FB5] =	sst s8  }
0x11: {  	[smem:$0x3FB6] =	sst s9;
	s0 =	simm.s32 @!p0 $0x0  }
0x12: {  	s1 =	sld [smem:$0x3F9C];
	s0 =	simm.s32 @p0 $0x1  }
0x13: {  	[smem:$0x3FB7] =	sst s0;
	s0 =	simm.s32 @!p1 $0x0  }
0x14: {  	s2 =	sld [smem:$0x3F9B];
	s0 =	simm.s32 @p1 $0x1  }
0x15: {  	[smem:$0x3FB8] =	sst s0;
	s0 =	simm.s32 @!p2 $0x0  }
0x16: {  	s3 =	sld [smem:$0x3FDB];
	s0 =	simm.s32 @p2 $0x1  }
0x17: {  	s4 =	simm.s32 $0x1BF5;
	[smem:$0x3FBA] =	sst s0  }
0x18: {  	s0 =	sld [smem:$0x3F9D];
	_ =	swait.ge [sflag:s4], $0x0  }
0x19: {  	s7 =	sld [smem:$0x3F9E]  }
0x1a: {  	s8 =	sadd.s32 $0xFFFFE003, lr  }
0x1b: {  	s9 =	sadd.s32 $0xFFFFFEF7, lr;
	s5 =	simm.s32 $0xFFFFFFFF;
	p2 =	slt.u32 s8, $0xFFFFF086  }
0x1c: {  	p1 =	slt.u32 s9, $0xF7A;
	s5 =	simm.s32 @!p2 $0x0  }
0x1d: {  	s5 =	simm.s32 @p1 $0x1;
	p0 =	seq.s32 s7, s2  }
0x1e: {  	s7 =	smul.u32 @!p0 $0xF7A, s2;
	p2 =	seq.s32 @!p0 s5, $0x0  }
0x1f: {  	s9 =	smul.u32 $0xF7A, s1;
	s8 =	simm.s32 @!p0 $0x1BF5;
	p2 =	por !p2, p0  }
0x20: {  	[sflag:s8] =	ssyncset.s32 @!p0 $0xFFFFF086;
	s6 =	sadd.s32 @!p0 s3, s7;
	s7 =	simm.s32 @!p0 $0x108  }
0x21: {  	s3 =	sadd.s32 s3, s9;
	s6 =	sadd.s32 @!p0 $0x88, s6;
	s7 =	simm.s32 @p2 $0x1082  }
0x22: {  	[simem:s7], [sflag:s8] =	dma.local @!p0 [hbm:s6], $0xF7A  }
0x23: {  	s9 =	sor.u32 $0xD0000000, s2;
	s6 =	simm.s32 $0x108;
	_ =	swait.ge @!p0 [sflag:s8], $0x0  }
0x24: {  	s3 =	sadd.s32 $0x88, s3;
	s6 =	simm.s32 @!p1 $0x1082;
	[sflag:s4] =	ssyncset.s32 $0xFFFFF086  }
0x25: {  	[simem:s6], [sflag:s4] =	dma.local [hbm:s3], $0xF7A  }
0x26: {  	[smem:$0x3F9E] =	sst s1;
	(tag) =	ssettag s2;
	_ =	strace s9  }
0x27: {  	s1 =	sld [smem:$0x3FAE]  }
0x28: {  	s2 =	sld [smem:$0x3FAF]  }
0x29: {  	s4 =	sld [smem:$0x3FB1]  }
0x2a: {  	p0 =	seq.s32 s5, $0x0;
	s5 =	sld [smem:$0x3FB2]  }
0x2b: {  	s6 =	sld [smem:$0x3FB3]  }
0x2c: {  	s7 =	sld [smem:$0x3FB4]  }
0x2d: {  	s3 =	simm.s32 $0x108;
	s8 =	sld [smem:$0x3FB5]  }
0x2e: {  	s3 =	simm.s32 @!p0 $0x1082;
	s9 =	sld [smem:$0x3FB6]  }
0x2f: {  	lr =	sadd.s32 s0, s3;
	s0 =	sld [smem:$0x3FAD]  }
0x30: {  	s3 =	sld [smem:$0x3FB0]  }
0x31: {  	[smem:$0x3FB9] =	sst s10  }
0x32: {  	s10 =	sld [smem:$0x3FB7];
	_ =	sdelay $0x3  }
0x33: {  	p0 =	seq.s32 s10, $0x1;
	s10 =	sld [smem:$0x3FB9];
	_ =	sdelay $0x3  }
0x34: {  	[smem:$0x3FB9] =	sst s10  }
0x35: {  	s10 =	sld [smem:$0x3FB8];
	_ =	sdelay $0x3  }
0x36: {  	p1 =	seq.s32 s10, $0x1;
	s10 =	sld [smem:$0x3FB9];
	_ =	sdelay $0x3  }
0x37: {  	[smem:$0x3FB9] =	sst s10  }
0x38: {  	s10 =	sld [smem:$0x3FBA]  }
0x39: {  	_ = 	snop;
	(pc) =	sbr.ind lr, $3  }
0x3a: {  	_ = 	snop  }
0x3b: {  	_ = 	snop  }
0x3c: {  	p2 =	seq.s32 s10, $0x1;
	s10 =	sld [smem:$0x3FB9]  }
0x3d: {  	_ =	shalt  }
0x3e: {  	_ =	shalt  }
0x3f: {  	_ =	shalt  }
0x40: {  	_ =	shalt  }
0x41: {  	_ =	shalt  }
0x42: {  	_ =	shalt  }
0x43: {  	_ =	shalt  }
0x44: {  	_ =	shalt  }
0x45: {  	_ =	shalt  }
0x46: {  	_ =	shalt  }
0x47: {  	_ =	shalt  }
0x48: {  	_ =	shalt  }
0x49: {  	_ =	shalt  }
0x4a: {  	_ =	shalt  }
0x4b: {  	_ =	shalt  }
0x4c: {  	_ =	shalt  }
0x4d: {  	_ =	shalt  }
0x4e: {  	_ =	shalt  }
0x4f: {  	_ =	shalt  }
0x50: {  	_ =	shalt  }
0x51: {  	_ =	shalt  }
0x52: {  	_ =	shalt  }
0x53: {  	_ =	shalt  }
0x54: {  	_ =	shalt  }
0x55: {  	_ =	shalt  }
0x56: {  	_ =	shalt  }
0x57: {  	_ =	shalt  }
0x58: {  	_ =	shalt  }
0x59: {  	_ =	shalt  }
0x5a: {  	_ =	shalt  }
0x5b: {  	_ =	shalt  }
0x5c: {  	_ =	shalt  }
0x5d: {  	_ =	shalt  }
0x5e: {  	_ =	shalt  }
0x5f: {  	_ =	shalt  }
0x60: {  	_ =	shalt  }
0x61: {  	_ =	shalt  }
0x62: {  	_ =	shalt  }
0x63: {  	_ =	shalt  }
0x64: {  	_ =	shalt  }
0x65: {  	_ =	shalt  }
0x66: {  	_ =	shalt  }
0x67: {  	_ =	shalt  }
0x68: {  	_ =	shalt  }
0x69: {  	_ =	shalt  }
0x6a: {  	_ =	shalt  }
0x6b: {  	_ =	shalt  }
0x6c: {  	_ =	shalt  }
0x6d: {  	_ =	shalt  }
0x6e: {  	_ =	shalt  }
0x6f: {  	_ =	shalt  }
0x70: {  	_ =	shalt  }
0x71: {  	_ =	shalt  }
0x72: {  	_ =	shalt  }
0x73: {  	_ =	shalt  }
0x74: {  	_ =	shalt  }
0x75: {  	_ =	shalt  }
0x76: {  	_ =	shalt  }
0x77: {  	_ =	shalt  }
0x78: {  	_ =	shalt  }
0x79: {  	_ =	shalt  }
0x7a: {  	_ =	shalt  }
0x7b: {  	_ =	shalt  }
0x7c: {  	_ =	shalt  }
0x7d: {  	_ =	shalt  }
0x7e: {  	_ =	shalt  }
0x7f: {  	_ =	shalt  }
0x80: {  	_ =	shalt  }
0x81: {  	_ =	shalt  }
0x82: {  	_ =	shalt  }
0x83: {  	_ =	shalt  }
0x84: {  	_ =	shalt  }
0x85: {  	_ =	shalt  }
0x86: {  	_ =	shalt  }
0x87: {  	_ =	shalt  }
.Lfunc_end0:
.L_simem_size_0:
called_computation_lowered:
.L_overlay_start_0:
0x88: {  	s2 =	sld [smem:$0x3FD9]  }
0x89: {  	s3 =	sld [smem:$0x3FFE];
	_ =	sdelay $0x1  }
0x8a: {  	s1 =	srdreg.scid  }
0x8b: {  	s0 =	sand.u32 $0x1, s1  }
0x8c: {  	s17 =	sshll.u32 s0, $0xA;
	s2 =	sadd.s32 s3, s2  }
0x8d: {  	s2 =	sadd.s32 s2, s17  }
0x8e: {  	[smem:$0x3FC5] =	sst s2  }
0x8f: {  	_ = 	snop  }
0x90: {  	s2 =	sld [smem:$0x3FC9]  }
0x91: {  	s18 =	sld [smem:$0x3FC8];
	(tm) =	ssettm $0x1  }
0x92: {  	s4 =	sld [smem:$0x3FFB];
	_ =	sdelay $0x3  }
0x93: {  	_ =	strace s4  }
0x94: {  	s4 =	sld [smem:$0x3FFC];
	_ =	sdelay $0x3  }
0x95: {  	_ =	strace s4  }
0x96: {  	s4 =	sld [smem:$0x3FFD];
	_ =	sdelay $0x3  }
0x97: {  	_ =	strace s4  }
0x98: {  	_ =	strace $0x8FFFFFFF  }
0x99: {  	s19 =	sld [smem:$0x3FDB];
	_ =	sdelay $0x1  }
0x9a: {  	s5 =	simm.s32 $_scs_section_size  }
0x9b: {  	s6 =	simm.s32 $_size__tile_overlayer_lowered;
	s7 =	simm.s32 $_tile_overlayer_lowered  }
0x9c: {  	s22 =	simm.s32 $0x1BFF;
	s21 =	sshll.u32 s7, $0x1;
	s4 =	sadd.s32 s5, s19  }
0x9d: {  	s8 =	simm.s32 $0x0;
	s20 =	sshll.u32 s6, $0x1;
	s6 =	sadd.s32 s21, s4  }
0x9e: {  	[timem:s8], [sflag:s22] =	dma.local [hbm:s6], s20  }
0x9f: {  	_ =	swait.ge [sflag:s22], s20  }
0xa0: {  	s5 =	ssub.s32 $0x0, s20;
	[sflag:s22] =	ssyncset.done $0x0  }
0xa1: {  	[sflag:s22] =	ssyncadd.s32 s5;
	_ =	sdelay $0x1  }
0xa2: {  	s23 =	simm.s32 $0x1B8B  }
0xa3: {  	_ =	swait.ge [sflag:s23], $0x1  }
0xa4: {  	[sflag:s23] =	ssyncset.done $0x0  }
0xa5: {  	s25 =	simm.s32 $0x1B8E;
	s24 =	sld [smem:$0x3FFE];
	[sflag:s23] =	ssyncadd.s32 $0xFFFFFFFF  }
0xa6: {  	s26 =	simm.s32 $execute0_lowered;
	[smem:$0x3FD2] =	sst s25  }
0xa7: {  	s6 =	sshll.u32 s26, $0x1;
	_ =	strace $0x80000046;
	[dreg:$0x1] =	wrdreg $0xFFFFFFFF  }
0xa8: {  	s28 =	simm.s32 $_size_execute0_lowered;
	s4 =	sadd.s32 s4, s6;
	[dreg:$0x0] =	wrdreg $0x0  }
0xa9: {  	s6 =	sshll.u32 s28, $0x1;
	[dreg:$0x2] =	wrdreg s4  }
0xaa: {  	[dreg:$0x3] =	wrdreg s6  }
0xab: {  	[dreg:$0x4] =	wrdreg $0xC0  }
0xac: {  	_ =	task [dreg:s8], $0x5FFFF  }
0xad: {  	[dreg:$0x1] =	wrdreg $0xFFFFFFFF  }
0xae: {  	[dreg:$0x0] =	wrdreg $0x60  }
0xaf: {  	[dreg:$0x2] =	wrdreg s2  }
0xb0: {  	[dreg:$0x3] =	wrdreg s18  }
0xb1: {  	[dreg:$0x4] =	wrdreg s24  }
0xb2: {  	[dreg:$0x5] =	wrdreg $0x9  }
0xb3: {  	_ =	task.clear_ibuf [dreg:s8], $0x6FFFF;
	_ =	strace $0x90000046  }
0xb4: {  	s29 =	simm.s32 $0x9;
	_ =	strace $0x80000048  }
0xb5: {  	_ =	swait.ge [sflag:s29], $0x1  }
0xb6: {  	[sflag:s29] =	ssyncadd.s32 $0xFFFFFFFF  }
0xb7: {  	_ =	strace $0x90000048  }
0xb8: {  	_ =	sfence  }
0xb9: {  	s30 =	sld [smem:$0x0];
	_ =	sdelay $0x2  }
0xba: {  	s31 =	sshll.u32 s1, $0xD;
	s1 =	sshrl.u32 s1, $0x2  }
0xbb: {  	s3 =	sand.u32 $0x4000, s31;
	s1 =	sadd.s32 s1, s30  }
0xbc: {  	s0 =	sor.u32 s3, s0;
	s1 =	sshll.u32 s1, $0x11  }
0xbd: {  	s0 =	sor.u32 s1, s0  }
0xbe: {  	s0 =	sadd.s32 $0x8F2B, s0  }
0xbf: {  	[sflag:s0] =	ssyncadd.remote.s32 $0x1  }
0xc0: {  	_ =	sfence.sel $0xFFFF  }
0xc1: {  	[dreg:$0x0] =	wrdreg $0xFFFFFFFF;
	(pc) =	sbr.abs _section_cstart, $3  }
0xc2: {  	[dreg:$0x1] =	wrdreg $0xFFFFFFFF  }
0xc3: {  	_ =	task.clear_ibuf [dreg:s8], $0x2FFFF;
	_ =	strace $0x9FFFFFFF  }
0xc4: {  	(tm) =	ssettm $0x7FFFFFFF  }
0xc5: {  	_ =	shalt  }
tec
execute0_lowered:
.L_overlay_start_1:
0x0: {  	(tag) =	ssettag $0x1  }
0x1: {  	s2 =	rddreg [dreg:$0x1]  }
0x2: {  	s0 =	rddreg [dreg:$0x2];
	s1 =	srdreg.scid  }
0x3: {  	s4 =	simm.s32 $0x0;
	s5 =	stileid.u32;
	s8 =	simm.s32 $0x1  }
0x4: {  	s13 =	simm.s32 $0x7A1400;
	s14 =	simm.s32 $0xC100;
	s15 =	simm.s32 $0x14100  }
0x5: {  	s16 =	simm.s32 $0x5;
	s17 =	simm.s32 $0x4000;
	s18 =	simm.s32 $0x8080  }
0x6: {  	s19 =	simm.s32 $0x1C100;
	s20 =	simm.s32 $0x1C900;
	s21 =	simm.s32 $0x2  }
0x7: {  	s22 =	simm.s32 $0x0;
	s1 =	sand.u32 $0x1, s1;
	s5 =	sshll.u32 s5, $0x1  }
0x8: {  	[smem:$0x7FF] =	sst s4;
	s3 =	ssub.s32 $0x2, s1;
	s1 =	sor.u32 s1, s5  }
0x9: {  	_ =	strace $0x80000047;
	s6 =	sshrl.u32 s3, $0x1;
	p0 =	sne.s32 s1, $0x0  }
0xa: {  	s7 =	smul.u32 $0x3D, s1;
	s30 =	ssub.s32 s3, s6;
	s8 =	simm.s32 @!p0 $0x0  }
.Ltmp0:
0xb: {  	p0 =	seq.s32 s1, $0x0;
	s6 =	simm.s32 $0x3E;
	(pc) =	sbr.rel .LBB2_1-.Ltmp0, $4  }
0xc: {  	v1 =	vlaneseq.u32;
	v4 =	vimm.s32 $0x0;
	s5 =	sadd.s32 $0xC00, s0;
	s7 =	sadd.s32 s8, s7;
	s6 =	simm.s32 @!p0 $0x3D  }
0xd: {  	v8 =	vimm.s32 $0x7FFFFFFF;
	vm0 =	vmmov $0xffff;
	v5 =	vor.u32 $0x1000, v1;
	s1 =	sshll.u32 s1, $0x4;
	s31 =	sshll.u32 s7, $0x9;
	s11 =	sadd.s32 s6, s7  }
0xe: {  	v6 =	vor.u32 $0x2000, v1;
	v7 =	vor.u32 $0x3000, v1;
	v9 =	vmul.u32 $0x80, v1;
	s1 =	sor.u32 $0x4000, s1;
	s9 =	sadd.s32 s2, s31;
	s11 =	sshll.u32 s11, $0x9  }
0xf: {  	s8 =	simm.s32 $0x1;
	v3 =	vor.u32 s1, v1;
	v2 =	vmov s31;
	s10 =	sadd.s32 $0x200, s9;
	v0 =	vmov s11;
	s11 =	smax.u32 s30, $0x1  }
.LBB2_37:
0x10: {  	p0 =	sne.s32 s28, $0x1  }
0x11: {  	s0 =	simm.s32 @!p0 $0x3  }
0x12: {  	_ =	swait.ge @!p0 [sflag:s0], $0x800  }
0x13: {  	s22 =	sadd.s32 $0x1, s22;
	[sflag:s0] =	ssyncset.done @!p0 $0x0  }
0x14: {  	[sflag:s0] =	ssyncadd.s32 @!p0 $0xFFFFF800;
	p0 =	sne.s32 s22, s11  }
.Ltmp1:
0x15: {  	p1 =	sne.s32 s26, $0x1;
	(pc) =	sbr.rel @!p0 .LBB2_38-.Ltmp1, $4  }
0x16: {  	s0 =	simm.s32 @!p1 $0x4  }
0x17: {  	_ =	swait.ge @!p1 [sflag:s0], $0x800  }
0x18: {  	[sflag:s0] =	ssyncset.done @!p1 $0x0  }
0x19: {  	[sflag:s0] =	ssyncadd.s32 @!p1 $0xFFFFF800  }
.LBB2_1:
0x1a: {  	s0 =	simm.s32 $0x1000;
	[smem:$0x1] =	sst s4  }
0x1b: {  	[tilespmem:s14], [sflag:$0x1] =	stream.strided.gather [hbm4b:s9+s0], $0x8000, s13, s0, $0x38;
	[tilespmem:$0x1D100] =	vst v63  }
0x1c: {  	s31 =	rddreg [dreg:$0x0]  }
0x1d: {  	[tilespmem:s15], [sflag:$0x2] =	stream.strided.gather [hbm4b:s10+s0], $0x8000, s13, s0, $0x38;
	[tilespmem:$0x1D100] =	vst v63  }
0x1e: {  	[smem:$0x2] =	sst s4  }
0x1f: {  	[tilespmem:s4], [sflag:$0x5] =	stream.linear.gather [hbm4b:s31+s4], $0x4000, $0x38;
	[tilespmem:$0x1D100] =	vst v63  }
0x20: {  	_ =	swait.ge [sflag:s16], $0x4000  }
0x21: {  	[sflag:s16] =	ssyncset.done $0x0  }
0x22: {  	s23 =	simm.s32 $0x0;
	v10 =	vimm.s32 $0x0;
	s0 =	simm.s32 $0x0;
	[sflag:s16] =	ssyncadd.s32 $0xFFFFC000  }
.LBB2_2:
0x23: {  	s1 =	sand.u32 $0x70, s23;
	s3 =	sand.u32 $0x3E00, s0  }
0x24: {  	s1 =	sor.u32 s1, s3  }
0x25: {  	v11 =	vld [tilespmem:s1+$0x0];
	_ =	sdelay $0x4  }
0x26: {  	vm1 =	vge.s32 v11, v2;
	vm2 =	vlt.s32 v11, v0  }
0x27: {  	vm1 =	vmand vm1, vm2  }
0x28: {  	v12 =	vsel vm1, $0x1, v4  }
0x29: {  	(xrf0) =	vadd.scan.msk.s32 $0xffff, v12;
	_ =	sdelay $0x4  }
0x2a: {  	v50 =	vsel vm1, $0xFFFFFFFF, v4  }
0x2b: {  	v12 =	vadd.s32 v50, v10;
	v13, _, _ =	vpop (xrf0)  }
0x2c: {  	v12 =	vadd.s32 v13, v12  }
0x2d: {  	v11 =	vsub.s32 v11, v2  }
0x2e: {  	v11 =	vshll.u32 v11, $0xE  }
0x2f: {  	v11 =	vadd.s32 s23, v11  }
0x30: {  	v11 =	vadd.s32 v1, v11  }
0x31: {  	[tilespmem:v12+s17+$0x0] =	vst.idx.msk vm1, v11  }
0x32: {  	v11 =	vld [tilespmem:s1+$0x80];
	_ =	sdelay $0x4  }
0x33: {  	vm2 =	vge.s32 v11, v2;
	vm3 =	vlt.s32 v11, v0  }
0x34: {  	vm2 =	vmand vm2, vm3  }
0x35: {  	v51 =	vsel vm2, $0x1, v4  }
0x36: {  	(xrf0) =	vadd.scan.msk.s32 $0xffff, v51;
	_ =	sdelay $0x2  }
0x37: {  	v52 =	vmpcnt.ones.xlane vm1;
	_ =	sdelay $0x1  }
0x38: {  	v10 =	vadd.s32 v10, v52;
	v53 =	vsel vm2, $0xFFFFFFFF, v4  }
0x39: {  	v12 =	vadd.s32 v53, v10;
	v54, _, _ =	vpop (xrf0)  }
0x3a: {  	v12 =	vadd.s32 v54, v12  }
0x3b: {  	v11 =	vsub.s32 v11, v2  }
0x3c: {  	v11 =	vshll.u32 v11, $0xE  }
0x3d: {  	v11 =	vadd.s32 s23, v11  }
0x3e: {  	v11 =	vadd.s32 v5, v11  }
0x3f: {  	[tilespmem:v12+s17+$0x0] =	vst.idx.msk vm2, v11  }
0x40: {  	v11 =	vld [tilespmem:s1+$0x100];
	_ =	sdelay $0x4  }
0x41: {  	vm1 =	vge.s32 v11, v2;
	vm3 =	vlt.s32 v11, v0  }
0x42: {  	vm1 =	vmand vm1, vm3  }
0x43: {  	v55 =	vsel vm1, $0x1, v4  }
0x44: {  	(xrf0) =	vadd.scan.msk.s32 $0xffff, v55;
	_ =	sdelay $0x2  }
0x45: {  	v56 =	vmpcnt.ones.xlane vm2;
	_ =	sdelay $0x1  }
0x46: {  	v10 =	vadd.s32 v10, v56;
	v57 =	vsel vm1, $0xFFFFFFFF, v4  }
0x47: {  	v12 =	vadd.s32 v57, v10;
	v58, _, _ =	vpop (xrf0)  }
0x48: {  	v12 =	vadd.s32 v58, v12  }
0x49: {  	v11 =	vsub.s32 v11, v2  }
0x4a: {  	v11 =	vshll.u32 v11, $0xE  }
0x4b: {  	v11 =	vadd.s32 s23, v11  }
0x4c: {  	v11 =	vadd.s32 v6, v11  }
0x4d: {  	[tilespmem:v12+s17+$0x0] =	vst.idx.msk vm1, v11  }
0x4e: {  	v11 =	vld [tilespmem:s1+$0x180];
	_ =	sdelay $0x4  }
0x4f: {  	vm2 =	vge.s32 v11, v2;
	vm3 =	vlt.s32 v11, v0  }
0x50: {  	vm2 =	vmand vm2, vm3  }
0x51: {  	v59 =	vsel vm2, $0x1, v4  }
0x52: {  	(xrf0) =	vadd.scan.msk.s32 $0xffff, v59;
	_ =	sdelay $0x2  }
0x53: {  	v60 =	vmpcnt.ones.xlane vm1;
	_ =	sdelay $0x1  }
0x54: {  	v10 =	vadd.s32 v10, v60;
	v61 =	vsel vm2, $0xFFFFFFFF, v4  }
0x55: {  	v12 =	vadd.s32 v61, v10;
	v62, _, _ =	vpop (xrf0)  }
0x56: {  	p0 =	sne.s32 s23, $0xFF0;
	v12 =	vadd.s32 v62, v12  }
.Ltmp2:
0x57: {  	v11 =	vsub.s32 v11, v2;
	(pc) =	sbr.rel @p0 .LBB2_2-.Ltmp2, $4  }
0x58: {  	v11 =	vshll.u32 v11, $0xE  }
0x59: {  	v11 =	vadd.s32 s23, v11;
	v63 =	vmpcnt.ones.xlane vm2  }
0x5a: {  	v11 =	vadd.s32 v7, v11  }
0x5b: {  	s0 =	sadd.s32 $0x40, s0;
	s23 =	sadd.s32 $0x10, s23;
	v10 =	vadd.s32 v10, v63;
	[tilespmem:v12+s17+$0x0] =	vst.idx.msk vm2, v11  }
0x5c: {  	v11 =	vxor.u32 $0x80000000, v10  }
0x5d: {  	(xrf0) =	vmax.scan.msk.u32 $0xffff, v11;
	_ =	sdelay $0x5  }
0x5e: {  	v11, _, _ =	vpop (xrf0)  }
0x5f: {  	(v2sf) =	vpush v11, $0xF;
	_ =	sdelay $0xe  }
0x60: {  	s0 =	spop (v2sf)  }
0x61: {  	s0 =	sadd.s32 $0x8000000F, s0  }
0x62: {  	s1 =	sand.u32 $0xF, s0  }
0x63: {  	v10 =	vadd.s32 v1, v10;
	s3 =	sshra.s32 s0, $0x1F;
	p0 =	slt.s32 s0, $0x1;
	p1 =	sne.s32 s1, $0x0  }
.Ltmp3:
0x64: {  	s31 =	sshrl.u32 s3, $0x1C;
	p0 =	por !p0, !p1;
	(pc) =	sbr.rel .LBB2_4-.Ltmp3, $4  }
0x65: {  	s1 =	simm.s32 $0x1;
	s0 =	sadd.s32 s31, s0;
	p0 =	por !p0, !p0  }
0x66: {  	s0 =	sshra.s32 s0, $0x4;
	s1 =	simm.s32 @!p0 $0x0  }
0x67: {  	s26 =	simm.s32 $0x0;
	s23 =	ssub.s32 s0, s1  }
0x68: {  	s28 =	simm.s32 $0x0;
	s24 =	simm.s32 $0x0;
	[tilespmem:v10+s17+$0x0] =	vst.idx.msk $0xffff, v8;
	p0 =	slt.s32 s23, $0x1  }
.LBB2_35:
0x69: {  	s0 =	sadd.s32 $0x3, s25  }
0x6a: {  	p1 =	sge.u32 s0, s6  }
0x6b: {  	s0 =	sadd.s32 @!p1 s7, s0  }
0x6c: {  	s0 =	sshll.u32 @!p1 s0, $0x9  }
0x6d: {  	s1 =	simm.s32 @!p1 $0x1000;
	s0 =	sand.u32 @!p1 $0x1FFFFE00, s0  }
0x6e: {  	s3 =	simm.s32 @!p1 $0x7A1400;
	s12 =	simm.s32 @!p1 $0x14100;
	s0 =	sadd.s32 @!p1 s2, s0  }
0x6f: {  	[tilespmem:s12], [sflag:$0x2] =	stream.strided.gather @!p1 [hbm4b:s0+s1], $0x8000, s3, s1, $0x38;
	[tilespmem:$0x1D100] =	vst v63  }
.LBB2_36:
0x70: {  	s24 =	sadd.s32 $0x1, s24  }
0x71: {  	p1 =	sne.s32 s24, $0x20  }
.Ltmp4:
0x72: {  	_ = 	snop;
	(pc) =	sbr.rel @!p1 .LBB2_37-.Ltmp4, $1  }
0x73: {  	_ =	sdelay $0x3  }
.LBB2_4:
0x74: {  	s25 =	sshll.u32 s24, $0x1  }
0x75: {  	p1 =	sge.u32 s25, s6  }
.Ltmp5:
0x76: {  	_ = 	snop;
	(pc) =	sbr.rel @p1 .LBB2_20-.Ltmp5, $1  }
0x77: {  	_ =	sdelay $0x3  }
.Ltmp6:
0x78: {  	(pc) =	sbr.rel @p0 .LBB2_9-.Ltmp6, $4  }
0x79: {  	_ =	swait.ge [sflag:s8], $0x8000  }
0x7a: {  	[sflag:s8] =	ssyncset.done $0x0  }
0x7b: {  	s29 =	simm.s32 $0x0;
	[sflag:s8] =	ssyncadd.s32 $0xFFFF8000  }
0x7c: {  	s30 =	simm.s32 $0x0;
	[smem:$0x0] =	sst s29  }
0x7d: {  	s0 =	simm.s32 $0x4000  }
0x7e: {  	v11 =	vld [tilespmem:s0+$0x0];
	_ =	sdelay $0x2  }
0x7f: {  	s31 =	sshll.u32 s24, $0x18  }
0x80: {  	v10 =	vmov s31  }
0x81: {  	v11 =	vsub.s32 v11, v10  }
0x82: {  	vm1 =	vlt.u32 v11, $0x800000  }
0x83: {  	v12 =	vsel vm1, $0x1, v4;
	v60 =	vmpcnt.ones.xlane vm1  }
0x84: {  	(xrf0) =	vadd.scan.msk.s32 $0xffff, v12  }
0x85: {  	v12 =	vxor.u32 $0x80000000, v60  }
0x86: {  	(xrf0) =	vmax.scan.msk.u32 $0xffff, v12;
	_ =	sdelay $0x2  }
0x87: {  	s0 =	simm.s32 $0x0;
	v13 =	vsel vm1, $0xFFFFFFFF, v4  }
0x88: {  	v61 =	vadd.s32 s0, v13;
	v62, _, _ =	vpop (xrf0)  }
0x89: {  	p1 =	sne.s32 s23, $0x1;
	v12 =	vadd.s32 v62, v61  }
.Ltmp7:
0x8a: {  	v63, _, _ =	vpop (xrf0);
	(pc) =	sbr.rel @!p1 .LBB2_8-.Ltmp7, $2  }
0x8b: {  	(v2sf) =	vpush v63, $0xF;
	_ =	sdelay $0x2  }
0x8c: {  	s1 =	simm.s32 $0x4010;
	s3 =	sadd.s32 $0xFFFFFFFF, s23;
	[tilespmem:v12+s18+$0x0] =	vst.idx.msk vm1, v11  }
.LBB2_7:
0x8d: {  	v11 =	vld [tilespmem:s1+$0x0];
	p1 =	sne.s32 s3, $0x1;
	_ =	sdelay $0x4  }
0x8e: {  	v11 =	vsub.s32 v11, v10  }
0x8f: {  	vm1 =	vlt.u32 v11, $0x800000  }
0x90: {  	v12 =	vsel vm1, $0xFFFFFFFF, v4;
	v13 =	vsel vm1, $0x1, v4;
	v14 =	vmpcnt.ones.xlane vm1  }
0x91: {  	(xrf0) =	vadd.scan.msk.s32 $0xffff, v13  }
0x92: {  	v13 =	vxor.u32 $0x80000000, v14  }
0x93: {  	(xrf0) =	vmax.scan.msk.u32 $0xffff, v13  }
0x94: {  	s30 =	spop (v2sf)  }
0x95: {  	s0 =	sadd.s32 s30, s0  }
0x96: {  	s0 =	sadd.s32 $0x80000000, s0  }
0x97: {  	v12 =	vadd.s32 s0, v12;
	v13, _, _ =	vpop (xrf0);
	[smem:$0x0] =	sst s0  }
0x98: {  	v12 =	vadd.s32 v13, v12  }
.Ltmp8:
0x99: {  	v13, _, _ =	vpop (xrf0);
	(pc) =	sbr.rel @p1 .LBB2_7-.Ltmp8, $2  }
0x9a: {  	(v2sf) =	vpush v13, $0xF;
	_ =	sdelay $0x2  }
0x9b: {  	s1 =	sadd.s32 $0x10, s1;
	s3 =	sadd.s32 $0xFFFFFFFF, s3;
	[tilespmem:v12+s18+$0x0] =	vst.idx.msk vm1, v11  }
.LBB2_8:
0x9c: {  	_ =	sdelay $0xa  }
0x9d: {  	s1 =	spop (v2sf)  }
0x9e: {  	s0 =	sadd.s32 s1, s0  }
0x9f: {  	s30 =	sadd.s32 $0x80000000, s0  }
0xa0: {  	[smem:$0x0] =	sst s30  }
.LBB2_9:
0xa1: {  	s0 =	sadd.s32 $0x1F, s30  }
0xa2: {  	s1 =	sand.u32 $0x1F, s0  }
0xa3: {  	s3 =	sshra.s32 s0, $0x1F;
	p1 =	slt.s32 s0, $0x1;
	p2 =	sne.s32 s1, $0x0  }
0xa4: {  	s12 =	sshrl.u32 s3, $0x1B;
	p1 =	por !p1, !p2  }
0xa5: {  	s1 =	simm.s32 $0x1;
	s0 =	sadd.s32 s12, s0;
	p1 =	por !p1, !p1  }
0xa6: {  	s0 =	sshra.s32 s0, $0x5;
	s1 =	simm.s32 @!p1 $0x0  }
0xa7: {  	s31 =	ssub.s32 s0, s1  }
0xa8: {  	p1 =	slt.s32 s31, $0x1  }
.Ltmp9:
0xa9: {  	_ = 	snop;
	(pc) =	sbr.rel @!p1 .LBB2_10-.Ltmp9, $1  }
0xaa: {  	_ =	sdelay $0x3  }
.LBB2_19:
0xab: {  	s0 =	sadd.s32 $0x2, s25  }
0xac: {  	p1 =	sge.u32 s0, s6  }
0xad: {  	s0 =	sadd.s32 @!p1 s7, s0  }
0xae: {  	s0 =	sshll.u32 @!p1 s0, $0x9  }
0xaf: {  	s1 =	simm.s32 @!p1 $0x1000;
	s0 =	sand.u32 @!p1 $0x1FFFFE00, s0  }
0xb0: {  	s3 =	simm.s32 @!p1 $0x7A1400;
	s12 =	simm.s32 @!p1 $0xC100;
	s0 =	sadd.s32 @!p1 s2, s0  }
0xb1: {  	[tilespmem:s12], [sflag:$0x1] =	stream.strided.gather @!p1 [hbm4b:s0+s1], $0x8000, s3, s1, $0x38;
	[tilespmem:$0x1D100] =	vst v63  }
.LBB2_20:
0xb2: {  	s0 =	sor.u32 $0x1, s25  }
0xb3: {  	p1 =	sge.u32 s0, s6  }
.Ltmp10:
0xb4: {  	_ = 	snop;
	(pc) =	sbr.rel @p1 .LBB2_36-.Ltmp10, $1  }
0xb5: {  	_ =	sdelay $0x3  }
.Ltmp11:
0xb6: {  	(pc) =	sbr.rel @p0 .LBB2_25-.Ltmp11, $4  }
0xb7: {  	_ =	swait.ge [sflag:s21], $0x8000  }
0xb8: {  	[sflag:s21] =	ssyncset.done $0x0  }
0xb9: {  	s29 =	simm.s32 $0x0;
	[sflag:s21] =	ssyncadd.s32 $0xFFFF8000  }
0xba: {  	s30 =	simm.s32 $0x0;
	[smem:$0x0] =	sst s29  }
0xbb: {  	s1 =	simm.s32 $0x4000  }
0xbc: {  	v11 =	vld [tilespmem:s1+$0x0];
	_ =	sdelay $0x2  }
0xbd: {  	s0 =	sshll.u32 s0, $0x17  }
0xbe: {  	v10 =	vmov s0  }
0xbf: {  	v11 =	vsub.s32 v11, v10  }
0xc0: {  	vm1 =	vlt.u32 v11, $0x800000  }
0xc1: {  	v12 =	vsel vm1, $0x1, v4;
	v60 =	vmpcnt.ones.xlane vm1  }
0xc2: {  	(xrf0) =	vadd.scan.msk.s32 $0xffff, v12  }
0xc3: {  	v12 =	vxor.u32 $0x80000000, v60  }
0xc4: {  	(xrf0) =	vmax.scan.msk.u32 $0xffff, v12;
	_ =	sdelay $0x2  }
0xc5: {  	s0 =	simm.s32 $0x0;
	v13 =	vsel vm1, $0xFFFFFFFF, v4  }
0xc6: {  	v61 =	vadd.s32 s0, v13;
	v62, _, _ =	vpop (xrf0)  }
0xc7: {  	p1 =	sne.s32 s23, $0x1;
	v12 =	vadd.s32 v62, v61  }
.Ltmp12:
0xc8: {  	v63, _, _ =	vpop (xrf0);
	(pc) =	sbr.rel @!p1 .LBB2_24-.Ltmp12, $2  }
0xc9: {  	(v2sf) =	vpush v63, $0xF;
	_ =	sdelay $0x2  }
0xca: {  	s3 =	sadd.s32 $0xFFFFFFFF, s23;
	s1 =	simm.s32 $0x4010;
	[tilespmem:v12+s18+$0x0] =	vst.idx.msk vm1, v11  }
.LBB2_23:
0xcb: {  	v11 =	vld [tilespmem:s1+$0x0];
	p1 =	sne.s32 s3, $0x1;
	_ =	sdelay $0x4  }
0xcc: {  	v11 =	vsub.s32 v11, v10  }
0xcd: {  	vm1 =	vlt.u32 v11, $0x800000  }
0xce: {  	v12 =	vsel vm1, $0xFFFFFFFF, v4;
	v13 =	vsel vm1, $0x1, v4;
	v14 =	vmpcnt.ones.xlane vm1  }
0xcf: {  	(xrf0) =	vadd.scan.msk.s32 $0xffff, v13  }
0xd0: {  	v13 =	vxor.u32 $0x80000000, v14  }
0xd1: {  	(xrf0) =	vmax.scan.msk.u32 $0xffff, v13  }
0xd2: {  	s12 =	spop (v2sf)  }
0xd3: {  	s0 =	sadd.s32 s12, s0  }
0xd4: {  	s0 =	sadd.s32 $0x80000000, s0  }
0xd5: {  	v12 =	vadd.s32 s0, v12;
	v13, _, _ =	vpop (xrf0);
	[smem:$0x0] =	sst s0  }
0xd6: {  	v12 =	vadd.s32 v13, v12  }
.Ltmp13:
0xd7: {  	v13, _, _ =	vpop (xrf0);
	(pc) =	sbr.rel @p1 .LBB2_23-.Ltmp13, $2  }
0xd8: {  	(v2sf) =	vpush v13, $0xF;
	_ =	sdelay $0x2  }
0xd9: {  	s1 =	sadd.s32 $0x10, s1;
	s3 =	sadd.s32 $0xFFFFFFFF, s3;
	[tilespmem:v12+s18+$0x0] =	vst.idx.msk vm1, v11  }
.LBB2_24:
0xda: {  	_ =	sdelay $0xa  }
0xdb: {  	s1 =	spop (v2sf)  }
0xdc: {  	s0 =	sadd.s32 s1, s0  }
0xdd: {  	s30 =	sadd.s32 $0x80000000, s0  }
0xde: {  	[smem:$0x0] =	sst s30  }
.LBB2_25:
0xdf: {  	s0 =	sadd.s32 $0x1F, s30  }
0xe0: {  	s1 =	sand.u32 $0x1F, s0  }
0xe1: {  	s3 =	sshra.s32 s0, $0x1F;
	p1 =	slt.s32 s0, $0x1;
	p2 =	sne.s32 s1, $0x0  }
0xe2: {  	s12 =	sshrl.u32 s3, $0x1B;
	p1 =	por !p1, !p2  }
0xe3: {  	s1 =	simm.s32 $0x1;
	s0 =	sadd.s32 s12, s0;
	p1 =	por !p1, !p1  }
0xe4: {  	s0 =	sshra.s32 s0, $0x5;
	s1 =	simm.s32 @!p1 $0x0  }
0xe5: {  	s31 =	ssub.s32 s0, s1  }
0xe6: {  	p1 =	slt.s32 s31, $0x1  }
.Ltmp14:
0xe7: {  	_ = 	snop;
	(pc) =	sbr.rel @!p1 .LBB2_26-.Ltmp14, $4  }
.Ltmp15:
0xe8: {  	_ = 	snop;
	(pc) =	sbr.rel @p1 .LBB2_35-.Ltmp15, $4  }
0xe9: {  	_ = 	snop  }
0xea: {  	_ = 	snop  }
0xeb: {  	_ = 	snop  }
0xec: {  	_ = 	snop  }
.LBB2_17:
0xed: {  	_ =	sdelay $0x2  }
0xee: {  	v17 =	vshll.u32 v16, $0x9;
	v46 =	vshll.u32 v16, $0x7  }
0xef: {  	[tilespmem:v15+s20+$0x0] =	vst.idx.msk $0xffff, v13;
	v47 =	vand.u32 $0x7000, v17;
	v48 =	vand.u32 $0x200, v46  }
0xf0: {  	v49 =	vor.u32 s1, v9;
	v14 =	vld.idx.msk [tilespmem:v14+s14+$0x0], $0xffff;
	v13 =	vor.u32 v47, v48  }
0xf1: {  	v13 =	vor.u32 v10, v13  }
0xf2: {  	s12 =	sadd.s32 $0x1, s0  }
0xf3: {  	v50 =	vmov s12  }
0xf4: {  	v51 =	vshll.u32 v50, $0x9;
	v16 =	vshll.u32 v50, $0x7  }
0xf5: {  	v52 =	vand.u32 $0x7000, v51;
	v53 =	vand.u32 $0x280, v16;
	[tilespmem:v49+s20+$0x0] =	vst.idx.msk $0xffff, v14  }
0xf6: {  	v54 =	vor.u32 s0, v9;
	v14 =	vor.u32 v52, v53;
	v13 =	vld.idx.msk [tilespmem:v13+s14+$0x0], $0xffff  }
0xf7: {  	v14 =	vor.u32 v10, v14  }
0xf8: {  	s3 =	sadd.s32 $0x2, s0  }
0xf9: {  	v55 =	vmov s3  }
0xfa: {  	v56 =	vshll.u32 v55, $0x9;
	v15 =	vshll.u32 v55, $0x7  }
0xfb: {  	v57 =	vand.u32 $0x7000, v56;
	v15 =	vand.u32 $0x300, v15;
	[tilespmem:v54+s20+$0x0] =	vst.idx.msk $0xffff, v13  }
0xfc: {  	v58 =	vor.u32 s12, v9;
	v13 =	vor.u32 v57, v15;
	v14 =	vld.idx.msk [tilespmem:v14+s14+$0x0], $0xffff  }
0xfd: {  	v10 =	vor.u32 v10, v13  }
0xfe: {  	s26 =	sadd.s32 $0x3, s0  }
0xff: {  	v59 =	vmov s26  }
0x100: {  	v60 =	vshll.u32 v59, $0x9;
	v13 =	vshll.u32 v59, $0x7  }
0x101: {  	v61 =	vand.u32 $0x7000, v60;
	v13 =	vand.u32 $0x380, v13;
	[tilespmem:v58+s20+$0x0] =	vst.idx.msk $0xffff, v14  }
0x102: {  	v62 =	vor.u32 s3, v9;
	v13 =	vor.u32 v61, v13;
	v10 =	vld.idx.msk [tilespmem:v10+s14+$0x0], $0xffff  }
0x103: {  	v12 =	vor.u32 v12, v13;
	_ =	sdelay $0x3  }
0x104: {  	[tilespmem:v62+s20+$0x0] =	vst.idx.msk $0xffff, v10  }
0x105: {  	v63 =	vor.u32 s26, v9;
	v10 =	vld.idx.msk [tilespmem:v12+s14+$0x0], $0xffff;
	_ =	sdelay $0x3  }
0x106: {  	s26 =	simm.s32 $0x1  }
0x107: {  	[smem:$0x2] =	sst s26;
	[tilespmem:v63+s20+$0x0] =	vst.idx.msk $0xffff, v10  }
0x108: {  	[hbm4b:s5+s4] =	stream.indirect_vreg.scatter [tilespmem:s20], [sflag:$0x4], $0x80, v11, vm0, $0xb8;
	[tilespmem:$0x1D100] =	vst v63  }
.LBB2_18:
0x109: {  	s29 =	sadd.s32 $0x1, s29  }
0x10a: {  	p1 =	sne.s32 s29, s31  }
.Ltmp16:
0x10b: {  	_ = 	snop;
	(pc) =	sbr.rel @!p1 .LBB2_19-.Ltmp16, $1  }
0x10c: {  	_ =	sdelay $0x3  }
.LBB2_10:
0x10d: {  	s0 =	sshll.u32 s29, $0x5  }
0x10e: {  	p1 =	sle.s32 s30, s0  }
.Ltmp17:
0x10f: {  	_ = 	snop;
	(pc) =	sbr.rel @p1 .LBB2_14-.Ltmp17, $1  }
0x110: {  	_ =	sdelay $0x3  }
0x111: {  	v11 =	vld [tilespmem:s0+$0x8080];
	_ =	sdelay $0x4  }
0x112: {  	v10 =	vshra.s32 v11, $0x1F;
	v12 =	vand.u32 $0x3FFF, v11  }
0x113: {  	vm1 =	vlt.s32 v11, $0x1;
	v10 =	vshrl.u32 v10, $0x12;
	vm2 =	vne.s32 v12, $0x0  }
0x114: {  	v10 =	vadd.s32 v10, v11;
	vm1 =	vmand vm1, vm2  }
0x115: {  	v10 =	vshra.s32 v10, $0xE;
	v12 =	vsel vm1, $0xFFFFFFFF, v4  }
0x116: {  	v12 =	vadd.s32 v12, v10  }
0x117: {  	s1 =	simm.s32 $0x0;
	vm1 =	vgt.s32 v12, $0x0  }
0x118: {  	v14 =	vmov s1;
	v10 =	vnsel vm1, $0x0, v12  }
0x119: {  	v16 =	vshll.u32 v14, $0x9;
	v13 =	vmin.u32 v10, $0x1FF  }
0x11a: {  	v14 =	vshll.u32 v14, $0x7;
	v16 =	vand.u32 $0x7000, v16;
	v15 =	vshll.u32 v13, $0x3  }
0x11b: {  	v14 =	vand.u32 $0x200, v14;
	v10 =	vand.u32 $0x7F, v13;
	v15 =	vand.u32 $0xC00, v15  }
0x11c: {  	v14 =	vor.u32 v16, v14;
	v10 =	vor.u32 v15, v10  }
0x11d: {  	p1 =	sne.s32 s28, $0x1;
	v14 =	vor.u32 v10, v14  }
0x11e: {  	s3 =	simm.s32 @!p1 $0x3  }
0x11f: {  	s28 =	simm.s32 $0x1;
	_ =	swait.ge @!p1 [sflag:s3], $0x800  }
0x120: {  	[sflag:s3] =	ssyncset.done @!p1 $0x0;
	v16 =	vmov s28  }
0x121: {  	[sflag:s3] =	ssyncadd.s32 @!p1 $0xFFFFF800;
	v17 =	vshll.u32 v16, $0x9;
	v16 =	vshll.u32 v16, $0x7  }
0x122: {  	v18 =	vor.u32 s1, v9;
	v17 =	vand.u32 $0x7000, v17;
	v16 =	vand.u32 $0x280, v16;
	v14 =	vld.idx.msk [tilespmem:v14+s14+$0x0], $0xffff  }
0x123: {  	v16 =	vor.u32 v17, v16  }
0x124: {  	v16 =	vor.u32 v10, v16  }
0x125: {  	s12 =	simm.s32 $0x2  }
0x126: {  	v17 =	vmov s12  }
0x127: {  	[tilespmem:v18+s19+$0x0] =	vst.idx.msk $0xffff, v14;
	v14 =	vshll.u32 v17, $0x9;
	v17 =	vshll.u32 v17, $0x7  }
0x128: {  	v14 =	vand.u32 $0x7000, v14;
	v17 =	vand.u32 $0x300, v17  }
0x129: {  	v18 =	vor.u32 s28, v9;
	v16 =	vld.idx.msk [tilespmem:v16+s14+$0x0], $0xffff;
	v14 =	vor.u32 v14, v17  }
0x12a: {  	v14 =	vor.u32 v10, v14  }
0x12b: {  	s1 =	simm.s32 $0x3;
	v12 =	vshll.u32 v12, $0xE  }
0x12c: {  	v11 =	vsub.s32 v11, v12;
	v12 =	vmov s1;
	s28 =	ssub.s32 s30, s0  }
0x12d: {  	v19 =	vshll.u32 v12, $0x9;
	v12 =	vshll.u32 v12, $0x7;
	v17 =	vmov s28  }
0x12e: {  	vm1 =	vgt.s32 v17, v1;
	v17 =	vand.u32 $0x380, v12;
	[tilespmem:v18+s19+$0x0] =	vst.idx.msk $0xffff, v16;
	v16 =	vand.u32 $0x7000, v19  }
0x12f: {  	v12 =	vor.u32 v15, v13;
	v15 =	vor.u32 s12, v9;
	v16 =	vor.u32 v16, v17;
	v13 =	vld.idx.msk [tilespmem:v14+s14+$0x0], $0xffff  }
0x130: {  	v14 =	vor.u32 v12, v16;
	_ =	sdelay $0x1  }
0x131: {  	s28 =	simm.s32 $0x4  }
0x132: {  	s3 =	simm.s32 $0x8;
	v11 =	vsel vm1, v11, v3;
	v16 =	vmov s28  }
.LBB2_12:
0x133: {  	p1 =	slt.u32 s3, $0x3C;
	v17 =	vshll.u32 v16, $0x9;
	v16 =	vshll.u32 v16, $0x7;
	[tilespmem:v15+s19+$0x0] =	vst.idx.msk $0xffff, v13  }
0x134: {  	v13 =	vand.u32 $0x7000, v17;
	v15 =	vand.u32 $0x200, v16;
	v14 =	vld.idx.msk [tilespmem:v14+s14+$0x0], $0xffff  }
0x135: {  	v13 =	vor.u32 v13, v15;
	v15 =	vor.u32 s1, v9  }
0x136: {  	v13 =	vor.u32 v10, v13;
	_ =	sdelay $0x1  }
0x137: {  	s1 =	sadd.s32 $0x1, s28  }
0x138: {  	v16 =	vmov s1  }
0x139: {  	v17 =	vshll.u32 v16, $0x9;
	v16 =	vshll.u32 v16, $0x7;
	[tilespmem:v15+s19+$0x0] =	vst.idx.msk $0xffff, v14  }
0x13a: {  	v14 =	vand.u32 $0x7000, v17;
	v15 =	vand.u32 $0x280, v16;
	v13 =	vld.idx.msk [tilespmem:v13+s14+$0x0], $0xffff  }
0x13b: {  	v16 =	vor.u32 s28, v9;
	v14 =	vor.u32 v14, v15  }
0x13c: {  	v14 =	vor.u32 v10, v14;
	_ =	sdelay $0x1  }
0x13d: {  	s12 =	sadd.s32 $0x2, s28  }
0x13e: {  	v15 =	vmov s12  }
0x13f: {  	[tilespmem:v16+s19+$0x0] =	vst.idx.msk $0xffff, v13;
	v13 =	vshll.u32 v15, $0x9;
	v15 =	vshll.u32 v15, $0x7  }
0x140: {  	v14 =	vld.idx.msk [tilespmem:v14+s14+$0x0], $0xffff;
	v13 =	vand.u32 $0x7000, v13;
	v15 =	vand.u32 $0x300, v15  }
0x141: {  	v16 =	vor.u32 s1, v9;
	v13 =	vor.u32 v13, v15  }
0x142: {  	v13 =	vor.u32 v10, v13;
	_ =	sdelay $0x1  }
0x143: {  	s1 =	sadd.s32 $0x3, s28;
	s28 =	smov.u32 s3  }
0x144: {  	v15 =	vmov s1  }
0x145: {  	[tilespmem:v16+s19+$0x0] =	vst.idx.msk $0xffff, v14;
	v14 =	vshll.u32 v15, $0x9;
	v15 =	vshll.u32 v15, $0x7  }
0x146: {  	v13 =	vld.idx.msk [tilespmem:v13+s14+$0x0], $0xffff;
	v14 =	vand.u32 $0x7000, v14;
	v16 =	vand.u32 $0x380, v15  }
.Ltmp18:
0x147: {  	v15 =	vor.u32 s12, v9;
	v14 =	vor.u32 v14, v16;
	(pc) =	sbr.rel @p1 .LBB2_12-.Ltmp18, $2  }
0x148: {  	v14 =	vor.u32 v12, v14;
	_ =	sdelay $0x2  }
0x149: {  	s3 =	sadd.s32 $0x4, s3;
	v16 =	vmov s28  }
0x14a: {  	_ =	sdelay $0x2  }
0x14b: {  	v17 =	vshll.u32 v16, $0x9;
	v46 =	vshll.u32 v16, $0x7  }
0x14c: {  	[tilespmem:v15+s19+$0x0] =	vst.idx.msk $0xffff, v13;
	v47 =	vand.u32 $0x7000, v17;
	v48 =	vand.u32 $0x200, v46  }
0x14d: {  	v49 =	vor.u32 s1, v9;
	v14 =	vld.idx.msk [tilespmem:v14+s14+$0x0], $0xffff;
	v13 =	vor.u32 v47, v48  }
0x14e: {  	v13 =	vor.u32 v10, v13  }
0x14f: {  	s12 =	sadd.s32 $0x1, s28  }
0x150: {  	v50 =	vmov s12  }
0x151: {  	v51 =	vshll.u32 v50, $0x9;
	v16 =	vshll.u32 v50, $0x7  }
0x152: {  	v52 =	vand.u32 $0x7000, v51;
	v53 =	vand.u32 $0x280, v16;
	[tilespmem:v49+s19+$0x0] =	vst.idx.msk $0xffff, v14  }
0x153: {  	v54 =	vor.u32 s28, v9;
	v14 =	vor.u32 v52, v53;
	v13 =	vld.idx.msk [tilespmem:v13+s14+$0x0], $0xffff  }
0x154: {  	v14 =	vor.u32 v10, v14  }
0x155: {  	s3 =	sadd.s32 $0x2, s28  }
0x156: {  	v55 =	vmov s3  }
0x157: {  	v56 =	vshll.u32 v55, $0x9;
	v15 =	vshll.u32 v55, $0x7  }
0x158: {  	v57 =	vand.u32 $0x7000, v56;
	v15 =	vand.u32 $0x300, v15;
	[tilespmem:v54+s19+$0x0] =	vst.idx.msk $0xffff, v13  }
0x159: {  	v58 =	vor.u32 s12, v9;
	v13 =	vor.u32 v57, v15;
	v14 =	vld.idx.msk [tilespmem:v14+s14+$0x0], $0xffff  }
0x15a: {  	v10 =	vor.u32 v10, v13  }
0x15b: {  	s12 =	sadd.s32 $0x3, s28  }
0x15c: {  	v59 =	vmov s12  }
0x15d: {  	v60 =	vshll.u32 v59, $0x9;
	v13 =	vshll.u32 v59, $0x7  }
0x15e: {  	v61 =	vand.u32 $0x7000, v60;
	v13 =	vand.u32 $0x380, v13;
	[tilespmem:v58+s19+$0x0] =	vst.idx.msk $0xffff, v14  }
0x15f: {  	v62 =	vor.u32 s3, v9;
	v13 =	vor.u32 v61, v13;
	v10 =	vld.idx.msk [tilespmem:v10+s14+$0x0], $0xffff  }
0x160: {  	v12 =	vor.u32 v12, v13;
	_ =	sdelay $0x3  }
0x161: {  	[tilespmem:v62+s19+$0x0] =	vst.idx.msk $0xffff, v10  }
0x162: {  	v63 =	vor.u32 s12, v9;
	v10 =	vld.idx.msk [tilespmem:v12+s14+$0x0], $0xffff;
	_ =	sdelay $0x3  }
0x163: {  	s28 =	simm.s32 $0x1  }
0x164: {  	[smem:$0x1] =	sst s28;
	[tilespmem:v63+s19+$0x0] =	vst.idx.msk $0xffff, v10  }
0x165: {  	[hbm4b:s5+s4] =	stream.indirect_vreg.scatter [tilespmem:s19], [sflag:$0x3], $0x80, v11, vm0, $0xb8;
	[tilespmem:$0x1D100] =	vst v63  }
.LBB2_14:
0x166: {  	s0 =	sor.u32 $0x10, s0  }
0x167: {  	p1 =	sle.s32 s30, s0  }
.Ltmp19:
0x168: {  	_ = 	snop;
	(pc) =	sbr.rel @p1 .LBB2_18-.Ltmp19, $1  }
0x169: {  	_ =	sdelay $0x3  }
0x16a: {  	v11 =	vld [tilespmem:s0+$0x8080];
	_ =	sdelay $0x4  }
0x16b: {  	v10 =	vshra.s32 v11, $0x1F;
	v12 =	vand.u32 $0x3FFF, v11  }
0x16c: {  	vm1 =	vlt.s32 v11, $0x1;
	v10 =	vshrl.u32 v10, $0x12;
	vm2 =	vne.s32 v12, $0x0  }
0x16d: {  	v10 =	vadd.s32 v10, v11;
	vm1 =	vmand vm1, vm2  }
0x16e: {  	v10 =	vshra.s32 v10, $0xE;
	v12 =	vsel vm1, $0xFFFFFFFF, v4  }
0x16f: {  	v12 =	vadd.s32 v12, v10  }
0x170: {  	s1 =	simm.s32 $0x0;
	vm1 =	vgt.s32 v12, $0x0  }
0x171: {  	v14 =	vmov s1;
	v10 =	vnsel vm1, $0x0, v12  }
0x172: {  	v16 =	vshll.u32 v14, $0x9;
	v13 =	vmin.u32 v10, $0x1FF  }
0x173: {  	v14 =	vshll.u32 v14, $0x7;
	v16 =	vand.u32 $0x7000, v16;
	v15 =	vshll.u32 v13, $0x3  }
0x174: {  	v14 =	vand.u32 $0x200, v14;
	v10 =	vand.u32 $0x7F, v13;
	v15 =	vand.u32 $0xC00, v15  }
0x175: {  	v14 =	vor.u32 v16, v14;
	v10 =	vor.u32 v15, v10  }
0x176: {  	p1 =	sne.s32 s26, $0x1;
	v14 =	vor.u32 v10, v14  }
0x177: {  	s3 =	simm.s32 @!p1 $0x4  }
0x178: {  	s12 =	simm.s32 $0x1;
	_ =	swait.ge @!p1 [sflag:s3], $0x800  }
0x179: {  	[sflag:s3] =	ssyncset.done @!p1 $0x0;
	v16 =	vmov s12  }
0x17a: {  	[sflag:s3] =	ssyncadd.s32 @!p1 $0xFFFFF800;
	v17 =	vshll.u32 v16, $0x9;
	v16 =	vshll.u32 v16, $0x7  }
0x17b: {  	v18 =	vor.u32 s1, v9;
	v17 =	vand.u32 $0x7000, v17;
	v16 =	vand.u32 $0x280, v16;
	v14 =	vld.idx.msk [tilespmem:v14+s14+$0x0], $0xffff  }
0x17c: {  	v16 =	vor.u32 v17, v16  }
0x17d: {  	v16 =	vor.u32 v10, v16  }
0x17e: {  	s3 =	simm.s32 $0x2  }
0x17f: {  	v17 =	vmov s3  }
0x180: {  	[tilespmem:v18+s20+$0x0] =	vst.idx.msk $0xffff, v14;
	v14 =	vshll.u32 v17, $0x9;
	v17 =	vshll.u32 v17, $0x7  }
0x181: {  	v14 =	vand.u32 $0x7000, v14;
	v17 =	vand.u32 $0x300, v17  }
0x182: {  	v18 =	vor.u32 s12, v9;
	v16 =	vld.idx.msk [tilespmem:v16+s14+$0x0], $0xffff;
	v14 =	vor.u32 v14, v17  }
0x183: {  	v14 =	vor.u32 v10, v14  }
0x184: {  	s1 =	simm.s32 $0x3;
	v12 =	vshll.u32 v12, $0xE  }
0x185: {  	s26 =	ssub.s32 s30, s0;
	v11 =	vsub.s32 v11, v12;
	v12 =	vmov s1  }
0x186: {  	v19 =	vshll.u32 v12, $0x9;
	v12 =	vshll.u32 v12, $0x7;
	v17 =	vmov s26  }
0x187: {  	vm1 =	vgt.s32 v17, v1;
	v17 =	vand.u32 $0x380, v12;
	[tilespmem:v18+s20+$0x0] =	vst.idx.msk $0xffff, v16;
	v16 =	vand.u32 $0x7000, v19  }
0x188: {  	v12 =	vor.u32 v15, v13;
	v15 =	vor.u32 s3, v9;
	v16 =	vor.u32 v16, v17;
	v13 =	vld.idx.msk [tilespmem:v14+s14+$0x0], $0xffff  }
0x189: {  	v14 =	vor.u32 v12, v16;
	_ =	sdelay $0x1  }
0x18a: {  	s0 =	simm.s32 $0x4  }
0x18b: {  	s3 =	simm.s32 $0x8;
	v11 =	vsel vm1, v11, v3;
	v16 =	vmov s0  }
.LBB2_16:
0x18c: {  	p1 =	slt.u32 s3, $0x3C;
	v17 =	vshll.u32 v16, $0x9;
	v16 =	vshll.u32 v16, $0x7;
	[tilespmem:v15+s20+$0x0] =	vst.idx.msk $0xffff, v13  }
0x18d: {  	v13 =	vand.u32 $0x7000, v17;
	v15 =	vand.u32 $0x200, v16;
	v14 =	vld.idx.msk [tilespmem:v14+s14+$0x0], $0xffff  }
0x18e: {  	v13 =	vor.u32 v13, v15;
	v15 =	vor.u32 s1, v9  }
0x18f: {  	v13 =	vor.u32 v10, v13;
	_ =	sdelay $0x1  }
0x190: {  	s1 =	sadd.s32 $0x1, s0  }
0x191: {  	v16 =	vmov s1  }
0x192: {  	v17 =	vshll.u32 v16, $0x9;
	v16 =	vshll.u32 v16, $0x7;
	[tilespmem:v15+s20+$0x0] =	vst.idx.msk $0xffff, v14  }
0x193: {  	v14 =	vand.u32 $0x7000, v17;
	v15 =	vand.u32 $0x280, v16;
	v13 =	vld.idx.msk [tilespmem:v13+s14+$0x0], $0xffff  }
0x194: {  	v16 =	vor.u32 s0, v9;
	v14 =	vor.u32 v14, v15  }
0x195: {  	v14 =	vor.u32 v10, v14;
	_ =	sdelay $0x1  }
0x196: {  	s12 =	sadd.s32 $0x2, s0  }
0x197: {  	v15 =	vmov s12  }
0x198: {  	[tilespmem:v16+s20+$0x0] =	vst.idx.msk $0xffff, v13;
	v13 =	vshll.u32 v15, $0x9;
	v15 =	vshll.u32 v15, $0x7  }
0x199: {  	v14 =	vld.idx.msk [tilespmem:v14+s14+$0x0], $0xffff;
	v13 =	vand.u32 $0x7000, v13;
	v15 =	vand.u32 $0x300, v15  }
0x19a: {  	v16 =	vor.u32 s1, v9;
	v13 =	vor.u32 v13, v15  }
0x19b: {  	v13 =	vor.u32 v10, v13;
	_ =	sdelay $0x1  }
0x19c: {  	s1 =	sadd.s32 $0x3, s0;
	s0 =	smov.u32 s3  }
0x19d: {  	v15 =	vmov s1  }
0x19e: {  	[tilespmem:v16+s20+$0x0] =	vst.idx.msk $0xffff, v14;
	v14 =	vshll.u32 v15, $0x9;
	v15 =	vshll.u32 v15, $0x7  }
0x19f: {  	v13 =	vld.idx.msk [tilespmem:v13+s14+$0x0], $0xffff;
	v14 =	vand.u32 $0x7000, v14;
	v16 =	vand.u32 $0x380, v15  }
.Ltmp20:
0x1a0: {  	v15 =	vor.u32 s12, v9;
	v14 =	vor.u32 v14, v16;
	(pc) =	sbr.rel @p1 .LBB2_16-.Ltmp20, $2  }
0x1a1: {  	v14 =	vor.u32 v12, v14;
	_ =	sdelay $0x2  }
0x1a2: {  	s3 =	sadd.s32 $0x4, s3;
	v16 =	vmov s0  }
.Ltmp21:
0x1a3: {  	_ = 	snop;
	(pc) =	sbr.rel .LBB2_17-.Ltmp21, $1  }
0x1a4: {  	_ =	sdelay $0x3  }
.LBB2_33:
0x1a5: {  	_ =	sdelay $0x2  }
0x1a6: {  	v17 =	vshll.u32 v16, $0x9;
	v46 =	vshll.u32 v16, $0x7  }
0x1a7: {  	[tilespmem:v15+s20+$0x0] =	vst.idx.msk $0xffff, v13;
	v47 =	vand.u32 $0x7000, v17;
	v48 =	vand.u32 $0x200, v46  }
0x1a8: {  	v49 =	vor.u32 s1, v9;
	v14 =	vld.idx.msk [tilespmem:v14+s15+$0x0], $0xffff;
	v13 =	vor.u32 v47, v48  }
0x1a9: {  	v13 =	vor.u32 v10, v13  }
0x1aa: {  	s12 =	sadd.s32 $0x1, s0  }
0x1ab: {  	v50 =	vmov s12  }
0x1ac: {  	v51 =	vshll.u32 v50, $0x9;
	v16 =	vshll.u32 v50, $0x7  }
0x1ad: {  	v52 =	vand.u32 $0x7000, v51;
	v53 =	vand.u32 $0x280, v16;
	[tilespmem:v49+s20+$0x0] =	vst.idx.msk $0xffff, v14  }
0x1ae: {  	v54 =	vor.u32 s0, v9;
	v14 =	vor.u32 v52, v53;
	v13 =	vld.idx.msk [tilespmem:v13+s15+$0x0], $0xffff  }
0x1af: {  	v14 =	vor.u32 v10, v14  }
0x1b0: {  	s3 =	sadd.s32 $0x2, s0  }
0x1b1: {  	v55 =	vmov s3  }
0x1b2: {  	v56 =	vshll.u32 v55, $0x9;
	v15 =	vshll.u32 v55, $0x7  }
0x1b3: {  	v57 =	vand.u32 $0x7000, v56;
	v15 =	vand.u32 $0x300, v15;
	[tilespmem:v54+s20+$0x0] =	vst.idx.msk $0xffff, v13  }
0x1b4: {  	v58 =	vor.u32 s12, v9;
	v13 =	vor.u32 v57, v15;
	v14 =	vld.idx.msk [tilespmem:v14+s15+$0x0], $0xffff  }
0x1b5: {  	v10 =	vor.u32 v10, v13  }
0x1b6: {  	s26 =	sadd.s32 $0x3, s0  }
0x1b7: {  	v59 =	vmov s26  }
0x1b8: {  	v60 =	vshll.u32 v59, $0x9;
	v13 =	vshll.u32 v59, $0x7  }
0x1b9: {  	v61 =	vand.u32 $0x7000, v60;
	v13 =	vand.u32 $0x380, v13;
	[tilespmem:v58+s20+$0x0] =	vst.idx.msk $0xffff, v14  }
0x1ba: {  	v62 =	vor.u32 s3, v9;
	v13 =	vor.u32 v61, v13;
	v10 =	vld.idx.msk [tilespmem:v10+s15+$0x0], $0xffff  }
0x1bb: {  	v12 =	vor.u32 v12, v13;
	_ =	sdelay $0x3  }
0x1bc: {  	[tilespmem:v62+s20+$0x0] =	vst.idx.msk $0xffff, v10  }
0x1bd: {  	v63 =	vor.u32 s26, v9;
	v10 =	vld.idx.msk [tilespmem:v12+s15+$0x0], $0xffff;
	_ =	sdelay $0x3  }
0x1be: {  	s26 =	simm.s32 $0x1  }
0x1bf: {  	[smem:$0x2] =	sst s26;
	[tilespmem:v63+s20+$0x0] =	vst.idx.msk $0xffff, v10  }
0x1c0: {  	[hbm4b:s5+s4] =	stream.indirect_vreg.scatter [tilespmem:s20], [sflag:$0x4], $0x80, v11, vm0, $0xb8;
	[tilespmem:$0x1D100] =	vst v63  }
.LBB2_34:
0x1c1: {  	s29 =	sadd.s32 $0x1, s29  }
0x1c2: {  	p1 =	sne.s32 s29, s31  }
.Ltmp22:
0x1c3: {  	_ = 	snop;
	(pc) =	sbr.rel @!p1 .LBB2_35-.Ltmp22, $1  }
0x1c4: {  	_ =	sdelay $0x3  }
.LBB2_26:
0x1c5: {  	s0 =	sshll.u32 s29, $0x5  }
0x1c6: {  	p1 =	sle.s32 s30, s0  }
.Ltmp23:
0x1c7: {  	_ = 	snop;
	(pc) =	sbr.rel @p1 .LBB2_30-.Ltmp23, $1  }
0x1c8: {  	_ =	sdelay $0x3  }
0x1c9: {  	v11 =	vld [tilespmem:s0+$0x8080];
	_ =	sdelay $0x4  }
0x1ca: {  	v10 =	vshra.s32 v11, $0x1F;
	v12 =	vand.u32 $0x3FFF, v11  }
0x1cb: {  	vm1 =	vlt.s32 v11, $0x1;
	v10 =	vshrl.u32 v10, $0x12;
	vm2 =	vne.s32 v12, $0x0  }
0x1cc: {  	v10 =	vadd.s32 v10, v11;
	vm1 =	vmand vm1, vm2  }
0x1cd: {  	v10 =	vshra.s32 v10, $0xE;
	v12 =	vsel vm1, $0xFFFFFFFF, v4  }
0x1ce: {  	v12 =	vadd.s32 v12, v10  }
0x1cf: {  	s1 =	simm.s32 $0x0;
	vm1 =	vgt.s32 v12, $0x0  }
0x1d0: {  	v14 =	vmov s1;
	v10 =	vnsel vm1, $0x0, v12  }
0x1d1: {  	v16 =	vshll.u32 v14, $0x9;
	v13 =	vmin.u32 v10, $0x1FF  }
0x1d2: {  	v14 =	vshll.u32 v14, $0x7;
	v16 =	vand.u32 $0x7000, v16;
	v15 =	vshll.u32 v13, $0x3  }
0x1d3: {  	v14 =	vand.u32 $0x200, v14;
	v10 =	vand.u32 $0x7F, v13;
	v15 =	vand.u32 $0xC00, v15  }
0x1d4: {  	v14 =	vor.u32 v16, v14;
	v10 =	vor.u32 v15, v10  }
0x1d5: {  	p1 =	sne.s32 s28, $0x1;
	v14 =	vor.u32 v10, v14  }
0x1d6: {  	s3 =	simm.s32 @!p1 $0x3  }
0x1d7: {  	s12 =	simm.s32 $0x1;
	_ =	swait.ge @!p1 [sflag:s3], $0x800  }
0x1d8: {  	[sflag:s3] =	ssyncset.done @!p1 $0x0;
	v16 =	vmov s12  }
0x1d9: {  	[sflag:s3] =	ssyncadd.s32 @!p1 $0xFFFFF800;
	v17 =	vshll.u32 v16, $0x9;
	v16 =	vshll.u32 v16, $0x7  }
0x1da: {  	v18 =	vor.u32 s1, v9;
	v17 =	vand.u32 $0x7000, v17;
	v16 =	vand.u32 $0x280, v16;
	v14 =	vld.idx.msk [tilespmem:v14+s15+$0x0], $0xffff  }
0x1db: {  	v16 =	vor.u32 v17, v16  }
0x1dc: {  	v16 =	vor.u32 v10, v16  }
0x1dd: {  	s3 =	simm.s32 $0x2  }
0x1de: {  	v17 =	vmov s3  }
0x1df: {  	[tilespmem:v18+s19+$0x0] =	vst.idx.msk $0xffff, v14;
	v14 =	vshll.u32 v17, $0x9;
	v17 =	vshll.u32 v17, $0x7  }
0x1e0: {  	v14 =	vand.u32 $0x7000, v14;
	v17 =	vand.u32 $0x300, v17  }
0x1e1: {  	v18 =	vor.u32 s12, v9;
	v16 =	vld.idx.msk [tilespmem:v16+s15+$0x0], $0xffff;
	v14 =	vor.u32 v14, v17  }
0x1e2: {  	v14 =	vor.u32 v10, v14  }
0x1e3: {  	s1 =	simm.s32 $0x3;
	v12 =	vshll.u32 v12, $0xE  }
0x1e4: {  	v11 =	vsub.s32 v11, v12;
	v12 =	vmov s1;
	s12 =	ssub.s32 s30, s0  }
0x1e5: {  	v19 =	vshll.u32 v12, $0x9;
	v12 =	vshll.u32 v12, $0x7;
	v17 =	vmov s12  }
0x1e6: {  	vm1 =	vgt.s32 v17, v1;
	v17 =	vand.u32 $0x380, v12;
	[tilespmem:v18+s19+$0x0] =	vst.idx.msk $0xffff, v16;
	v16 =	vand.u32 $0x7000, v19  }
0x1e7: {  	v12 =	vor.u32 v15, v13;
	v15 =	vor.u32 s3, v9;
	v16 =	vor.u32 v16, v17;
	v13 =	vld.idx.msk [tilespmem:v14+s15+$0x0], $0xffff  }
0x1e8: {  	v14 =	vor.u32 v12, v16;
	_ =	sdelay $0x1  }
0x1e9: {  	s28 =	simm.s32 $0x4  }
0x1ea: {  	s3 =	simm.s32 $0x8;
	v11 =	vsel vm1, v11, v3;
	v16 =	vmov s28  }
.LBB2_28:
0x1eb: {  	p1 =	slt.u32 s3, $0x3C;
	v17 =	vshll.u32 v16, $0x9;
	v16 =	vshll.u32 v16, $0x7;
	[tilespmem:v15+s19+$0x0] =	vst.idx.msk $0xffff, v13  }
0x1ec: {  	v13 =	vand.u32 $0x7000, v17;
	v15 =	vand.u32 $0x200, v16;
	v14 =	vld.idx.msk [tilespmem:v14+s15+$0x0], $0xffff  }
0x1ed: {  	v13 =	vor.u32 v13, v15;
	v15 =	vor.u32 s1, v9  }
0x1ee: {  	v13 =	vor.u32 v10, v13;
	_ =	sdelay $0x1  }
0x1ef: {  	s1 =	sadd.s32 $0x1, s28  }
0x1f0: {  	v16 =	vmov s1  }
0x1f1: {  	v17 =	vshll.u32 v16, $0x9;
	v16 =	vshll.u32 v16, $0x7;
	[tilespmem:v15+s19+$0x0] =	vst.idx.msk $0xffff, v14  }
0x1f2: {  	v14 =	vand.u32 $0x7000, v17;
	v15 =	vand.u32 $0x280, v16;
	v13 =	vld.idx.msk [tilespmem:v13+s15+$0x0], $0xffff  }
0x1f3: {  	v16 =	vor.u32 s28, v9;
	v14 =	vor.u32 v14, v15  }
0x1f4: {  	v14 =	vor.u32 v10, v14;
	_ =	sdelay $0x1  }
0x1f5: {  	s12 =	sadd.s32 $0x2, s28  }
0x1f6: {  	v15 =	vmov s12  }
0x1f7: {  	[tilespmem:v16+s19+$0x0] =	vst.idx.msk $0xffff, v13;
	v13 =	vshll.u32 v15, $0x9;
	v15 =	vshll.u32 v15, $0x7  }
0x1f8: {  	v14 =	vld.idx.msk [tilespmem:v14+s15+$0x0], $0xffff;
	v13 =	vand.u32 $0x7000, v13;
	v15 =	vand.u32 $0x300, v15  }
0x1f9: {  	v16 =	vor.u32 s1, v9;
	v13 =	vor.u32 v13, v15  }
0x1fa: {  	v13 =	vor.u32 v10, v13;
	_ =	sdelay $0x1  }
0x1fb: {  	s1 =	sadd.s32 $0x3, s28;
	s28 =	smov.u32 s3  }
0x1fc: {  	v15 =	vmov s1  }
0x1fd: {  	[tilespmem:v16+s19+$0x0] =	vst.idx.msk $0xffff, v14;
	v14 =	vshll.u32 v15, $0x9;
	v15 =	vshll.u32 v15, $0x7  }
0x1fe: {  	v13 =	vld.idx.msk [tilespmem:v13+s15+$0x0], $0xffff;
	v14 =	vand.u32 $0x7000, v14;
	v16 =	vand.u32 $0x380, v15  }
.Ltmp24:
0x1ff: {  	v15 =	vor.u32 s12, v9;
	v14 =	vor.u32 v14, v16;
	(pc) =	sbr.rel @p1 .LBB2_28-.Ltmp24, $2  }
0x200: {  	v14 =	vor.u32 v12, v14;
	_ =	sdelay $0x2  }
0x201: {  	s3 =	sadd.s32 $0x4, s3;
	v16 =	vmov s28  }
0x202: {  	_ =	sdelay $0x2  }
0x203: {  	v17 =	vshll.u32 v16, $0x9;
	v46 =	vshll.u32 v16, $0x7  }
0x204: {  	[tilespmem:v15+s19+$0x0] =	vst.idx.msk $0xffff, v13;
	v47 =	vand.u32 $0x7000, v17;
	v48 =	vand.u32 $0x200, v46  }
0x205: {  	v49 =	vor.u32 s1, v9;
	v14 =	vld.idx.msk [tilespmem:v14+s15+$0x0], $0xffff;
	v13 =	vor.u32 v47, v48  }
0x206: {  	v13 =	vor.u32 v10, v13  }
0x207: {  	s12 =	sadd.s32 $0x1, s28  }
0x208: {  	v50 =	vmov s12  }
0x209: {  	v51 =	vshll.u32 v50, $0x9;
	v16 =	vshll.u32 v50, $0x7  }
0x20a: {  	v52 =	vand.u32 $0x7000, v51;
	v53 =	vand.u32 $0x280, v16;
	[tilespmem:v49+s19+$0x0] =	vst.idx.msk $0xffff, v14  }
0x20b: {  	v54 =	vor.u32 s28, v9;
	v14 =	vor.u32 v52, v53;
	v13 =	vld.idx.msk [tilespmem:v13+s15+$0x0], $0xffff  }
0x20c: {  	v14 =	vor.u32 v10, v14  }
0x20d: {  	s3 =	sadd.s32 $0x2, s28  }
0x20e: {  	v55 =	vmov s3  }
0x20f: {  	v56 =	vshll.u32 v55, $0x9;
	v15 =	vshll.u32 v55, $0x7  }
0x210: {  	v57 =	vand.u32 $0x7000, v56;
	v15 =	vand.u32 $0x300, v15;
	[tilespmem:v54+s19+$0x0] =	vst.idx.msk $0xffff, v13  }
0x211: {  	v58 =	vor.u32 s12, v9;
	v13 =	vor.u32 v57, v15;
	v14 =	vld.idx.msk [tilespmem:v14+s15+$0x0], $0xffff  }
0x212: {  	v10 =	vor.u32 v10, v13  }
0x213: {  	s12 =	sadd.s32 $0x3, s28  }
0x214: {  	v59 =	vmov s12  }
0x215: {  	v60 =	vshll.u32 v59, $0x9;
	v13 =	vshll.u32 v59, $0x7  }
0x216: {  	v61 =	vand.u32 $0x7000, v60;
	v13 =	vand.u32 $0x380, v13;
	[tilespmem:v58+s19+$0x0] =	vst.idx.msk $0xffff, v14  }
0x217: {  	v62 =	vor.u32 s3, v9;
	v13 =	vor.u32 v61, v13;
	v10 =	vld.idx.msk [tilespmem:v10+s15+$0x0], $0xffff  }
0x218: {  	v12 =	vor.u32 v12, v13;
	_ =	sdelay $0x3  }
0x219: {  	[tilespmem:v62+s19+$0x0] =	vst.idx.msk $0xffff, v10  }
0x21a: {  	v63 =	vor.u32 s12, v9;
	v10 =	vld.idx.msk [tilespmem:v12+s15+$0x0], $0xffff;
	_ =	sdelay $0x3  }
0x21b: {  	s28 =	simm.s32 $0x1  }
0x21c: {  	[smem:$0x1] =	sst s28;
	[tilespmem:v63+s19+$0x0] =	vst.idx.msk $0xffff, v10  }
0x21d: {  	[hbm4b:s5+s4] =	stream.indirect_vreg.scatter [tilespmem:s19], [sflag:$0x3], $0x80, v11, vm0, $0xb8;
	[tilespmem:$0x1D100] =	vst v63  }
.LBB2_30:
0x21e: {  	s0 =	sor.u32 $0x10, s0  }
0x21f: {  	p1 =	sle.s32 s30, s0  }
.Ltmp25:
0x220: {  	_ = 	snop;
	(pc) =	sbr.rel @p1 .LBB2_34-.Ltmp25, $1  }
0x221: {  	_ =	sdelay $0x3  }
0x222: {  	v11 =	vld [tilespmem:s0+$0x8080];
	_ =	sdelay $0x4  }
0x223: {  	v10 =	vshra.s32 v11, $0x1F;
	v12 =	vand.u32 $0x3FFF, v11  }
0x224: {  	vm1 =	vlt.s32 v11, $0x1;
	v10 =	vshrl.u32 v10, $0x12;
	vm2 =	vne.s32 v12, $0x0  }
0x225: {  	v10 =	vadd.s32 v10, v11;
	vm1 =	vmand vm1, vm2  }
0x226: {  	v10 =	vshra.s32 v10, $0xE;
	v12 =	vsel vm1, $0xFFFFFFFF, v4  }
0x227: {  	v12 =	vadd.s32 v12, v10  }
0x228: {  	s1 =	simm.s32 $0x0;
	vm1 =	vgt.s32 v12, $0x0  }
0x229: {  	v14 =	vmov s1;
	v10 =	vnsel vm1, $0x0, v12  }
0x22a: {  	v16 =	vshll.u32 v14, $0x9;
	v13 =	vmin.u32 v10, $0x1FF  }
0x22b: {  	v14 =	vshll.u32 v14, $0x7;
	v16 =	vand.u32 $0x7000, v16;
	v15 =	vshll.u32 v13, $0x3  }
0x22c: {  	v14 =	vand.u32 $0x200, v14;
	v10 =	vand.u32 $0x7F, v13;
	v15 =	vand.u32 $0xC00, v15  }
0x22d: {  	v14 =	vor.u32 v16, v14;
	v10 =	vor.u32 v15, v10  }
0x22e: {  	p1 =	sne.s32 s26, $0x1;
	v14 =	vor.u32 v10, v14  }
0x22f: {  	s3 =	simm.s32 @!p1 $0x4  }
0x230: {  	s12 =	simm.s32 $0x1;
	_ =	swait.ge @!p1 [sflag:s3], $0x800  }
0x231: {  	[sflag:s3] =	ssyncset.done @!p1 $0x0;
	v16 =	vmov s12  }
0x232: {  	[sflag:s3] =	ssyncadd.s32 @!p1 $0xFFFFF800;
	v17 =	vshll.u32 v16, $0x9;
	v16 =	vshll.u32 v16, $0x7  }
0x233: {  	v18 =	vor.u32 s1, v9;
	v17 =	vand.u32 $0x7000, v17;
	v16 =	vand.u32 $0x280, v16;
	v14 =	vld.idx.msk [tilespmem:v14+s15+$0x0], $0xffff  }
0x234: {  	v16 =	vor.u32 v17, v16  }
0x235: {  	v16 =	vor.u32 v10, v16  }
0x236: {  	s3 =	simm.s32 $0x2  }
0x237: {  	v17 =	vmov s3  }
0x238: {  	[tilespmem:v18+s20+$0x0] =	vst.idx.msk $0xffff, v14;
	v14 =	vshll.u32 v17, $0x9;
	v17 =	vshll.u32 v17, $0x7  }
0x239: {  	v14 =	vand.u32 $0x7000, v14;
	v17 =	vand.u32 $0x300, v17  }
0x23a: {  	v18 =	vor.u32 s12, v9;
	v16 =	vld.idx.msk [tilespmem:v16+s15+$0x0], $0xffff;
	v14 =	vor.u32 v14, v17  }
0x23b: {  	v14 =	vor.u32 v10, v14  }
0x23c: {  	s1 =	simm.s32 $0x3;
	v12 =	vshll.u32 v12, $0xE  }
0x23d: {  	s26 =	ssub.s32 s30, s0;
	v11 =	vsub.s32 v11, v12;
	v12 =	vmov s1  }
0x23e: {  	v19 =	vshll.u32 v12, $0x9;
	v12 =	vshll.u32 v12, $0x7;
	v17 =	vmov s26  }
0x23f: {  	vm1 =	vgt.s32 v17, v1;
	v17 =	vand.u32 $0x380, v12;
	[tilespmem:v18+s20+$0x0] =	vst.idx.msk $0xffff, v16;
	v16 =	vand.u32 $0x7000, v19  }
0x240: {  	v12 =	vor.u32 v15, v13;
	v15 =	vor.u32 s3, v9;
	v16 =	vor.u32 v16, v17;
	v13 =	vld.idx.msk [tilespmem:v14+s15+$0x0], $0xffff  }
0x241: {  	v14 =	vor.u32 v12, v16;
	_ =	sdelay $0x1  }
0x242: {  	s0 =	simm.s32 $0x4  }
0x243: {  	s3 =	simm.s32 $0x8;
	v11 =	vsel vm1, v11, v3;
	v16 =	vmov s0  }
.LBB2_32:
0x244: {  	p1 =	slt.u32 s3, $0x3C;
	v17 =	vshll.u32 v16, $0x9;
	v16 =	vshll.u32 v16, $0x7;
	[tilespmem:v15+s20+$0x0] =	vst.idx.msk $0xffff, v13  }
0x245: {  	v13 =	vand.u32 $0x7000, v17;
	v15 =	vand.u32 $0x200, v16;
	v14 =	vld.idx.msk [tilespmem:v14+s15+$0x0], $0xffff  }
0x246: {  	v13 =	vor.u32 v13, v15;
	v15 =	vor.u32 s1, v9  }
0x247: {  	v13 =	vor.u32 v10, v13;
	_ =	sdelay $0x1  }
0x248: {  	s1 =	sadd.s32 $0x1, s0  }
0x249: {  	v16 =	vmov s1  }
0x24a: {  	v17 =	vshll.u32 v16, $0x9;
	v16 =	vshll.u32 v16, $0x7;
	[tilespmem:v15+s20+$0x0] =	vst.idx.msk $0xffff, v14  }
0x24b: {  	v14 =	vand.u32 $0x7000, v17;
	v15 =	vand.u32 $0x280, v16;
	v13 =	vld.idx.msk [tilespmem:v13+s15+$0x0], $0xffff  }
0x24c: {  	v16 =	vor.u32 s0, v9;
	v14 =	vor.u32 v14, v15  }
0x24d: {  	v14 =	vor.u32 v10, v14;
	_ =	sdelay $0x1  }
0x24e: {  	s12 =	sadd.s32 $0x2, s0  }
0x24f: {  	v15 =	vmov s12  }
0x250: {  	[tilespmem:v16+s20+$0x0] =	vst.idx.msk $0xffff, v13;
	v13 =	vshll.u32 v15, $0x9;
	v15 =	vshll.u32 v15, $0x7  }
0x251: {  	v14 =	vld.idx.msk [tilespmem:v14+s15+$0x0], $0xffff;
	v13 =	vand.u32 $0x7000, v13;
	v15 =	vand.u32 $0x300, v15  }
0x252: {  	v16 =	vor.u32 s1, v9;
	v13 =	vor.u32 v13, v15  }
0x253: {  	v13 =	vor.u32 v10, v13;
	_ =	sdelay $0x1  }
0x254: {  	s1 =	sadd.s32 $0x3, s0;
	s0 =	smov.u32 s3  }
0x255: {  	v15 =	vmov s1  }
0x256: {  	[tilespmem:v16+s20+$0x0] =	vst.idx.msk $0xffff, v14;
	v14 =	vshll.u32 v15, $0x9;
	v15 =	vshll.u32 v15, $0x7  }
0x257: {  	v13 =	vld.idx.msk [tilespmem:v13+s15+$0x0], $0xffff;
	v14 =	vand.u32 $0x7000, v14;
	v16 =	vand.u32 $0x380, v15  }
.Ltmp26:
0x258: {  	v15 =	vor.u32 s12, v9;
	v14 =	vor.u32 v14, v16;
	(pc) =	sbr.rel @p1 .LBB2_32-.Ltmp26, $2  }
0x259: {  	v14 =	vor.u32 v12, v14;
	_ =	sdelay $0x2  }
0x25a: {  	s3 =	sadd.s32 $0x4, s3;
	v16 =	vmov s0  }
.Ltmp27:
0x25b: {  	_ = 	snop;
	(pc) =	sbr.rel .LBB2_33-.Ltmp27, $1  }
0x25c: {  	_ =	sdelay $0x3  }
.LBB2_38:
0x25d: {  	_ =	sfence.sel $0x180000  }
0x25e: {  	[bflag:$0x0] =	sbarrier.arrive $0xFFFF  }
0x25f: {  	_ =	strace $0x90000047  }
0x260: {  	s0 =	stileid.u32;
	[bflag:$0x2] =	sbarrier.arrive $0xFFFF  }
0x261: {  	p0 =	sne.s32 s0, $0x0;
	s0 =	rddreg [dreg:$0x3]  }
0x262: {  	s0 =	sadd.s32 @!p0 $0x100000, s0  }
0x263: {  	[sflag:s0] =	ssyncadd.tile.s32 @!p0 $0x1;
	_ =	shalt  }
.Lfunc_end2:
_tile_overlayer_lowered:
.L_overlay_start_2:
0x264: {  	(tag) =	ssettag $0x2  }
0x265: {  	s0 =	rddreg [dreg:$0x0];
	s2 =	stileid.u32  }
0x266: {  	s1 =	rddreg [dreg:$0x1];
	p0 =	sne.s32 s2, $0x0  }
0x267: {  	s3 =	rddreg [dreg:$0x2];
	[bflag:$0x3] =	sbarrier.arrive $0xFFFF;
	s2 =	simm.s32 @!p0 $0x1C05  }
0x268: {  	[timem:s3], [sflag:s2] =	dma.local @!p0 [hbm:s0], s1  }
0x269: {  	s0 =	simm.s32 @!p0 $0x5  }
0x26a: {  	_ =	swait.ge @!p0 [sflag:s0], s1  }
0x26b: {  	s1 =	ssub.s32 @!p0 $0x0, s1;
	[sflag:s0] =	ssyncset.done @!p0 $0x0  }
0x26c: {  	[sflag:s0] =	ssyncadd.s32 @!p0 s1  }
0x26d: {  	[bflag:$0x3] =	sbarrier.arrive $0xFFFF  }
0x26e: {  	_ =	shalt  }

// kernel: kernel.7.cloned.1.call-start
scs
__scs_entry_jumppad:
0x0: {  	(pc) =	sbr.rel $0x88, $3  }
0x1: {  	(tag) =	ssettag $0x0;
	lr =	simm.s32 $0x1  }
0x2: {  	[smem:$0x3F9E] =	sst lr;
	_ =	strace $0xD0000000  }
0x3: {  	_ = 	snop  }
0x4: {  	_ = 	snop  }
0x5: {  	_ = 	snop  }
0x6: {  	_ = 	snop  }
0x7: {  	_ = 	snop  }
__scs_overlays_trampoline_lowered:
0x8: {  	[smem:$0x3FAD] =	sst s0  }
0x9: {  	[smem:$0x3FAE] =	sst s1  }
0xa: {  	[smem:$0x3FAF] =	sst s2  }
0xb: {  	[smem:$0x3FB0] =	sst s3  }
0xc: {  	[smem:$0x3FB1] =	sst s4  }
0xd: {  	[smem:$0x3FB2] =	sst s5  }
0xe: {  	[smem:$0x3FB3] =	sst s6  }
0xf: {  	[smem:$0x3FB4] =	sst s7  }
0x10: {  	[smem:$0x3FB5] =	sst s8  }
0x11: {  	[smem:$0x3FB6] =	sst s9;
	s0 =	simm.s32 @!p0 $0x0  }
0x12: {  	s1 =	sld [smem:$0x3F9C];
	s0 =	simm.s32 @p0 $0x1  }
0x13: {  	[smem:$0x3FB7] =	sst s0;
	s0 =	simm.s32 @!p1 $0x0  }
0x14: {  	s2 =	sld [smem:$0x3F9B];
	s0 =	simm.s32 @p1 $0x1  }
0x15: {  	[smem:$0x3FB8] =	sst s0;
	s0 =	simm.s32 @!p2 $0x0  }
0x16: {  	s3 =	sld [smem:$0x3FDB];
	s0 =	simm.s32 @p2 $0x1  }
0x17: {  	s4 =	simm.s32 $0x1BF5;
	[smem:$0x3FBA] =	sst s0  }
0x18: {  	s0 =	sld [smem:$0x3F9D];
	_ =	swait.ge [sflag:s4], $0x0  }
0x19: {  	s7 =	sld [smem:$0x3F9E]  }
0x1a: {  	s8 =	sadd.s32 $0xFFFFE003, lr  }
0x1b: {  	s9 =	sadd.s32 $0xFFFFFEF7, lr;
	s5 =	simm.s32 $0xFFFFFFFF;
	p2 =	slt.u32 s8, $0xFFFFF086  }
0x1c: {  	p1 =	slt.u32 s9, $0xF7A;
	s5 =	simm.s32 @!p2 $0x0  }
0x1d: {  	s5 =	simm.s32 @p1 $0x1;
	p0 =	seq.s32 s7, s2  }
0x1e: {  	s7 =	smul.u32 @!p0 $0xF7A, s2;
	p2 =	seq.s32 @!p0 s5, $0x0  }
0x1f: {  	s9 =	smul.u32 $0xF7A, s1;
	s8 =	simm.s32 @!p0 $0x1BF5;
	p2 =	por !p2, p0  }
0x20: {  	[sflag:s8] =	ssyncset.s32 @!p0 $0xFFFFF086;
	s6 =	sadd.s32 @!p0 s3, s7;
	s7 =	simm.s32 @!p0 $0x108  }
0x21: {  	s3 =	sadd.s32 s3, s9;
	s6 =	sadd.s32 @!p0 $0x88, s6;
	s7 =	simm.s32 @p2 $0x1082  }
0x22: {  	[simem:s7], [sflag:s8] =	dma.local @!p0 [hbm:s6], $0xF7A  }
0x23: {  	s9 =	sor.u32 $0xD0000000, s2;
	s6 =	simm.s32 $0x108;
	_ =	swait.ge @!p0 [sflag:s8], $0x0  }
0x24: {  	s3 =	sadd.s32 $0x88, s3;
	s6 =	simm.s32 @!p1 $0x1082;
	[sflag:s4] =	ssyncset.s32 $0xFFFFF086  }
0x25: {  	[simem:s6], [sflag:s4] =	dma.local [hbm:s3], $0xF7A  }
0x26: {  	[smem:$0x3F9E] =	sst s1;
	(tag) =	ssettag s2;
	_ =	strace s9  }
0x27: {  	s1 =	sld [smem:$0x3FAE]  }
0x28: {  	s2 =	sld [smem:$0x3FAF]  }
0x29: {  	s4 =	sld [smem:$0x3FB1]  }
0x2a: {  	p0 =	seq.s32 s5, $0x0;
	s5 =	sld [smem:$0x3FB2]  }
0x2b: {  	s6 =	sld [smem:$0x3FB3]  }
0x2c: {  	s7 =	sld [smem:$0x3FB4]  }
0x2d: {  	s3 =	simm.s32 $0x108;
	s8 =	sld [smem:$0x3FB5]  }
0x2e: {  	s3 =	simm.s32 @!p0 $0x1082;
	s9 =	sld [smem:$0x3FB6]  }
0x2f: {  	lr =	sadd.s32 s0, s3;
	s0 =	sld [smem:$0x3FAD]  }
0x30: {  	s3 =	sld [smem:$0x3FB0]  }
0x31: {  	[smem:$0x3FB9] =	sst s10  }
0x32: {  	s10 =	sld [smem:$0x3FB7];
	_ =	sdelay $0x3  }
0x33: {  	p0 =	seq.s32 s10, $0x1;
	s10 =	sld [smem:$0x3FB9];
	_ =	sdelay $0x3  }
0x34: {  	[smem:$0x3FB9] =	sst s10  }
0x35: {  	s10 =	sld [smem:$0x3FB8];
	_ =	sdelay $0x3  }
0x36: {  	p1 =	seq.s32 s10, $0x1;
	s10 =	sld [smem:$0x3FB9];
	_ =	sdelay $0x3  }
0x37: {  	[smem:$0x3FB9] =	sst s10  }
0x38: {  	s10 =	sld [smem:$0x3FBA]  }
0x39: {  	_ = 	snop;
	(pc) =	sbr.ind lr, $3  }
0x3a: {  	_ = 	snop  }
0x3b: {  	_ = 	snop  }
0x3c: {  	p2 =	seq.s32 s10, $0x1;
	s10 =	sld [smem:$0x3FB9]  }
0x3d: {  	_ =	shalt  }
0x3e: {  	_ =	shalt  }
0x3f: {  	_ =	shalt  }
0x40: {  	_ =	shalt  }
0x41: {  	_ =	shalt  }
0x42: {  	_ =	shalt  }
0x43: {  	_ =	shalt  }
0x44: {  	_ =	shalt  }
0x45: {  	_ =	shalt  }
0x46: {  	_ =	shalt  }
0x47: {  	_ =	shalt  }
0x48: {  	_ =	shalt  }
0x49: {  	_ =	shalt  }
0x4a: {  	_ =	shalt  }
0x4b: {  	_ =	shalt  }
0x4c: {  	_ =	shalt  }
0x4d: {  	_ =	shalt  }
0x4e: {  	_ =	shalt  }
0x4f: {  	_ =	shalt  }
0x50: {  	_ =	shalt  }
0x51: {  	_ =	shalt  }
0x52: {  	_ =	shalt  }
0x53: {  	_ =	shalt  }
0x54: {  	_ =	shalt  }
0x55: {  	_ =	shalt  }
0x56: {  	_ =	shalt  }
0x57: {  	_ =	shalt  }
0x58: {  	_ =	shalt  }
0x59: {  	_ =	shalt  }
0x5a: {  	_ =	shalt  }
0x5b: {  	_ =	shalt  }
0x5c: {  	_ =	shalt  }
0x5d: {  	_ =	shalt  }
0x5e: {  	_ =	shalt  }
0x5f: {  	_ =	shalt  }
0x60: {  	_ =	shalt  }
0x61: {  	_ =	shalt  }
0x62: {  	_ =	shalt  }
0x63: {  	_ =	shalt  }
0x64: {  	_ =	shalt  }
0x65: {  	_ =	shalt  }
0x66: {  	_ =	shalt  }
0x67: {  	_ =	shalt  }
0x68: {  	_ =	shalt  }
0x69: {  	_ =	shalt  }
0x6a: {  	_ =	shalt  }
0x6b: {  	_ =	shalt  }
0x6c: {  	_ =	shalt  }
0x6d: {  	_ =	shalt  }
0x6e: {  	_ =	shalt  }
0x6f: {  	_ =	shalt  }
0x70: {  	_ =	shalt  }
0x71: {  	_ =	shalt  }
0x72: {  	_ =	shalt  }
0x73: {  	_ =	shalt  }
0x74: {  	_ =	shalt  }
0x75: {  	_ =	shalt  }
0x76: {  	_ =	shalt  }
0x77: {  	_ =	shalt  }
0x78: {  	_ =	shalt  }
0x79: {  	_ =	shalt  }
0x7a: {  	_ =	shalt  }
0x7b: {  	_ =	shalt  }
0x7c: {  	_ =	shalt  }
0x7d: {  	_ =	shalt  }
0x7e: {  	_ =	shalt  }
0x7f: {  	_ =	shalt  }
0x80: {  	_ =	shalt  }
0x81: {  	_ =	shalt  }
0x82: {  	_ =	shalt  }
0x83: {  	_ =	shalt  }
0x84: {  	_ =	shalt  }
0x85: {  	_ =	shalt  }
0x86: {  	_ =	shalt  }
0x87: {  	_ =	shalt  }
.Lfunc_end0:
.L_simem_size_0:
called_computation.1_lowered:
.L_overlay_start_0:
0x88: {  	s2 =	sld [smem:$0x3FD9]  }
0x89: {  	s3 =	sld [smem:$0x3FFE];
	_ =	sdelay $0x1  }
0x8a: {  	s1 =	srdreg.scid  }
0x8b: {  	s0 =	sand.u32 $0x1, s1  }
0x8c: {  	s17 =	sshll.u32 s0, $0xA;
	s2 =	sadd.s32 s3, s2  }
0x8d: {  	s2 =	sadd.s32 s2, s17  }
0x8e: {  	[smem:$0x3FC5] =	sst s2  }
0x8f: {  	_ = 	snop  }
0x90: {  	s2 =	sld [smem:$0x3FC7];
	(tm) =	ssettm $0x1  }
0x91: {  	s18 =	sld [smem:$0x3FFB];
	_ =	sdelay $0x3  }
0x92: {  	_ =	strace s18  }
0x93: {  	s3 =	sld [smem:$0x3FFC];
	_ =	sdelay $0x3  }
0x94: {  	_ =	strace s3  }
0x95: {  	s3 =	sld [smem:$0x3FFD];
	_ =	sdelay $0x3  }
0x96: {  	_ =	strace s3  }
0x97: {  	_ =	strace $0x8FFFFFFF  }
0x98: {  	s19 =	sld [smem:$0x3FDB];
	_ =	sdelay $0x1  }
0x99: {  	s4 =	simm.s32 $_scs_section_size  }
0x9a: {  	s5 =	simm.s32 $_size__tile_overlayer_lowered;
	s6 =	simm.s32 $_tile_overlayer_lowered  }
0x9b: {  	s22 =	simm.s32 $0x1BFF;
	s21 =	sshll.u32 s6, $0x1;
	s3 =	sadd.s32 s4, s19  }
0x9c: {  	s7 =	simm.s32 $0x0;
	s20 =	sshll.u32 s5, $0x1;
	s5 =	sadd.s32 s21, s3  }
0x9d: {  	[timem:s7], [sflag:s22] =	dma.local [hbm:s5], s20  }
0x9e: {  	_ =	swait.ge [sflag:s22], s20  }
0x9f: {  	s4 =	ssub.s32 $0x0, s20;
	[sflag:s22] =	ssyncset.done $0x0  }
0xa0: {  	[sflag:s22] =	ssyncadd.s32 s4;
	_ =	sdelay $0x1  }
0xa1: {  	s23 =	simm.s32 $0x1B8B  }
0xa2: {  	_ =	swait.ge [sflag:s23], $0x1  }
0xa3: {  	[sflag:s23] =	ssyncset.done $0x0  }
0xa4: {  	s25 =	simm.s32 $0x1B8E;
	s24 =	sld [smem:$0x3FFE];
	[sflag:s23] =	ssyncadd.s32 $0xFFFFFFFF  }
0xa5: {  	s26 =	simm.s32 $execute0_lowered;
	[smem:$0x3FD2] =	sst s25  }
0xa6: {  	s5 =	sshll.u32 s26, $0x1;
	_ =	strace $0x80000049;
	[dreg:$0x1] =	wrdreg $0xFFFFFFFF  }
0xa7: {  	s28 =	simm.s32 $_size_execute0_lowered;
	s3 =	sadd.s32 s3, s5;
	[dreg:$0x0] =	wrdreg $0x0  }
0xa8: {  	s5 =	sshll.u32 s28, $0x1;
	[dreg:$0x2] =	wrdreg s3  }
0xa9: {  	[dreg:$0x3] =	wrdreg s5  }
0xaa: {  	[dreg:$0x4] =	wrdreg $0xC0  }
0xab: {  	_ =	task [dreg:s7], $0x5FFFF  }
0xac: {  	[dreg:$0x1] =	wrdreg $0xFFFFFFFF  }
0xad: {  	[dreg:$0x0] =	wrdreg $0x60  }
0xae: {  	[dreg:$0x2] =	wrdreg s24  }
0xaf: {  	[dreg:$0x3] =	wrdreg s2  }
0xb0: {  	[dreg:$0x4] =	wrdreg $0x9  }
0xb1: {  	_ =	task.clear_ibuf [dreg:s7], $0x5FFFF;
	_ =	strace $0x90000049  }
0xb2: {  	s29 =	simm.s32 $0x9;
	_ =	strace $0x8000004B  }
0xb3: {  	_ =	swait.ge [sflag:s29], $0x1  }
0xb4: {  	[sflag:s29] =	ssyncadd.s32 $0xFFFFFFFF  }
0xb5: {  	_ =	strace $0x9000004B  }
0xb6: {  	_ =	sfence  }
0xb7: {  	s30 =	sld [smem:$0x0];
	_ =	sdelay $0x2  }
0xb8: {  	s31 =	sshll.u32 s1, $0xD;
	s1 =	sshrl.u32 s1, $0x2  }
0xb9: {  	s3 =	sand.u32 $0x4000, s31;
	s1 =	sadd.s32 s1, s30  }
0xba: {  	s0 =	sor.u32 s3, s0;
	s1 =	sshll.u32 s1, $0x11  }
0xbb: {  	s0 =	sor.u32 s1, s0  }
0xbc: {  	s0 =	sadd.s32 $0x8F2B, s0  }
0xbd: {  	[sflag:s0] =	ssyncadd.remote.s32 $0x1  }
0xbe: {  	_ =	sfence.sel $0xFFFF  }
0xbf: {  	[dreg:$0x0] =	wrdreg $0xFFFFFFFF;
	(pc) =	sbr.abs _section_cstart, $3  }
0xc0: {  	[dreg:$0x1] =	wrdreg $0xFFFFFFFF  }
0xc1: {  	_ =	task.clear_ibuf [dreg:s7], $0x2FFFF;
	_ =	strace $0x9FFFFFFF  }
0xc2: {  	(tm) =	ssettm $0x7FFFFFFF  }
0xc3: {  	_ =	shalt  }
tec
execute0_lowered:
.L_overlay_start_1:
0x0: {  	(tag) =	ssettag $0x1  }
0x1: {  	s3 =	rddreg [dreg:$0x0]  }
0x2: {  	s5 =	rddreg [dreg:$0x1];
	s2 =	simm.s32 $0x0;
	s4 =	srdreg.scid  }
0x3: {  	s0 =	stileid.u32;
	s12 =	simm.s32 $0x3;
	s13 =	simm.s32 $0x1  }
0x4: {  	s14 =	simm.s32 $0x800;
	s15 =	simm.s32 $0x20000;
	s16 =	simm.s32 $0x18000  }
0x5: {  	s17 =	simm.s32 $0x4;
	s18 =	simm.s32 $0x2;
	s19 =	simm.s32 $0x0  }
0x6: {  	[smem:$0x7FF] =	sst s2;
	s4 =	sand.u32 $0x1, s4;
	s6 =	sshll.u32 s0, $0xA  }
0x7: {  	s8 =	sadd.s32 $0xC00, s3;
	s7 =	sshll.u32 s4, $0x9;
	s4 =	ssub.s32 $0x2, s4  }
0x8: {  	s28 =	sadd.s32 $0x42C00, s3;
	s6 =	sor.u32 s7, s6;
	s29 =	sshrl.u32 s4, $0x1  }
0x9: {  	_ =	strace $0x8000004A;
	s9 =	sor.u32 $0x100, s6;
	s10 =	ssub.s32 s4, s29  }
0xa: {  	s30 =	sshll.u32 s6, $0x4;
	s11 =	sand.u32 $0xE00, s6;
	s6 =	sadd.s32 s28, s6  }
0xb: {  	s31 =	sshll.u32 s9, $0x4;
	s3 =	sadd.s32 s8, s30;
	s5 =	sadd.s32 s5, s11  }
0xc: {  	v0 =	vlaneseq.u32;
	s7 =	sadd.s32 s28, s9;
	s9 =	simm.s32 $0x8000;
	s11 =	simm.s32 $0x10000  }
0xd: {  	v0 =	vmul.u32 $0x80, v0;
	s4 =	sadd.s32 s8, s31;
	s8 =	smax.u32 s10, $0x1;
	s10 =	simm.s32 $0x1000  }
.LBB2_1:
0xe: {  	[tilespmem:s2], [sflag:$0x1] =	stream.linear.gather [hbm4b:s3+s2], $0x8000, $0x38;
	[tilespmem:$0x1C000] =	vst v63  }
0xf: {  	_ = 	snop  }
0x10: {  	[tilespmem:s9], [sflag:$0x2] =	stream.linear.gather [hbm4b:s4+s2], $0x8000, $0x38;
	[tilespmem:$0x1C000] =	vst v63  }
0x11: {  	_ = 	snop  }
0x12: {  	[tilespmem:s11], [sflag:$0x3] =	stream.strided.gather [hbm4b:s5+s10], $0x8000, s9, s10, $0x38;
	[tilespmem:$0x1C000] =	vst v63  }
0x13: {  	_ =	swait.ge [sflag:s12], $0x8000  }
0x14: {  	[sflag:s12] =	ssyncset.done $0x0  }
0x15: {  	[sflag:s12] =	ssyncadd.s32 $0xFFFF8000  }
0x16: {  	_ =	swait.ge [sflag:s13], $0x8000  }
0x17: {  	[sflag:s13] =	ssyncset.done $0x0  }
0x18: {  	s20 =	simm.s32 $0x0;
	[sflag:s13] =	ssyncadd.s32 $0xFFFF8000  }
.LBB2_2:
0x19: {  	s21 =	simm.s32 $0x0  }
0x1a: {  	s22 =	sshll.u32 s20, $0x4;
	v1 =	vmov s21  }
0x1b: {  	v2 =	vmov s22;
	v1 =	vand.u32 $0x7C, v1  }
0x1c: {  	s26 =	sand.u32 $0x70, s22;
	v2 =	vshll.u32 v2, $0x7;
	v3 =	vbroadcast v1, $0x0  }
0x1d: {  	s28 =	sshll.u32 s20, $0x7;
	v2 =	vor.u32 v0, v2;
	v1 =	vmov s26  }
0x1e: {  	s23 =	simm.s32 $0x0;
	s22 =	sand.u32 $0x400, s28;
	v3 =	vor.u32 v2, v3  }
0x1f: {  	s24 =	simm.s32 $0x0;
	s23 =	sand.u32 $0x3FFFF000, s23;
	s21 =	sor.u32 $0x10000, s22  }
0x20: {  	s24 =	sand.u32 $0x200, s24;
	s25 =	sadd.s32 s23, s21  }
0x21: {  	s26 =	simm.s32 $0x1;
	s23 =	sadd.s32 s24, s25  }
0x22: {  	v5 =	vmov s26;
	v4 =	vld.idx.msk [tilespmem:v1+s23+$0x0 ss:$0x1], $0xffff  }
0x23: {  	v5 =	vand.u32 $0x7D, v5;
	v3 =	vld.idx.msk [tilespmem:v3+s2+$0x0], $0xffff  }
0x24: {  	v5 =	vbroadcast v5, $0x0;
	_ =	sdelay $0x1  }
0x25: {  	s30 =	simm.s32 $0x0;
	v5 =	vor.u32 v2, v5  }
0x26: {  	s22 =	sor.u32 $0x18000, s22;
	s23 =	sand.u32 $0x3FFFF800, s30  }
0x27: {  	s28 =	sadd.s32 s23, s22;
	v3 =	vadd.f32 v4, v3  }
0x28: {  	s31 =	simm.s32 $0x80;
	s24 =	sadd.s32 s24, s28  }
0x29: {  	s0 =	simm.s32 $0x2;
	s23 =	sand.u32 $0x280, s31;
	[tilespmem:v1+s24+$0x0 ss:$0x1] =	vst.idx.msk $0xffff, v3  }
0x2a: {  	s1 =	sadd.s32 s23, s25;
	v4 =	vmov s0;
	v3 =	vld.idx.msk [tilespmem:v5+s2+$0x0], $0xffff  }
0x2b: {  	v4 =	vand.u32 $0x7E, v4;
	v5 =	vld.idx.msk [tilespmem:v1+s1+$0x0 ss:$0x1], $0xffff  }
0x2c: {  	v4 =	vbroadcast v4, $0x0;
	_ =	sdelay $0x1  }
0x2d: {  	v4 =	vor.u32 v2, v4;
	_ =	sdelay $0x1  }
0x2e: {  	v3 =	vadd.f32 v5, v3  }
0x2f: {  	s26 =	simm.s32 $0x100;
	s23 =	sadd.s32 s23, s28  }
0x30: {  	s30 =	sand.u32 $0x300, s26;
	s31 =	simm.s32 $0x3;
	[tilespmem:v1+s23+$0x0 ss:$0x1] =	vst.idx.msk $0xffff, v3  }
0x31: {  	s24 =	sadd.s32 s30, s25;
	v3 =	vld.idx.msk [tilespmem:v4+s2+$0x0], $0xffff;
	v4 =	vmov s31  }
0x32: {  	v5 =	vld.idx.msk [tilespmem:v1+s24+$0x0 ss:$0x1], $0xffff;
	v4 =	vand.u32 $0x7F, v4  }
0x33: {  	v4 =	vbroadcast v4, $0x0;
	_ =	sdelay $0x1  }
0x34: {  	v4 =	vor.u32 v2, v4;
	_ =	sdelay $0x1  }
0x35: {  	v3 =	vadd.f32 v5, v3  }
0x36: {  	s26 =	sadd.s32 s30, s28;
	s24 =	simm.s32 $0x180  }
0x37: {  	s29 =	sand.u32 $0x380, s24;
	[tilespmem:v1+s26+$0x0 ss:$0x1] =	vst.idx.msk $0xffff, v3  }
0x38: {  	s23 =	simm.s32 $0x4;
	s25 =	sadd.s32 s29, s25;
	v3 =	vld.idx.msk [tilespmem:v4+s2+$0x0], $0xffff  }
0x39: {  	v5 =	vmov s23;
	v4 =	vld.idx.msk [tilespmem:v1+s25+$0x0 ss:$0x1], $0xffff  }
0x3a: {  	v5 =	vand.u32 $0x7C, v5  }
0x3b: {  	s29 =	sadd.s32 s29, s28;
	s26 =	simm.s32 $0x8;
	v5 =	vbroadcast v5, $0x0  }
.LBB2_3:
0x3c: {  	s30 =	sshll.u32 s23, $0x9  }
0x3d: {  	v5 =	vor.u32 v2, v5;
	s24 =	sadd.s32 $0x200, s24;
	s28 =	smov.u32 s26;
	s25 =	sadd.s32 $0x4, s26  }
0x3e: {  	p0 =	slt.u32 s26, $0x3C;
	v3 =	vadd.f32 v4, v3;
	s26 =	sadd.s32 $0xFFFFFE80, s24;
	s30 =	sand.u32 $0x3FFFF000, s30  }
0x3f: {  	s31 =	sand.u32 $0x200, s26;
	s26 =	sadd.s32 s30, s21  }
0x40: {  	s30 =	sadd.s32 s31, s26;
	[tilespmem:v1+s29+$0x0 ss:$0x1] =	vst.idx.msk $0xffff, v3  }
0x41: {  	s29 =	sadd.s32 $0x1, s23;
	v3 =	vld.idx.msk [tilespmem:v1+s30+$0x0 ss:$0x1], $0xffff  }
0x42: {  	v4 =	vld.idx.msk [tilespmem:v5+s2+$0x0], $0xffff;
	v5 =	vmov s29  }
0x43: {  	v5 =	vand.u32 $0x7D, v5  }
0x44: {  	v5 =	vbroadcast v5, $0x0;
	_ =	sdelay $0x1  }
0x45: {  	s29 =	sshll.u32 s23, $0x8;
	v5 =	vor.u32 v2, v5  }
0x46: {  	s29 =	sand.u32 $0x3FFFF800, s29  }
0x47: {  	s30 =	sadd.s32 $0xFFFFFF00, s24;
	s29 =	sadd.s32 s29, s22;
	v3 =	vadd.f32 v3, v4  }
0x48: {  	s30 =	sand.u32 $0x280, s30;
	s31 =	sadd.s32 s31, s29  }
0x49: {  	[tilespmem:v1+s31+$0x0 ss:$0x1] =	vst.idx.msk $0xffff, v3;
	s31 =	sadd.s32 s30, s26;
	s30 =	sadd.s32 s30, s29  }
0x4a: {  	s0 =	sadd.s32 $0x2, s23;
	v3 =	vld.idx.msk [tilespmem:v5+s2+$0x0], $0xffff  }
0x4b: {  	v5 =	vmov s0;
	v4 =	vld.idx.msk [tilespmem:v1+s31+$0x0 ss:$0x1], $0xffff  }
0x4c: {  	v5 =	vand.u32 $0x7E, v5  }
0x4d: {  	v5 =	vbroadcast v5, $0x0;
	_ =	sdelay $0x1  }
0x4e: {  	v5 =	vor.u32 v2, v5;
	_ =	sdelay $0x1  }
0x4f: {  	s0 =	sadd.s32 $0xFFFFFF80, s24;
	v3 =	vadd.f32 v4, v3  }
0x50: {  	s0 =	sand.u32 $0x300, s0  }
0x51: {  	[tilespmem:v1+s30+$0x0 ss:$0x1] =	vst.idx.msk $0xffff, v3;
	s30 =	sadd.s32 s0, s26  }
0x52: {  	s31 =	sadd.s32 $0x3, s23;
	s23 =	smov.u32 s28;
	v3 =	vld.idx.msk [tilespmem:v5+s2+$0x0], $0xffff  }
0x53: {  	v5 =	vmov s31;
	v4 =	vld.idx.msk [tilespmem:v1+s30+$0x0 ss:$0x1], $0xffff  }
0x54: {  	v5 =	vand.u32 $0x7F, v5  }
0x55: {  	v5 =	vbroadcast v5, $0x0;
	_ =	sdelay $0x1  }
0x56: {  	v5 =	vor.u32 v2, v5  }
0x57: {  	s0 =	sadd.s32 s0, s29  }
0x58: {  	v3 =	vadd.f32 v4, v3  }
0x59: {  	s28 =	sand.u32 $0x380, s24  }
0x5a: {  	[tilespmem:v1+s0+$0x0 ss:$0x1] =	vst.idx.msk $0xffff, v3;
	s0 =	sadd.s32 s28, s26  }
0x5b: {  	v3 =	vld.idx.msk [tilespmem:v5+s2+$0x0], $0xffff  }
.Ltmp0:
0x5c: {  	v4 =	vld.idx.msk [tilespmem:v1+s0+$0x0 ss:$0x1], $0xffff;
	(pc) =	sbr.rel @p0 .LBB2_3-.Ltmp0, $4  }
0x5d: {  	v5 =	vmov s23  }
0x5e: {  	v5 =	vand.u32 $0x7C, v5  }
0x5f: {  	v5 =	vbroadcast v5, $0x0  }
0x60: {  	s29 =	sadd.s32 s28, s29;
	s26 =	smov.u32 s25  }
0x61: {  	_ = 	snop  }
0x62: {  	v5 =	vor.u32 v2, v5;
	s0 =	sshll.u32 s23, $0x9;
	s24 =	sadd.s32 $0x200, s24  }
0x63: {  	v3 =	vadd.f32 v4, v3;
	s25 =	sadd.s32 $0xFFFFFE80, s24;
	s0 =	sand.u32 $0x3FFFF000, s0  }
0x64: {  	s25 =	sand.u32 $0x200, s25;
	s0 =	sadd.s32 s0, s21  }
0x65: {  	s26 =	sadd.s32 $0x1, s23;
	[tilespmem:v1+s29+$0x0 ss:$0x1] =	vst.idx.msk $0xffff, v3;
	s21 =	sadd.s32 s25, s0  }
0x66: {  	v59 =	vmov s26;
	v3 =	vld.idx.msk [tilespmem:v1+s21+$0x0 ss:$0x1], $0xffff  }
0x67: {  	v4 =	vand.u32 $0x7D, v59;
	v5 =	vld.idx.msk [tilespmem:v5+s2+$0x0], $0xffff  }
0x68: {  	v4 =	vbroadcast v4, $0x0;
	_ =	sdelay $0x1  }
0x69: {  	s28 =	sshll.u32 s23, $0x8;
	v4 =	vor.u32 v2, v4  }
0x6a: {  	s21 =	sand.u32 $0x3FFFF800, s28  }
0x6b: {  	s21 =	sadd.s32 s21, s22;
	v3 =	vadd.f32 v3, v5  }
0x6c: {  	s29 =	sadd.s32 $0xFFFFFF00, s24;
	s25 =	sadd.s32 s25, s21  }
0x6d: {  	s30 =	sadd.s32 $0x2, s23;
	s22 =	sand.u32 $0x280, s29;
	[tilespmem:v1+s25+$0x0 ss:$0x1] =	vst.idx.msk $0xffff, v3  }
0x6e: {  	v60 =	vmov s30;
	s31 =	sadd.s32 s22, s0;
	v3 =	vld.idx.msk [tilespmem:v4+s2+$0x0], $0xffff  }
0x6f: {  	v61 =	vld.idx.msk [tilespmem:v1+s31+$0x0 ss:$0x1], $0xffff;
	v4 =	vand.u32 $0x7E, v60  }
0x70: {  	v4 =	vbroadcast v4, $0x0;
	_ =	sdelay $0x1  }
0x71: {  	v4 =	vor.u32 v2, v4;
	_ =	sdelay $0x1  }
0x72: {  	v3 =	vadd.f32 v61, v3  }
0x73: {  	s1 =	sadd.s32 $0xFFFFFF80, s24;
	s22 =	sadd.s32 s22, s21  }
0x74: {  	s26 =	sadd.s32 $0x3, s23;
	s25 =	sand.u32 $0x300, s1;
	[tilespmem:v1+s22+$0x0 ss:$0x1] =	vst.idx.msk $0xffff, v3  }
0x75: {  	v62 =	vmov s26;
	s28 =	sadd.s32 s25, s0;
	v3 =	vld.idx.msk [tilespmem:v4+s2+$0x0], $0xffff  }
0x76: {  	v63 =	vld.idx.msk [tilespmem:v1+s28+$0x0 ss:$0x1], $0xffff;
	v4 =	vand.u32 $0x7F, v62  }
0x77: {  	v4 =	vbroadcast v4, $0x0;
	_ =	sdelay $0x1  }
0x78: {  	v2 =	vor.u32 v2, v4;
	_ =	sdelay $0x1  }
0x79: {  	v3 =	vadd.f32 v63, v3  }
0x7a: {  	s29 =	sadd.s32 s25, s21  }
0x7b: {  	s30 =	sand.u32 $0x380, s24;
	[tilespmem:v1+s29+$0x0 ss:$0x1] =	vst.idx.msk $0xffff, v3  }
0x7c: {  	s0 =	sadd.s32 s30, s0;
	v2 =	vld.idx.msk [tilespmem:v2+s2+$0x0], $0xffff  }
0x7d: {  	v3 =	vld.idx.msk [tilespmem:v1+s0+$0x0 ss:$0x1], $0xffff  }
0x7e: {  	s20 =	sadd.s32 $0x1, s20  }
0x7f: {  	p0 =	sne.s32 s20, $0x10  }
.Ltmp1:
0x80: {  	_ = 	snop;
	(pc) =	sbr.rel @p0 .LBB2_2-.Ltmp1, $4  }
0x81: {  	_ = 	snop  }
0x82: {  	v2 =	vadd.f32 v3, v2  }
0x83: {  	s31 =	sadd.s32 s30, s21  }
0x84: {  	[tilespmem:v1+s31+$0x0 ss:$0x1] =	vst.idx.msk $0xffff, v2  }
0x85: {  	[hbm4b:s6+s14] =	stream.strided.scatter [tilespmem:s16], [sflag:$0x4], $0x4000, s15, s14, $0x38;
	[tilespmem:$0x1C000] =	vst v63  }
0x86: {  	_ =	swait.ge [sflag:s17], $0x4000  }
0x87: {  	[sflag:s17] =	ssyncset.done $0x0  }
0x88: {  	[sflag:s17] =	ssyncadd.s32 $0xFFFFC000  }
0x89: {  	_ =	swait.ge [sflag:s18], $0x8000  }
0x8a: {  	[sflag:s18] =	ssyncset.done $0x0  }
0x8b: {  	s20 =	simm.s32 $0x0;
	s21 =	simm.s32 $0x0;
	[sflag:s18] =	ssyncadd.s32 $0xFFFF8000  }
.LBB2_6:
0x8c: {  	s0 =	sshll.u32 s21, $0x4;
	v1 =	vmov s20  }
0x8d: {  	v2 =	vmov s0;
	v1 =	vand.u32 $0x7C, v1  }
0x8e: {  	s22 =	sshll.u32 s21, $0x7;
	s0 =	sand.u32 $0x70, s0;
	v2 =	vshll.u32 v2, $0x7;
	v3 =	vbroadcast v1, $0x0  }
0x8f: {  	s25 =	simm.s32 $0x0;
	s23 =	sand.u32 $0x400, s22;
	v1 =	vmov s0;
	v2 =	vor.u32 v0, v2  }
0x90: {  	s22 =	sor.u32 $0x10000, s23;
	s0 =	sand.u32 $0x3FFFF000, s25;
	v3 =	vor.u32 v2, v3  }
0x91: {  	s24 =	simm.s32 $0x0;
	s0 =	sadd.s32 s0, s22  }
0x92: {  	s24 =	sand.u32 $0x200, s24;
	s0 =	sadd.s32 $0x800, s0  }
0x93: {  	s26 =	simm.s32 $0x1;
	s25 =	sadd.s32 s24, s0  }
0x94: {  	v5 =	vmov s26;
	v4 =	vld.idx.msk [tilespmem:v1+s25+$0x0 ss:$0x1], $0xffff  }
0x95: {  	v5 =	vand.u32 $0x7D, v5;
	v3 =	vld.idx.msk [tilespmem:v3+s9+$0x0], $0xffff  }
0x96: {  	v5 =	vbroadcast v5, $0x0;
	_ =	sdelay $0x1  }
0x97: {  	s26 =	simm.s32 $0x0;
	v5 =	vor.u32 v2, v5  }
0x98: {  	s23 =	sor.u32 $0x18000, s23;
	s25 =	sand.u32 $0x3FFFF800, s26  }
0x99: {  	s26 =	sadd.s32 s25, s23;
	v3 =	vadd.f32 v4, v3  }
0x9a: {  	s31 =	simm.s32 $0x80;
	s24 =	sadd.s32 s24, s26  }
0x9b: {  	s1 =	simm.s32 $0x2;
	s25 =	sand.u32 $0x280, s31;
	[tilespmem:v1+s24+$0x0 ss:$0x1] =	vst.idx.msk $0xffff, v3  }
0x9c: {  	s28 =	sadd.s32 s25, s0;
	v4 =	vmov s1;
	v3 =	vld.idx.msk [tilespmem:v5+s9+$0x0], $0xffff  }
0x9d: {  	v4 =	vand.u32 $0x7E, v4;
	v5 =	vld.idx.msk [tilespmem:v1+s28+$0x0 ss:$0x1], $0xffff  }
0x9e: {  	v4 =	vbroadcast v4, $0x0;
	_ =	sdelay $0x1  }
0x9f: {  	v4 =	vor.u32 v2, v4;
	_ =	sdelay $0x1  }
0xa0: {  	v3 =	vadd.f32 v5, v3  }
0xa1: {  	s31 =	sadd.s32 s25, s26;
	s1 =	simm.s32 $0x100  }
0xa2: {  	s28 =	sand.u32 $0x300, s1;
	[tilespmem:v1+s31+$0x0 ss:$0x1] =	vst.idx.msk $0xffff, v3;
	s31 =	simm.s32 $0x3  }
0xa3: {  	s25 =	sadd.s32 s28, s0;
	v3 =	vld.idx.msk [tilespmem:v4+s9+$0x0], $0xffff;
	v4 =	vmov s31  }
0xa4: {  	v5 =	vld.idx.msk [tilespmem:v1+s25+$0x0 ss:$0x1], $0xffff;
	v4 =	vand.u32 $0x7F, v4  }
0xa5: {  	v4 =	vbroadcast v4, $0x0;
	_ =	sdelay $0x1  }
0xa6: {  	v4 =	vor.u32 v2, v4;
	_ =	sdelay $0x1  }
0xa7: {  	v3 =	vadd.f32 v5, v3  }
0xa8: {  	s28 =	sadd.s32 s28, s26;
	s25 =	simm.s32 $0x180  }
0xa9: {  	s29 =	sand.u32 $0x380, s25;
	[tilespmem:v1+s28+$0x0 ss:$0x1] =	vst.idx.msk $0xffff, v3  }
0xaa: {  	s24 =	simm.s32 $0x4;
	s0 =	sadd.s32 s29, s0;
	v3 =	vld.idx.msk [tilespmem:v4+s9+$0x0], $0xffff  }
0xab: {  	v5 =	vmov s24;
	v4 =	vld.idx.msk [tilespmem:v1+s0+$0x0 ss:$0x1], $0xffff  }
0xac: {  	v5 =	vand.u32 $0x7C, v5  }
0xad: {  	s30 =	simm.s32 $0x800;
	s29 =	sadd.s32 s29, s26;
	s28 =	simm.s32 $0x8;
	v5 =	vbroadcast v5, $0x0  }
.LBB2_7:
0xae: {  	s0 =	sand.u32 $0x3FFFF000, s30  }
0xaf: {  	v5 =	vor.u32 v2, v5;
	s25 =	sadd.s32 $0x200, s25;
	s30 =	smov.u32 s28;
	s26 =	sadd.s32 $0x4, s28  }
0xb0: {  	p0 =	slt.u32 s28, $0x3C;
	v3 =	vadd.f32 v4, v3;
	s28 =	sadd.s32 $0xFFFFFE80, s25;
	s0 =	sadd.s32 s0, s22  }
0xb1: {  	s31 =	sand.u32 $0x200, s28;
	s28 =	sadd.s32 $0x800, s0  }
0xb2: {  	s0 =	sadd.s32 s31, s28;
	[tilespmem:v1+s29+$0x0 ss:$0x1] =	vst.idx.msk $0xffff, v3  }
0xb3: {  	v3 =	vld.idx.msk [tilespmem:v1+s0+$0x0 ss:$0x1], $0xffff;
	s0 =	sadd.s32 $0x1, s24  }
0xb4: {  	v4 =	vld.idx.msk [tilespmem:v5+s9+$0x0], $0xffff;
	v5 =	vmov s0  }
0xb5: {  	v5 =	vand.u32 $0x7D, v5  }
0xb6: {  	v5 =	vbroadcast v5, $0x0;
	_ =	sdelay $0x1  }
0xb7: {  	s0 =	sshll.u32 s24, $0x8;
	v5 =	vor.u32 v2, v5  }
0xb8: {  	s0 =	sand.u32 $0x3FFFF800, s0  }
0xb9: {  	s29 =	sadd.s32 s0, s23;
	s0 =	sadd.s32 $0xFFFFFF00, s25;
	v3 =	vadd.f32 v3, v4  }
0xba: {  	s31 =	sadd.s32 s31, s29;
	s0 =	sand.u32 $0x280, s0  }
0xbb: {  	[tilespmem:v1+s31+$0x0 ss:$0x1] =	vst.idx.msk $0xffff, v3;
	s31 =	sadd.s32 s0, s28  }
0xbc: {  	s1 =	sadd.s32 $0x2, s24;
	v3 =	vld.idx.msk [tilespmem:v5+s9+$0x0], $0xffff  }
0xbd: {  	v5 =	vmov s1;
	v4 =	vld.idx.msk [tilespmem:v1+s31+$0x0 ss:$0x1], $0xffff  }
0xbe: {  	v5 =	vand.u32 $0x7E, v5  }
0xbf: {  	v5 =	vbroadcast v5, $0x0;
	_ =	sdelay $0x1  }
0xc0: {  	v5 =	vor.u32 v2, v5;
	_ =	sdelay $0x1  }
0xc1: {  	s0 =	sadd.s32 s0, s29;
	s1 =	sadd.s32 $0xFFFFFF80, s25;
	v3 =	vadd.f32 v4, v3  }
0xc2: {  	s1 =	sand.u32 $0x300, s1  }
0xc3: {  	[tilespmem:v1+s0+$0x0 ss:$0x1] =	vst.idx.msk $0xffff, v3;
	s0 =	sadd.s32 s1, s28  }
0xc4: {  	s31 =	sadd.s32 $0x3, s24;
	s24 =	smov.u32 s30;
	v3 =	vld.idx.msk [tilespmem:v5+s9+$0x0], $0xffff  }
0xc5: {  	v5 =	vmov s31;
	v4 =	vld.idx.msk [tilespmem:v1+s0+$0x0 ss:$0x1], $0xffff  }
0xc6: {  	v5 =	vand.u32 $0x7F, v5  }
0xc7: {  	v5 =	vbroadcast v5, $0x0;
	_ =	sdelay $0x1  }
0xc8: {  	v5 =	vor.u32 v2, v5  }
0xc9: {  	s0 =	sadd.s32 s1, s29  }
0xca: {  	v3 =	vadd.f32 v4, v3  }
0xcb: {  	s1 =	sand.u32 $0x380, s25  }
0xcc: {  	[tilespmem:v1+s0+$0x0 ss:$0x1] =	vst.idx.msk $0xffff, v3;
	s0 =	sadd.s32 s1, s28  }
0xcd: {  	v3 =	vld.idx.msk [tilespmem:v5+s9+$0x0], $0xffff  }
.Ltmp2:
0xce: {  	v4 =	vld.idx.msk [tilespmem:v1+s0+$0x0 ss:$0x1], $0xffff;
	(pc) =	sbr.rel @p0 .LBB2_7-.Ltmp2, $4  }
0xcf: {  	v5 =	vmov s24  }
0xd0: {  	v5 =	vand.u32 $0x7C, v5  }
0xd1: {  	v5 =	vbroadcast v5, $0x0  }
0xd2: {  	s30 =	sshll.u32 s24, $0x9;
	s29 =	sadd.s32 s1, s29;
	s28 =	smov.u32 s26  }
0xd3: {  	_ = 	snop  }
0xd4: {  	v5 =	vor.u32 v2, v5;
	s0 =	sand.u32 $0x3FFFF000, s30;
	s1 =	sadd.s32 $0x200, s25  }
0xd5: {  	v3 =	vadd.f32 v4, v3;
	s25 =	sadd.s32 $0xFFFFFE80, s1;
	s0 =	sadd.s32 s0, s22  }
0xd6: {  	s31 =	sand.u32 $0x200, s25;
	s0 =	sadd.s32 $0x800, s0  }
0xd7: {  	s26 =	sadd.s32 $0x1, s24;
	[tilespmem:v1+s29+$0x0 ss:$0x1] =	vst.idx.msk $0xffff, v3;
	s25 =	sadd.s32 s31, s0  }
0xd8: {  	v59 =	vmov s26;
	v3 =	vld.idx.msk [tilespmem:v1+s25+$0x0 ss:$0x1], $0xffff  }
0xd9: {  	v4 =	vand.u32 $0x7D, v59;
	v5 =	vld.idx.msk [tilespmem:v5+s9+$0x0], $0xffff  }
0xda: {  	v4 =	vbroadcast v4, $0x0;
	_ =	sdelay $0x1  }
0xdb: {  	s26 =	sshll.u32 s24, $0x8;
	v4 =	vor.u32 v2, v4  }
0xdc: {  	s25 =	sand.u32 $0x3FFFF800, s26  }
0xdd: {  	s23 =	sadd.s32 s25, s23;
	v3 =	vadd.f32 v3, v5  }
0xde: {  	s28 =	sadd.s32 $0xFFFFFF00, s1;
	s22 =	sadd.s32 s31, s23  }
0xdf: {  	s29 =	sadd.s32 $0x2, s24;
	s25 =	sand.u32 $0x280, s28;
	[tilespmem:v1+s22+$0x0 ss:$0x1] =	vst.idx.msk $0xffff, v3  }
0xe0: {  	v60 =	vmov s29;
	s30 =	sadd.s32 s25, s0;
	v3 =	vld.idx.msk [tilespmem:v4+s9+$0x0], $0xffff  }
0xe1: {  	v61 =	vld.idx.msk [tilespmem:v1+s30+$0x0 ss:$0x1], $0xffff;
	v4 =	vand.u32 $0x7E, v60  }
0xe2: {  	v4 =	vbroadcast v4, $0x0;
	_ =	sdelay $0x1  }
0xe3: {  	v4 =	vor.u32 v2, v4;
	_ =	sdelay $0x1  }
0xe4: {  	v3 =	vadd.f32 v61, v3  }
0xe5: {  	s26 =	sadd.s32 $0xFFFFFF80, s1;
	s31 =	sadd.s32 s25, s23  }
0xe6: {  	s28 =	sadd.s32 $0x3, s24;
	s25 =	sand.u32 $0x300, s26;
	[tilespmem:v1+s31+$0x0 ss:$0x1] =	vst.idx.msk $0xffff, v3  }
0xe7: {  	v62 =	vmov s28;
	s29 =	sadd.s32 s25, s0;
	v3 =	vld.idx.msk [tilespmem:v4+s9+$0x0], $0xffff  }
0xe8: {  	v63 =	vld.idx.msk [tilespmem:v1+s29+$0x0 ss:$0x1], $0xffff;
	v4 =	vand.u32 $0x7F, v62  }
0xe9: {  	v4 =	vbroadcast v4, $0x0;
	_ =	sdelay $0x1  }
0xea: {  	v2 =	vor.u32 v2, v4;
	_ =	sdelay $0x1  }
0xeb: {  	v3 =	vadd.f32 v63, v3  }
0xec: {  	s30 =	sadd.s32 s25, s23  }
0xed: {  	s1 =	sand.u32 $0x380, s1;
	[tilespmem:v1+s30+$0x0 ss:$0x1] =	vst.idx.msk $0xffff, v3  }
0xee: {  	s0 =	sadd.s32 s1, s0;
	v2 =	vld.idx.msk [tilespmem:v2+s9+$0x0], $0xffff  }
0xef: {  	v3 =	vld.idx.msk [tilespmem:v1+s0+$0x0 ss:$0x1], $0xffff  }
0xf0: {  	s21 =	sadd.s32 $0x1, s21  }
0xf1: {  	p0 =	sne.s32 s21, $0x10  }
.Ltmp3:
0xf2: {  	_ = 	snop;
	(pc) =	sbr.rel @p0 .LBB2_6-.Ltmp3, $4  }
0xf3: {  	_ = 	snop  }
0xf4: {  	v2 =	vadd.f32 v3, v2  }
0xf5: {  	s31 =	sadd.s32 s1, s23  }
0xf6: {  	[tilespmem:v1+s31+$0x0 ss:$0x1] =	vst.idx.msk $0xffff, v2  }
0xf7: {  	s19 =	sadd.s32 $0x1, s19  }
0xf8: {  	p0 =	sne.s32 s19, s8  }
.Ltmp4:
0xf9: {  	_ = 	snop;
	(pc) =	sbr.rel @p0 .LBB2_1-.Ltmp4, $4  }
0xfa: {  	[hbm4b:s7+s14] =	stream.strided.scatter [tilespmem:s16], [sflag:$0x4], $0x4000, s15, s14, $0x38;
	[tilespmem:$0x1C000] =	vst v63  }
0xfb: {  	_ =	swait.ge [sflag:s17], $0x4000  }
0xfc: {  	[sflag:s17] =	ssyncset.done $0x0  }
0xfd: {  	[sflag:s17] =	ssyncadd.s32 $0xFFFFC000  }
0xfe: {  	_ =	sfence.sel $0x180000  }
0xff: {  	[bflag:$0x0] =	sbarrier.arrive $0xFFFF  }
0x100: {  	_ =	strace $0x9000004A  }
0x101: {  	s0 =	stileid.u32;
	[bflag:$0x2] =	sbarrier.arrive $0xFFFF  }
0x102: {  	p0 =	sne.s32 s0, $0x0;
	s0 =	rddreg [dreg:$0x2]  }
0x103: {  	s0 =	sadd.s32 @!p0 $0x100000, s0  }
0x104: {  	[sflag:s0] =	ssyncadd.tile.s32 @!p0 $0x1;
	_ =	shalt  }
.Lfunc_end2:
_tile_overlayer_lowered:
.L_overlay_start_2:
0x105: {  	(tag) =	ssettag $0x2  }
0x106: {  	s0 =	rddreg [dreg:$0x0];
	s2 =	stileid.u32  }
0x107: {  	s1 =	rddreg [dreg:$0x1];
	p0 =	sne.s32 s2, $0x0  }
0x108: {  	s3 =	rddreg [dreg:$0x2];
	[bflag:$0x3] =	sbarrier.arrive $0xFFFF;
	s2 =	simm.s32 @!p0 $0x1C04  }
0x109: {  	[timem:s3], [sflag:s2] =	dma.local @!p0 [hbm:s0], s1  }
0x10a: {  	s0 =	simm.s32 @!p0 $0x4  }
0x10b: {  	_ =	swait.ge @!p0 [sflag:s0], s1  }
0x10c: {  	s1 =	ssub.s32 @!p0 $0x0, s1;
	[sflag:s0] =	ssyncset.done @!p0 $0x0  }
0x10d: {  	[sflag:s0] =	ssyncadd.s32 @!p0 s1  }
0x10e: {  	[bflag:$0x3] =	sbarrier.arrive $0xFFFF  }
0x10f: {  	_ =	shalt  }

</sc_bundles>
